<compile_context>
chip_gen: v7x
topology: tpu7x:2x2x1
jax: 0.10.2.dev20260603
libtpu: 0.0.44.dev20260713+nightly
codegen_flags: <defaults>
</compile_context>

<pallas_src>
import functools

import jax
import jax.numpy as jnp
from jax import lax
from jax.experimental import pallas as pl
from jax.experimental.pallas import tpu as pltpu
from jax.experimental.pallas import tpu_sc as plsc

N = 100000
S = 10000
E = 320000
D = 128

NSUB = 16
CHUNK = 10240
NPASS = 5
RPW = CHUNK // NSUB
NDUMP = 16

SN_PAD = 10240
SN_PW = SN_PAD // NSUB
E_PW = E // NSUB
EBLK = 2000
NBLK = E_PW // EBLK

B = 96
KCAP_A = ((SN_PW + B - 1) // B) * B
KCAP_B = ((EBLK + B - 1) // B) * B
NPAD = 2 * NPASS * CHUNK

_SENTINEL = 2 ** 30


def _fill2d(buf, nrows, val_v, lane):
    shift = (buf.shape[1] - 1).bit_length()
    assert buf.shape[1] == 1 << shift

    def body(i, _):
        f = i * 16 + lane
        plsc.store_scatter(buf, [f >> shift, f & (buf.shape[1] - 1)], val_v)
        return 0

    lax.fori_loop(0, nrows * buf.shape[1] // 16, body, 0)


def _bounce(src_at, dst_at, buf, nrows):
    nb = buf.shape[0]
    for t in range(0, nrows - nrows % nb, nb):
        pltpu.sync_copy(src_at(t, nb), buf)
        pltpu.sync_copy(buf, dst_at(t, nb))
    rem = nrows % nb
    if rem:
        t = nrows - rem
        pltpu.sync_copy(src_at(t, rem), buf.at[pl.ds(0, rem)])
        pltpu.sync_copy(buf.at[pl.ds(0, rem)], dst_at(t, rem))


def _bounce_pipe(src_at, dst_at, bufs, sems, nrows):
    nb = bufs[0].shape[0]
    hops = [(t, min(nb, nrows - t)) for t in range(0, nrows, nb)]
    for i, (t, n) in enumerate(hops):
        buf, sem = bufs[i % 2], sems[i % 2]
        pltpu.sync_copy(src_at(t, n), buf.at[pl.ds(0, n)])
        if i >= 1:
            tp, np_ = hops[i - 1]
            pltpu.make_async_copy(
                bufs[(i - 1) % 2].at[pl.ds(0, np_)], dst_at(tp, np_),
                sems[(i - 1) % 2]).wait()
        pltpu.async_copy(buf.at[pl.ds(0, n)], dst_at(t, n), sem)
    t, n = hops[-1]
    pltpu.make_async_copy(
        bufs[(len(hops) - 1) % 2].at[pl.ds(0, n)], dst_at(t, n),
        sems[(len(hops) - 1) % 2]).wait()


def _pad_tail(kf, relf, m, cap, safe_v, dump_v, lane):
    for j in range(8):
        idx = m + j * 16 + lane
        msk = idx < cap
        plsc.store_scatter(kf, [idx], safe_v, mask=msk)
        plsc.store_scatter(relf, [idx], dump_v, mask=msk)


def _compact(src_ids, dst_ids, kf, relf, nvec, lo, chunk):

    def body(i, cnt):
        dv = dst_ids(i)
        relv = dv - lo
        mask = (relv >= 0) & (relv < chunk)
        mi = jnp.where(mask, 1, 0).astype(jnp.int32)
        pc = plsc.cumsum(mi)
        offs = cnt + pc - 1
        sv = src_ids(i)
        plsc.store_scatter(relf, [offs], relv, mask=mask)
        plsc.store_scatter(kf, [offs], sv, mask=mask)
        return cnt + jnp.sum(mi)

    return lax.fori_loop(0, nvec, body, jnp.int32(0))


def _sweep_a(x, proj1, sidx_pad):
    mesh = plsc.VectorSubcoreMesh(core_axis_name="c", subcore_axis_name="s")

    @functools.partial(
        pl.kernel,
        out_type=jax.ShapeDtypeStruct((N, D), jnp.float32),
        mesh=mesh,
        compiler_params=pltpu.CompilerParams(needs_layout_passes=False),
        scratch_types=[
            pltpu.VMEM_SHARED((CHUNK + NDUMP, D), jnp.float32),
            pltpu.VMEM((SN_PW,), jnp.int32),
            pltpu.VMEM((KCAP_A,), jnp.int32),
            pltpu.VMEM((KCAP_A,), jnp.int32),
            pltpu.VMEM((256, D), jnp.float32),
            pltpu.SemaphoreType.DMA,
            pltpu.SemaphoreType.DMA,
        ],
    )
    def k(x_hbm, p1_hbm, sidx_hbm, out_hbm, sh_chunk, sids, kf, relf, row_buf,
          semA, semB):
        c = lax.axis_index("c")
        s = lax.axis_index("s")
        lane = lax.iota(jnp.int32, 16)
        pltpu.sync_copy(sidx_hbm.at[pl.ds(s * SN_PW, SN_PW)], sids)
        safe_v = s * 16 + lane
        dump_v = jnp.full((16,), CHUNK, jnp.int32) + s

        def pass_body(p, _):
            lo = (c * NPASS + p) * CHUNK
            g0 = lo + s * RPW
            cg = jnp.minimum(g0, N - RPW)
            cl = cg - lo
            _bounce(lambda t, n: x_hbm.at[pl.ds(cg + t, n)],
                    lambda t, n: sh_chunk.at[pl.ds(cl + t, n)], row_buf, RPW)
            plsc.subcore_barrier()

            m = _compact(
                lambda i: s * SN_PW + i * 16 + lane,
                lambda i: sids[pl.ds(i * 16, 16)],
                kf, relf, SN_PW // 16, lo, CHUNK)
            _pad_tail(kf, relf, m, KCAP_A, safe_v, dump_v, lane)

            nb = (m + B - 1) // B
            rbA = row_buf.at[pl.ds(0, B)]
            rbB = row_buf.at[pl.ds(B, B)]

            def gather_src(b):
                return p1_hbm.at[kf.at[pl.ds(b * B, B)]]

            def drain(b, buf, sem, nxt_buf, nxt_sem):
                pltpu.make_async_copy(gather_src(b), buf, sem).wait()

                @pl.when(b + 1 < nb)
                def _():
                    pltpu.async_copy(gather_src(b + 1), nxt_buf, nxt_sem)

                pltpu.sync_copy(buf, sh_chunk.at[relf.at[pl.ds(b * B, B)]],
                                add=True)

            @pl.when(nb > 0)
            def _():
                pltpu.async_copy(gather_src(0), rbA, semA)

            def bat(b, _):
                @pl.when(b % 2 == 0)
                def _():
                    drain(b, rbA, semA, rbB, semB)

                @pl.when(b % 2 == 1)
                def _():
                    drain(b, rbB, semB, rbA, semA)

                return 0

            lax.fori_loop(0, nb, bat, 0)
            plsc.subcore_barrier()
            _bounce(lambda t, n: sh_chunk.at[pl.ds(cl + t, n)],
                    lambda t, n: out_hbm.at[pl.ds(cg + t, n)], row_buf, RPW)
            plsc.subcore_barrier()
            return 0

        lax.fori_loop(0, NPASS, pass_body, 0)

    return k(x, proj1, sidx_pad)


def _sweep_b(x_mid, e0, e1):
    mesh = plsc.VectorSubcoreMesh(core_axis_name="c", subcore_axis_name="s")

    @functools.partial(
        pl.kernel,
        out_type=(
            jax.ShapeDtypeStruct((N, D), jnp.float32),
            jax.ShapeDtypeStruct((NSUB * NPAD,), jnp.float32),
        ),
        mesh=mesh,
        compiler_params=pltpu.CompilerParams(needs_layout_passes=False),
        scratch_types=[
            pltpu.VMEM_SHARED((CHUNK + NDUMP, D), jnp.float32),
            pltpu.VMEM((EBLK,), jnp.int32),
            pltpu.VMEM((EBLK,), jnp.int32),
            pltpu.VMEM((KCAP_B,), jnp.int32),
            pltpu.VMEM((KCAP_B,), jnp.int32),
            pltpu.VMEM((B, D), jnp.float32),
            pltpu.VMEM((B, D), jnp.float32),
            pltpu.VMEM((CHUNK,), jnp.float32),
            pltpu.SemaphoreType.DMA,
            pltpu.SemaphoreType.DMA,
        ],
    )
    def k(xm_hbm, e0_hbm, e1_hbm, agg_hbm, deg_hbm,
          sh_chunk, e0s, e1s, kf, relf, row_buf, row_buf2, degloc,
          semA, semB):
        c = lax.axis_index("c")
        s = lax.axis_index("s")
        lane = lax.iota(jnp.int32, 16)
        zerof = jnp.zeros((16,), jnp.float32)
        safe_v = s * 16 + lane
        dump_v = jnp.full((16,), CHUNK, jnp.int32) + s

        def pass_body(p, _):
            lo = (c * NPASS + p) * CHUNK
            g0 = lo + s * RPW
            cg = jnp.minimum(g0, N - RPW)
            cl = cg - lo
            _fill2d(row_buf, B, zerof, lane)
            for t in range(RPW // B):
                pltpu.sync_copy(row_buf, sh_chunk.at[pl.ds(s * RPW + t * B, B)])
            rem = RPW % B
            if rem:
                pltpu.sync_copy(row_buf.at[pl.ds(0, rem)],
                                sh_chunk.at[pl.ds(s * RPW + (RPW // B) * B, rem)])

            def dz(i, _):
                degloc[pl.ds(i * 16, 16)] = zerof
                return 0

            lax.fori_loop(0, CHUNK // 16, dz, 0)
            plsc.subcore_barrier()

            def blk_body(blk, _):
                base = s * E_PW + blk * EBLK
                pltpu.sync_copy(e0_hbm.at[pl.ds(base, EBLK)], e0s)
                pltpu.sync_copy(e1_hbm.at[pl.ds(base, EBLK)], e1s)

                def comp(i, cnt):
                    dv = e0s[pl.ds(i * 16, 16)]
                    relv = dv - lo
                    mask = (relv >= 0) & (relv < CHUNK)
                    mi = jnp.where(mask, 1, 0).astype(jnp.int32)
                    pc = plsc.cumsum(mi)
                    offs = cnt + pc - 1
                    sv = e1s[pl.ds(i * 16, 16)]
                    plsc.store_scatter(relf, [offs], relv, mask=mask)
                    plsc.store_scatter(kf, [offs], sv, mask=mask)
                    dcnt, lastm = plsc.scan_count(relv, mask=mask)
                    plsc.addupdate_scatter(
                        degloc, [relv], dcnt.astype(jnp.float32), mask=lastm)
                    return cnt + jnp.sum(mi)

                m = lax.fori_loop(0, EBLK // 16, comp, jnp.int32(0))
                _pad_tail(kf, relf, m, KCAP_B, safe_v, dump_v, lane)

                nb = (m + B - 1) // B

                def gather_src(b):
                    return xm_hbm.at[kf.at[pl.ds(b * B, B)]]

                def drain(b, buf, sem, nxt_buf, nxt_sem):
                    pltpu.make_async_copy(gather_src(b), buf, sem).wait()

                    @pl.when(b + 1 < nb)
                    def _():
                        pltpu.async_copy(gather_src(b + 1), nxt_buf, nxt_sem)

                    pltpu.sync_copy(buf, sh_chunk.at[relf.at[pl.ds(b * B, B)]],
                                    add=True)

                @pl.when(nb > 0)
                def _():
                    pltpu.async_copy(gather_src(0), row_buf, semA)

                def bat(b, _):
                    @pl.when(b % 2 == 0)
                    def _():
                        drain(b, row_buf, semA, row_buf2, semB)

                    @pl.when(b % 2 == 1)
                    def _():
                        drain(b, row_buf2, semB, row_buf, semA)

                    return 0

                lax.fori_loop(0, nb, bat, 0)
                return 0

            lax.fori_loop(0, NBLK, blk_body, 0)
            plsc.subcore_barrier()
            _bounce_pipe(lambda t, n: sh_chunk.at[pl.ds(cl + t, n)],
                         lambda t, n: agg_hbm.at[pl.ds(cg + t, n)],
                         (row_buf, row_buf2), (semA, semB), RPW)
            pltpu.sync_copy(degloc, deg_hbm.at[pl.ds(s * NPAD + lo, CHUNK)])
            plsc.subcore_barrier()
            return 0

        lax.fori_loop(0, NPASS, pass_body, 0)

    return k(x_mid, e0, e1)


def _proj_tc(ns_x, W1, b1):
    def body(ns_ref, w_ref, b_ref, o_ref):
        o_ref[...] = lax.dot_general(
            ns_ref[...], w_ref[...], (((1,), (1,)), ((), ())),
            preferred_element_type=jnp.float32) + b_ref[...]

    blk = 1000
    return pl.pallas_call(
        body,
        grid=(S // blk,),
        in_specs=[
            pl.BlockSpec((blk, D), lambda i: (i, 0)),
            pl.BlockSpec((D, D), lambda i: (0, 0)),
            pl.BlockSpec((1, D), lambda i: (0, 0)),
        ],
        out_specs=pl.BlockSpec((blk, D), lambda i: (i, 0)),
        out_shape=jax.ShapeDtypeStruct((S, D), jnp.float32),
    )(ns_x, W1, b1.reshape(1, D))


def _final_tc(x_mid, agg, deg16, W2, b2):

    def body(xm_ref, agg_ref, deg_ref, w_ref, b_ref, o_ref):
        acc = lax.dot_general(
            agg_ref[...], w_ref[...], (((1,), (1,)), ((), ())),
            preferred_element_type=jnp.float32)
        ones16 = jnp.ones((NSUB, 1), jnp.float32)
        degcol = lax.dot_general(
            deg_ref[...], ones16, (((0,), (0,)), ((), ())),
            preferred_element_type=jnp.float32)
        o_ref[...] = xm_ref[...] + acc + degcol * b_ref[...]

    blk = 2048
    return pl.pallas_call(
        body,
        grid=((N + blk - 1) // blk,),
        in_specs=[
            pl.BlockSpec((blk, D), lambda i: (i, 0)),
            pl.BlockSpec((blk, D), lambda i: (i, 0)),
            pl.BlockSpec((NSUB, blk), lambda i: (0, i)),
            pl.BlockSpec((D, D), lambda i: (0, 0)),
            pl.BlockSpec((1, D), lambda i: (0, 0)),
        ],
        out_specs=pl.BlockSpec((blk, D), lambda i: (i, 0)),
        out_shape=jax.ShapeDtypeStruct((N, D), jnp.float32),
    )(x_mid, agg, deg16, W2, b2.reshape(1, D))


def kernel(x, new_supernode_x, supernode_edge_index, supernode_idx,
           graph_batch, W1, b1, W2, b2):
    del graph_batch
    sidx = supernode_idx.astype(jnp.int32)
    e0 = supernode_edge_index[0].astype(jnp.int32)
    e1 = supernode_edge_index[1].astype(jnp.int32)

    sidx_pad = jnp.concatenate(
        [sidx, jnp.full((SN_PAD - S,), _SENTINEL, jnp.int32)])
    proj1 = _proj_tc(new_supernode_x, W1, b1)
    x_mid = _sweep_a(x, proj1, sidx_pad)
    agg, deg_flat = _sweep_b(x_mid, e0, e1)
    deg16 = deg_flat.reshape(NSUB, NPAD)
    return _final_tc(x_mid, agg, deg16, W2, b2)

# --- scband reference (transcript-rebuilt; emitter-appended) ---
"""Pipeline reference for scband-supernode-to-bg-graph-propagator-60765197304219 (READ-ONLY COPY).

The authoritative reference and input builder live on the scoring server;
editing this copy changes nothing except your own understanding.
"""

import jax, jax.numpy as jnp
import numpy as np

N_NODES = 100000
N_SUPER = 10000
N_EDGES = 320000
EMB = 128

def setup_inputs(seed: int = 0) -> dict:
    key = jax.random.key(seed)
    ks = jax.random.split(key, 10)
    x = jax.random.normal(ks[0], (N_NODES, EMB), dtype=jnp.float32)
    new_supernode_x = jax.random.normal(ks[1], (N_SUPER, EMB), dtype=jnp.float32)
    supernode_edge_index = jax.random.randint(ks[2], (2, N_EDGES), 0, N_NODES, dtype=jnp.int64 if jax.config.read('jax_enable_x64') else jnp.int32)
    supernode_idx = jax.random.randint(ks[3], (N_SUPER,), 0, N_NODES, dtype=jnp.int64 if jax.config.read('jax_enable_x64') else jnp.int32)
    graph_batch = jax.random.randint(ks[4], (N_NODES,), 0, 16, dtype=jnp.int64 if jax.config.read('jax_enable_x64') else jnp.int32)
    # Linear layer params (PyTorch convention: W [out, in], y = x @ W.T + b)
    bound = 1.0 / np.sqrt(EMB)
    W1 = jax.random.uniform(ks[5], (EMB, EMB), minval=-bound, maxval=bound, dtype=jnp.float32)
    b1 = jax.random.uniform(ks[6], (EMB,), minval=-bound, maxval=bound, dtype=jnp.float32)
    W2 = jax.random.uniform(ks[7], (EMB, EMB), minval=-bound, maxval=bound, dtype=jnp.float32)
    b2 = jax.random.uniform(ks[8], (EMB,), minval=-bound, maxval=bound, dtype=jnp.float32)
    return {"x": x, "new_supernode_x": new_supernode_x, "supernode_edge_index": supernode_edge_index,
            "supernode_idx": supernode_idx, "graph_batch": graph_batch,
            "W1": W1, "b1": b1, "W2": W2, "b2": b2}

def reference(x, new_supernode_x, supernode_edge_index, supernode_idx, graph_batch, W1, b1, W2, b2):
    # x[supernode_idx] += proj_sn_attr(new_supernode_x)
    proj1 = new_supernode_x @ W1.T + b1
    x = x.at[supernode_idx].add(proj1)
    # x[edge_index[0]] += proj_sn_attr_2(x[edge_index[1]])  (uses the updated x)
    gathered = jnp.take(x, supernode_edge_index[1], axis=0)
    proj2 = gathered @ W2.T + b2
    x = x.at[supernode_edge_index[0]].add(proj2)
    return x

if __name__ == "__main__":
    import jax
    _d = setup_inputs()
    print(jax.jit(kernel)(*tuple(_d.values())))

</pallas_src>

<mosaic_0001>
#map = affine_map<(d0, d1) -> (0, 0)>
#map1 = affine_map<(d0, d1) -> (0)>
module attributes {stable_mosaic.version = 14 : i64} {
  func.func @k(%arg0: i32, %arg1: i32, %arg2: memref<100000x128xf32, #tpu.memory_space<hbm>>, %arg3: memref<10000x128xf32, #tpu.memory_space<hbm>>, %arg4: memref<10240xi32, #tpu.memory_space<hbm>>, %arg5: memref<100000x128xf32, #tpu.memory_space<hbm>>, %arg6: memref<10256x128xf32, #tpu.memory_space<vmem_shared>>, %arg7: memref<640xi32, #tpu.memory_space<vmem>>, %arg8: memref<672xi32, #tpu.memory_space<vmem>>, %arg9: memref<672xi32, #tpu.memory_space<vmem>>, %arg10: memref<256x128xf32, #tpu.memory_space<vmem>>, %arg11: memref<!tpu.dma_semaphore, #tpu.memory_space<semaphore_mem>>, %arg12: memref<!tpu.dma_semaphore, #tpu.memory_space<semaphore_mem>>) attributes {dimension_semantics = [#tpu.dimension_semantics<core_parallel>, #tpu.dimension_semantics<subcore_parallel>], iteration_bounds = array<i64: 2, 16>, scalar_prefetch = 0 : i64, scratch_operands = 7 : i64, tpu.core_type = #tpu.core_type<sc_vector_subcore>, window_params = [{transform_indices = #map}, {transform_indices = #map}, {transform_indices = #map1}, {transform_indices = #map}]} {
    %iota3A = tpu.iota {dimensions = array<i32: 0>} : vector<16xi32>
    %mul3A = arith.constant 640 : i32
    %mul3A_0 = arith.muli %arg1, %mul3A : i32
    "tpu.region"() ({
      %run_scoped3A = tpu.sem_alloc : memref<!tpu.dma_semaphore, #tpu.memory_space<semaphore_mem>>
      %dma_start3A = tpu.memref_slice %arg4[%mul3A_0] : memref<10240xi32, #tpu.memory_space<hbm>> -> memref<640xi32, #tpu.memory_space<hbm>>
      %dma_start3A_13 = tpu.memref_slice %arg4[%mul3A_0] : memref<10240xi32, #tpu.memory_space<hbm>> -> memref<640xi32, #tpu.memory_space<hbm>>
      tpu.enqueue_dma source(%dma_start3A_13 : memref<640xi32, #tpu.memory_space<hbm>>) target(%arg7 : memref<640xi32, #tpu.memory_space<vmem>>) target_semaphore(%run_scoped3A : memref<!tpu.dma_semaphore, #tpu.memory_space<semaphore_mem>>)
      %dma_wait3A = tpu.memref_slice %arg4[%mul3A_0] : memref<10240xi32, #tpu.memory_space<hbm>> -> memref<640xi32, #tpu.memory_space<hbm>>
      %dma_wait3A_14 = tpu.memref_slice %arg4[%mul3A_0] : memref<10240xi32, #tpu.memory_space<hbm>> -> memref<640xi32, #tpu.memory_space<hbm>>
      tpu.wait_dma2 semaphore(%run_scoped3A : memref<!tpu.dma_semaphore, #tpu.memory_space<semaphore_mem>>) src(%dma_wait3A_14 : memref<640xi32, #tpu.memory_space<hbm>>) dst(%arg7 : memref<640xi32, #tpu.memory_space<vmem>>)
      tpu.yield
    }) : () -> ()
    %mul3A_1 = arith.constant 16 : i32
    %mul3A_2 = arith.muli %arg1, %mul3A_1 : i32
    %add3A = vector.broadcast %mul3A_2 : i32 to vector<16xi32>
    %add3A_3 = arith.addi %add3A, %iota3A : vector<16xi32>
    %broadcast_in_dim3A = arith.constant 10240 : i32
    %broadcast_in_dim3A_4 = vector.broadcast %broadcast_in_dim3A : i32 to vector<16xi32>
    %add3A_5 = vector.broadcast %arg1 : i32 to vector<16xi32>
    %add3A_6 = arith.addi %broadcast_in_dim3A_4, %add3A_5 : vector<16xi32>
    %scan3A = arith.constant 0 : i32
    %scan3A_7 = arith.constant 0 : i32
    %scan3A_8 = arith.constant 5 : i32
    %scan3A_9 = arith.addi %scan3A_7, %scan3A_8 : i32
    %scan3A_10 = arith.constant 1 : i32
    %scan3A_11 = scf.for %scan3A_13 = %scan3A_7 to %scan3A_9 step %scan3A_10 iter_args(%scan3A_14 = %scan3A) -> (i32)  : i32 {
      %mul3A_15 = arith.constant 5 : i32
      %mul3A_16 = arith.muli %arg0, %mul3A_15 : i32
      %add3A_17 = arith.addi %mul3A_16, %scan3A_13 : i32
      %mul3A_18 = arith.constant 10240 : i32
      %mul3A_19 = arith.muli %add3A_17, %mul3A_18 : i32
      %mul3A_20 = arith.constant 640 : i32
      %mul3A_21 = arith.muli %arg1, %mul3A_20 : i32
      %add3A_22 = arith.addi %mul3A_19, %mul3A_21 : i32
      %min3A = arith.constant 99360 : i32
      %min3A_23 = arith.minsi %add3A_22, %min3A : i32
      %sub3A = arith.subi %min3A_23, %mul3A_19 : i32
      %add3A_24 = arith.constant 0 : i32
      %add3A_25 = arith.addi %min3A_23, %add3A_24 : i32
      "tpu.region"() ({
        %run_scoped3A = tpu.sem_alloc : memref<!tpu.dma_semaphore, #tpu.memory_space<semaphore_mem>>
        %dma_start3A = arith.constant 0 : i32
        %dma_start3A_147 = tpu.memref_slice %arg2[%add3A_25, %dma_start3A] : memref<100000x128xf32, #tpu.memory_space<hbm>> -> memref<256x128xf32, #tpu.memory_space<hbm>>
        %dma_start3A_148 = arith.constant 0 : i32
        %dma_start3A_149 = tpu.memref_slice %arg2[%add3A_25, %dma_start3A_148] : memref<100000x128xf32, #tpu.memory_space<hbm>> -> memref<256x128xf32, #tpu.memory_space<hbm>>
        tpu.enqueue_dma source(%dma_start3A_149 : memref<256x128xf32, #tpu.memory_space<hbm>>) target(%arg10 : memref<256x128xf32, #tpu.memory_space<vmem>>) target_semaphore(%run_scoped3A : memref<!tpu.dma_semaphore, #tpu.memory_space<semaphore_mem>>)
        %dma_wait3A = arith.constant 0 : i32
        %dma_wait3A_150 = tpu.memref_slice %arg2[%add3A_25, %dma_wait3A] : memref<100000x128xf32, #tpu.memory_space<hbm>> -> memref<256x128xf32, #tpu.memory_space<hbm>>
        %dma_wait3A_151 = arith.constant 0 : i32
        %dma_wait3A_152 = tpu.memref_slice %arg2[%add3A_25, %dma_wait3A_151] : memref<100000x128xf32, #tpu.memory_space<hbm>> -> memref<256x128xf32, #tpu.memory_space<hbm>>
        tpu.wait_dma2 semaphore(%run_scoped3A : memref<!tpu.dma_semaphore, #tpu.memory_space<semaphore_mem>>) src(%dma_wait3A_152 : memref<256x128xf32, #tpu.memory_space<hbm>>) dst(%arg10 : memref<256x128xf32, #tpu.memory_space<vmem>>)
        tpu.yield
      }) : () -> ()
      %add3A_26 = arith.constant 0 : i32
      %add3A_27 = arith.addi %sub3A, %add3A_26 : i32
      "tpu.region"() ({
        %run_scoped3A = tpu.sem_alloc : memref<!tpu.dma_semaphore, #tpu.memory_space<semaphore_mem>>
        %dma_start3A = arith.constant 0 : i32
        %dma_start3A_147 = tpu.memref_slice %arg6[%add3A_27, %dma_start3A] : memref<10256x128xf32, #tpu.memory_space<vmem_shared>> -> memref<256x128xf32, #tpu.memory_space<vmem_shared>>
        %dma_start3A_148 = arith.constant 0 : i32
        %dma_start3A_149 = tpu.memref_slice %arg6[%add3A_27, %dma_start3A_148] : memref<10256x128xf32, #tpu.memory_space<vmem_shared>> -> memref<256x128xf32, #tpu.memory_space<vmem_shared>>
        tpu.enqueue_dma source(%arg10 : memref<256x128xf32, #tpu.memory_space<vmem>>) target(%dma_start3A_149 : memref<256x128xf32, #tpu.memory_space<vmem_shared>>) target_semaphore(%run_scoped3A : memref<!tpu.dma_semaphore, #tpu.memory_space<semaphore_mem>>)
        %dma_wait3A = arith.constant 0 : i32
        %dma_wait3A_150 = tpu.memref_slice %arg6[%add3A_27, %dma_wait3A] : memref<10256x128xf32, #tpu.memory_space<vmem_shared>> -> memref<256x128xf32, #tpu.memory_space<vmem_shared>>
        %dma_wait3A_151 = arith.constant 0 : i32
        %dma_wait3A_152 = tpu.memref_slice %arg6[%add3A_27, %dma_wait3A_151] : memref<10256x128xf32, #tpu.memory_space<vmem_shared>> -> memref<256x128xf32, #tpu.memory_space<vmem_shared>>
        tpu.wait_dma2 semaphore(%run_scoped3A : memref<!tpu.dma_semaphore, #tpu.memory_space<semaphore_mem>>) src(%arg10 : memref<256x128xf32, #tpu.memory_space<vmem>>) dst(%dma_wait3A_152 : memref<256x128xf32, #tpu.memory_space<vmem_shared>>)
        tpu.yield
      }) : () -> ()
      %add3A_28 = arith.constant 256 : i32
      %add3A_29 = arith.addi %min3A_23, %add3A_28 : i32
      "tpu.region"() ({
        %run_scoped3A = tpu.sem_alloc : memref<!tpu.dma_semaphore, #tpu.memory_space<semaphore_mem>>
        %dma_start3A = arith.constant 0 : i32
        %dma_start3A_147 = tpu.memref_slice %arg2[%add3A_29, %dma_start3A] : memref<100000x128xf32, #tpu.memory_space<hbm>> -> memref<256x128xf32, #tpu.memory_space<hbm>>
        %dma_start3A_148 = arith.constant 0 : i32
        %dma_start3A_149 = tpu.memref_slice %arg2[%add3A_29, %dma_start3A_148] : memref<100000x128xf32, #tpu.memory_space<hbm>> -> memref<256x128xf32, #tpu.memory_space<hbm>>
        tpu.enqueue_dma source(%dma_start3A_149 : memref<256x128xf32, #tpu.memory_space<hbm>>) target(%arg10 : memref<256x128xf32, #tpu.memory_space<vmem>>) target_semaphore(%run_scoped3A : memref<!tpu.dma_semaphore, #tpu.memory_space<semaphore_mem>>)
        %dma_wait3A = arith.constant 0 : i32
        %dma_wait3A_150 = tpu.memref_slice %arg2[%add3A_29, %dma_wait3A] : memref<100000x128xf32, #tpu.memory_space<hbm>> -> memref<256x128xf32, #tpu.memory_space<hbm>>
        %dma_wait3A_151 = arith.constant 0 : i32
        %dma_wait3A_152 = tpu.memref_slice %arg2[%add3A_29, %dma_wait3A_151] : memref<100000x128xf32, #tpu.memory_space<hbm>> -> memref<256x128xf32, #tpu.memory_space<hbm>>
        tpu.wait_dma2 semaphore(%run_scoped3A : memref<!tpu.dma_semaphore, #tpu.memory_space<semaphore_mem>>) src(%dma_wait3A_152 : memref<256x128xf32, #tpu.memory_space<hbm>>) dst(%arg10 : memref<256x128xf32, #tpu.memory_space<vmem>>)
        tpu.yield
      }) : () -> ()
      %add3A_30 = arith.constant 256 : i32
      %add3A_31 = arith.addi %sub3A, %add3A_30 : i32
      "tpu.region"() ({
        %run_scoped3A = tpu.sem_alloc : memref<!tpu.dma_semaphore, #tpu.memory_space<semaphore_mem>>
        %dma_start3A = arith.constant 0 : i32
        %dma_start3A_147 = tpu.memref_slice %arg6[%add3A_31, %dma_start3A] : memref<10256x128xf32, #tpu.memory_space<vmem_shared>> -> memref<256x128xf32, #tpu.memory_space<vmem_shared>>
        %dma_start3A_148 = arith.constant 0 : i32
        %dma_start3A_149 = tpu.memref_slice %arg6[%add3A_31, %dma_start3A_148] : memref<10256x128xf32, #tpu.memory_space<vmem_shared>> -> memref<256x128xf32, #tpu.memory_space<vmem_shared>>
        tpu.enqueue_dma source(%arg10 : memref<256x128xf32, #tpu.memory_space<vmem>>) target(%dma_start3A_149 : memref<256x128xf32, #tpu.memory_space<vmem_shared>>) target_semaphore(%run_scoped3A : memref<!tpu.dma_semaphore, #tpu.memory_space<semaphore_mem>>)
        %dma_wait3A = arith.constant 0 : i32
        %dma_wait3A_150 = tpu.memref_slice %arg6[%add3A_31, %dma_wait3A] : memref<10256x128xf32, #tpu.memory_space<vmem_shared>> -> memref<256x128xf32, #tpu.memory_space<vmem_shared>>
        %dma_wait3A_151 = arith.constant 0 : i32
        %dma_wait3A_152 = tpu.memref_slice %arg6[%add3A_31, %dma_wait3A_151] : memref<10256x128xf32, #tpu.memory_space<vmem_shared>> -> memref<256x128xf32, #tpu.memory_space<vmem_shared>>
        tpu.wait_dma2 semaphore(%run_scoped3A : memref<!tpu.dma_semaphore, #tpu.memory_space<semaphore_mem>>) src(%arg10 : memref<256x128xf32, #tpu.memory_space<vmem>>) dst(%dma_wait3A_152 : memref<256x128xf32, #tpu.memory_space<vmem_shared>>)
        tpu.yield
      }) : () -> ()
      %add3A_32 = arith.constant 512 : i32
      %add3A_33 = arith.addi %min3A_23, %add3A_32 : i32
      "tpu.region"() ({
        %run_scoped3A = tpu.sem_alloc : memref<!tpu.dma_semaphore, #tpu.memory_space<semaphore_mem>>
        %dma_start3A = arith.constant 0 : i32
        %dma_start3A_147 = arith.constant 0 : i32
        %dma_start3A_148 = tpu.memref_slice %arg10[%dma_start3A, %dma_start3A_147] : memref<256x128xf32, #tpu.memory_space<vmem>> -> memref<128x128xf32, #tpu.memory_space<vmem>>
        %dma_start3A_149 = arith.constant 0 : i32
        %dma_start3A_150 = tpu.memref_slice %arg2[%add3A_33, %dma_start3A_149] : memref<100000x128xf32, #tpu.memory_space<hbm>> -> memref<128x128xf32, #tpu.memory_space<hbm>>
        %dma_start3A_151 = arith.constant 0 : i32
        %dma_start3A_152 = arith.constant 0 : i32
        %dma_start3A_153 = tpu.memref_slice %arg10[%dma_start3A_151, %dma_start3A_152] : memref<256x128xf32, #tpu.memory_space<vmem>> -> memref<128x128xf32, #tpu.memory_space<vmem>>
        %dma_start3A_154 = arith.constant 0 : i32
        %dma_start3A_155 = tpu.memref_slice %arg2[%add3A_33, %dma_start3A_154] : memref<100000x128xf32, #tpu.memory_space<hbm>> -> memref<128x128xf32, #tpu.memory_space<hbm>>
        tpu.enqueue_dma source(%dma_start3A_155 : memref<128x128xf32, #tpu.memory_space<hbm>>) target(%dma_start3A_153 : memref<128x128xf32, #tpu.memory_space<vmem>>) target_semaphore(%run_scoped3A : memref<!tpu.dma_semaphore, #tpu.memory_space<semaphore_mem>>)
        %dma_wait3A = arith.constant 0 : i32
        %dma_wait3A_156 = arith.constant 0 : i32
        %dma_wait3A_157 = tpu.memref_slice %arg10[%dma_wait3A, %dma_wait3A_156] : memref<256x128xf32, #tpu.memory_space<vmem>> -> memref<128x128xf32, #tpu.memory_space<vmem>>
        %dma_wait3A_158 = arith.constant 0 : i32
        %dma_wait3A_159 = tpu.memref_slice %arg2[%add3A_33, %dma_wait3A_158] : memref<100000x128xf32, #tpu.memory_space<hbm>> -> memref<128x128xf32, #tpu.memory_space<hbm>>
        %dma_wait3A_160 = arith.constant 0 : i32
        %dma_wait3A_161 = arith.constant 0 : i32
        %dma_wait3A_162 = tpu.memref_slice %arg10[%dma_wait3A_160, %dma_wait3A_161] : memref<256x128xf32, #tpu.memory_space<vmem>> -> memref<128x128xf32, #tpu.memory_space<vmem>>
        %dma_wait3A_163 = arith.constant 0 : i32
        %dma_wait3A_164 = tpu.memref_slice %arg2[%add3A_33, %dma_wait3A_163] : memref<100000x128xf32, #tpu.memory_space<hbm>> -> memref<128x128xf32, #tpu.memory_space<hbm>>
        tpu.wait_dma2 semaphore(%run_scoped3A : memref<!tpu.dma_semaphore, #tpu.memory_space<semaphore_mem>>) src(%dma_wait3A_164 : memref<128x128xf32, #tpu.memory_space<hbm>>) dst(%dma_wait3A_162 : memref<128x128xf32, #tpu.memory_space<vmem>>)
        tpu.yield
      }) : () -> ()
      %add3A_34 = arith.constant 512 : i32
      %add3A_35 = arith.addi %sub3A, %add3A_34 : i32
      "tpu.region"() ({
        %run_scoped3A = tpu.sem_alloc : memref<!tpu.dma_semaphore, #tpu.memory_space<semaphore_mem>>
        %dma_start3A = arith.constant 0 : i32
        %dma_start3A_147 = arith.constant 0 : i32
        %dma_start3A_148 = tpu.memref_slice %arg10[%dma_start3A, %dma_start3A_147] : memref<256x128xf32, #tpu.memory_space<vmem>> -> memref<128x128xf32, #tpu.memory_space<vmem>>
        %dma_start3A_149 = arith.constant 0 : i32
        %dma_start3A_150 = tpu.memref_slice %arg6[%add3A_35, %dma_start3A_149] : memref<10256x128xf32, #tpu.memory_space<vmem_shared>> -> memref<128x128xf32, #tpu.memory_space<vmem_shared>>
        %dma_start3A_151 = arith.constant 0 : i32
        %dma_start3A_152 = tpu.memref_slice %arg6[%add3A_35, %dma_start3A_151] : memref<10256x128xf32, #tpu.memory_space<vmem_shared>> -> memref<128x128xf32, #tpu.memory_space<vmem_shared>>
        %dma_start3A_153 = arith.constant 0 : i32
        %dma_start3A_154 = arith.constant 0 : i32
        %dma_start3A_155 = tpu.memref_slice %arg10[%dma_start3A_153, %dma_start3A_154] : memref<256x128xf32, #tpu.memory_space<vmem>> -> memref<128x128xf32, #tpu.memory_space<vmem>>
        tpu.enqueue_dma source(%dma_start3A_155 : memref<128x128xf32, #tpu.memory_space<vmem>>) target(%dma_start3A_152 : memref<128x128xf32, #tpu.memory_space<vmem_shared>>) target_semaphore(%run_scoped3A : memref<!tpu.dma_semaphore, #tpu.memory_space<semaphore_mem>>)
        %dma_wait3A = arith.constant 0 : i32
        %dma_wait3A_156 = arith.constant 0 : i32
        %dma_wait3A_157 = tpu.memref_slice %arg10[%dma_wait3A, %dma_wait3A_156] : memref<256x128xf32, #tpu.memory_space<vmem>> -> memref<128x128xf32, #tpu.memory_space<vmem>>
        %dma_wait3A_158 = arith.constant 0 : i32
        %dma_wait3A_159 = tpu.memref_slice %arg6[%add3A_35, %dma_wait3A_158] : memref<10256x128xf32, #tpu.memory_space<vmem_shared>> -> memref<128x128xf32, #tpu.memory_space<vmem_shared>>
        %dma_wait3A_160 = arith.constant 0 : i32
        %dma_wait3A_161 = tpu.memref_slice %arg6[%add3A_35, %dma_wait3A_160] : memref<10256x128xf32, #tpu.memory_space<vmem_shared>> -> memref<128x128xf32, #tpu.memory_space<vmem_shared>>
        %dma_wait3A_162 = arith.constant 0 : i32
        %dma_wait3A_163 = arith.constant 0 : i32
        %dma_wait3A_164 = tpu.memref_slice %arg10[%dma_wait3A_162, %dma_wait3A_163] : memref<256x128xf32, #tpu.memory_space<vmem>> -> memref<128x128xf32, #tpu.memory_space<vmem>>
        tpu.wait_dma2 semaphore(%run_scoped3A : memref<!tpu.dma_semaphore, #tpu.memory_space<semaphore_mem>>) src(%dma_wait3A_164 : memref<128x128xf32, #tpu.memory_space<vmem>>) dst(%dma_wait3A_161 : memref<128x128xf32, #tpu.memory_space<vmem_shared>>)
        tpu.yield
      }) : () -> ()
      %barrier3A = arith.constant 0 : index
      tpu.barrier barrier_id(%barrier3A)
      %scan3A_36 = arith.constant 0 : i32
      %scan3A_37 = arith.constant 0 : i32
      %scan3A_38 = arith.constant 40 : i32
      %scan3A_39 = arith.addi %scan3A_37, %scan3A_38 : i32
      %scan3A_40 = arith.constant 1 : i32
      %scan3A_41 = scf.for %scan3A_147 = %scan3A_37 to %scan3A_39 step %scan3A_40 iter_args(%scan3A_148 = %scan3A_36) -> (i32)  : i32 {
        %mul3A_149 = arith.constant 16 : i32
        %mul3A_150 = arith.muli %scan3A_147, %mul3A_149 : i32
        %get3A = arith.index_cast %mul3A_150 : i32 to index
        %get3A_151 = tpu.vector_load %arg7[%get3A] {strides = array<i32>} : memref<640xi32, #tpu.memory_space<vmem>>, vector<16xi32>,
        %sub3A_152 = vector.broadcast %mul3A_19 : i32 to vector<16xi32>
        %sub3A_153 = arith.subi %get3A_151, %sub3A_152 : vector<16xi32>
        %ge3A = arith.constant 0 : i32
        %ge3A_154 = vector.broadcast %ge3A : i32 to vector<16xi32>
        %ge3A_155 = arith.cmpi sge, %sub3A_153, %ge3A_154 : vector<16xi32>
        %lt3A_156 = arith.constant 10240 : i32
        %lt3A_157 = vector.broadcast %lt3A_156 : i32 to vector<16xi32>
        %lt3A_158 = arith.cmpi slt, %sub3A_153, %lt3A_157 : vector<16xi32>
        %and3A_159 = arith.andi %ge3A_155, %lt3A_158 : vector<16xi1>
        %jit3A_160 = arith.constant 1 : i32
        %jit3A_161 = arith.constant 0 : i32
        %broadcast_in_dim3A_162 = vector.broadcast %jit3A_160 : i32 to vector<16xi32>
        %broadcast_in_dim3A_163 = vector.broadcast %jit3A_161 : i32 to vector<16xi32>
        %select_n3A_164 = arith.select %and3A_159, %broadcast_in_dim3A_162, %broadcast_in_dim3A_163 : vector<16xi1>, vector<16xi32>
        %broadcast_in_dim3A_165 = arith.constant true
        %broadcast_in_dim3A_166 = vector.broadcast %broadcast_in_dim3A_165 : i1 to vector<16xi1>
        %masked_cumsum3A = tpu.scan <sum>, %select_n3A_164 masked %broadcast_in_dim3A_166 : vector<16xi32>, vector<16xi1> -> vector<16xi32>
        %add3A_167 = vector.broadcast %scan3A_148 : i32 to vector<16xi32>
        %add3A_168 = arith.addi %add3A_167, %masked_cumsum3A : vector<16xi32>
        %sub3A_169 = arith.constant 1 : i32
        %sub3A_170 = vector.broadcast %sub3A_169 : i32 to vector<16xi32>
        %sub3A_171 = arith.subi %add3A_168, %sub3A_170 : vector<16xi32>
        %mul3A_172 = arith.constant 640 : i32
        %mul3A_173 = arith.muli %arg1, %mul3A_172 : i32
        %mul3A_174 = arith.constant 16 : i32
        %mul3A_175 = arith.muli %scan3A_147, %mul3A_174 : i32
        %add3A_176 = arith.addi %mul3A_173, %mul3A_175 : i32
        %add3A_177 = vector.broadcast %add3A_176 : i32 to vector<16xi32>
        %add3A_178 = arith.addi %add3A_177, %iota3A : vector<16xi32>
        tpu.vector_store_idx %arg9[%sub3A_171], %sub3A_153 masked %and3A_159 : memref<672xi32, #tpu.memory_space<vmem>>[vector<16xi32>], vector<16xi32>, vector<16xi1>
        tpu.vector_store_idx %arg8[%sub3A_171], %add3A_178 masked %and3A_159 : memref<672xi32, #tpu.memory_space<vmem>>[vector<16xi32>], vector<16xi32>, vector<16xi1>
        %reduce_sum3A = arith.constant true
        %reduce_sum3A_179 = vector.broadcast %reduce_sum3A : i1 to vector<16xi1>
        %reduce_sum3A_180 = tpu.scan <sum>, %select_n3A_164 masked %reduce_sum3A_179 : vector<16xi32>, vector<16xi1> -> vector<16xi32>
        %reduce_sum3A_181 = vector.extract %reduce_sum3A_180[15] : i32 from vector<16xi32>
        %add3A_182 = arith.addi %scan3A_148, %reduce_sum3A_181 : i32
        scf.yield %add3A_182 : i32
      }
      %scan3A_42 = arith.constant 40 : i32
      %add3A_43 = arith.constant 0 : i32
      %add3A_44 = arith.addi %scan3A_41, %add3A_43 : i32
      %add3A_45 = vector.broadcast %add3A_44 : i32 to vector<16xi32>
      %add3A_46 = arith.addi %add3A_45, %iota3A : vector<16xi32>
      %lt3A = arith.constant 672 : i32
      %lt3A_47 = vector.broadcast %lt3A : i32 to vector<16xi32>
      %lt3A_48 = arith.cmpi slt, %add3A_46, %lt3A_47 : vector<16xi32>
      tpu.vector_store_idx %arg8[%add3A_46], %add3A_3 masked %lt3A_48 : memref<672xi32, #tpu.memory_space<vmem>>[vector<16xi32>], vector<16xi32>, vector<16xi1>
      tpu.vector_store_idx %arg9[%add3A_46], %add3A_6 masked %lt3A_48 : memref<672xi32, #tpu.memory_space<vmem>>[vector<16xi32>], vector<16xi32>, vector<16xi1>
      %add3A_49 = arith.constant 16 : i32
      %add3A_50 = arith.addi %scan3A_41, %add3A_49 : i32
      %add3A_51 = vector.broadcast %add3A_50 : i32 to vector<16xi32>
      %add3A_52 = arith.addi %add3A_51, %iota3A : vector<16xi32>
      %lt3A_53 = arith.constant 672 : i32
      %lt3A_54 = vector.broadcast %lt3A_53 : i32 to vector<16xi32>
      %lt3A_55 = arith.cmpi slt, %add3A_52, %lt3A_54 : vector<16xi32>
      tpu.vector_store_idx %arg8[%add3A_52], %add3A_3 masked %lt3A_55 : memref<672xi32, #tpu.memory_space<vmem>>[vector<16xi32>], vector<16xi32>, vector<16xi1>
      tpu.vector_store_idx %arg9[%add3A_52], %add3A_6 masked %lt3A_55 : memref<672xi32, #tpu.memory_space<vmem>>[vector<16xi32>], vector<16xi32>, vector<16xi1>
      %add3A_56 = arith.constant 32 : i32
      %add3A_57 = arith.addi %scan3A_41, %add3A_56 : i32
      %add3A_58 = vector.broadcast %add3A_57 : i32 to vector<16xi32>
      %add3A_59 = arith.addi %add3A_58, %iota3A : vector<16xi32>
      %lt3A_60 = arith.constant 672 : i32
      %lt3A_61 = vector.broadcast %lt3A_60 : i32 to vector<16xi32>
      %lt3A_62 = arith.cmpi slt, %add3A_59, %lt3A_61 : vector<16xi32>
      tpu.vector_store_idx %arg8[%add3A_59], %add3A_3 masked %lt3A_62 : memref<672xi32, #tpu.memory_space<vmem>>[vector<16xi32>], vector<16xi32>, vector<16xi1>
      tpu.vector_store_idx %arg9[%add3A_59], %add3A_6 masked %lt3A_62 : memref<672xi32, #tpu.memory_space<vmem>>[vector<16xi32>], vector<16xi32>, vector<16xi1>
      %add3A_63 = arith.constant 48 : i32
      %add3A_64 = arith.addi %scan3A_41, %add3A_63 : i32
      %add3A_65 = vector.broadcast %add3A_64 : i32 to vector<16xi32>
      %add3A_66 = arith.addi %add3A_65, %iota3A : vector<16xi32>
      %lt3A_67 = arith.constant 672 : i32
      %lt3A_68 = vector.broadcast %lt3A_67 : i32 to vector<16xi32>
      %lt3A_69 = arith.cmpi slt, %add3A_66, %lt3A_68 : vector<16xi32>
      tpu.vector_store_idx %arg8[%add3A_66], %add3A_3 masked %lt3A_69 : memref<672xi32, #tpu.memory_space<vmem>>[vector<16xi32>], vector<16xi32>, vector<16xi1>
      tpu.vector_store_idx %arg9[%add3A_66], %add3A_6 masked %lt3A_69 : memref<672xi32, #tpu.memory_space<vmem>>[vector<16xi32>], vector<16xi32>, vector<16xi1>
      %add3A_70 = arith.constant 64 : i32
      %add3A_71 = arith.addi %scan3A_41, %add3A_70 : i32
      %add3A_72 = vector.broadcast %add3A_71 : i32 to vector<16xi32>
      %add3A_73 = arith.addi %add3A_72, %iota3A : vector<16xi32>
      %lt3A_74 = arith.constant 672 : i32
      %lt3A_75 = vector.broadcast %lt3A_74 : i32 to vector<16xi32>
      %lt3A_76 = arith.cmpi slt, %add3A_73, %lt3A_75 : vector<16xi32>
      tpu.vector_store_idx %arg8[%add3A_73], %add3A_3 masked %lt3A_76 : memref<672xi32, #tpu.memory_space<vmem>>[vector<16xi32>], vector<16xi32>, vector<16xi1>
      tpu.vector_store_idx %arg9[%add3A_73], %add3A_6 masked %lt3A_76 : memref<672xi32, #tpu.memory_space<vmem>>[vector<16xi32>], vector<16xi32>, vector<16xi1>
      %add3A_77 = arith.constant 80 : i32
      %add3A_78 = arith.addi %scan3A_41, %add3A_77 : i32
      %add3A_79 = vector.broadcast %add3A_78 : i32 to vector<16xi32>
      %add3A_80 = arith.addi %add3A_79, %iota3A : vector<16xi32>
      %lt3A_81 = arith.constant 672 : i32
      %lt3A_82 = vector.broadcast %lt3A_81 : i32 to vector<16xi32>
      %lt3A_83 = arith.cmpi slt, %add3A_80, %lt3A_82 : vector<16xi32>
      tpu.vector_store_idx %arg8[%add3A_80], %add3A_3 masked %lt3A_83 : memref<672xi32, #tpu.memory_space<vmem>>[vector<16xi32>], vector<16xi32>, vector<16xi1>
      tpu.vector_store_idx %arg9[%add3A_80], %add3A_6 masked %lt3A_83 : memref<672xi32, #tpu.memory_space<vmem>>[vector<16xi32>], vector<16xi32>, vector<16xi1>
      %add3A_84 = arith.constant 96 : i32
      %add3A_85 = arith.addi %scan3A_41, %add3A_84 : i32
      %add3A_86 = vector.broadcast %add3A_85 : i32 to vector<16xi32>
      %add3A_87 = arith.addi %add3A_86, %iota3A : vector<16xi32>
      %lt3A_88 = arith.constant 672 : i32
      %lt3A_89 = vector.broadcast %lt3A_88 : i32 to vector<16xi32>
      %lt3A_90 = arith.cmpi slt, %add3A_87, %lt3A_89 : vector<16xi32>
      tpu.vector_store_idx %arg8[%add3A_87], %add3A_3 masked %lt3A_90 : memref<672xi32, #tpu.memory_space<vmem>>[vector<16xi32>], vector<16xi32>, vector<16xi1>
      tpu.vector_store_idx %arg9[%add3A_87], %add3A_6 masked %lt3A_90 : memref<672xi32, #tpu.memory_space<vmem>>[vector<16xi32>], vector<16xi32>, vector<16xi1>
      %add3A_91 = arith.constant 112 : i32
      %add3A_92 = arith.addi %scan3A_41, %add3A_91 : i32
      %add3A_93 = vector.broadcast %add3A_92 : i32 to vector<16xi32>
      %add3A_94 = arith.addi %add3A_93, %iota3A : vector<16xi32>
      %lt3A_95 = arith.constant 672 : i32
      %lt3A_96 = vector.broadcast %lt3A_95 : i32 to vector<16xi32>
      %lt3A_97 = arith.cmpi slt, %add3A_94, %lt3A_96 : vector<16xi32>
      tpu.vector_store_idx %arg8[%add3A_94], %add3A_3 masked %lt3A_97 : memref<672xi32, #tpu.memory_space<vmem>>[vector<16xi32>], vector<16xi32>, vector<16xi1>
      tpu.vector_store_idx %arg9[%add3A_94], %add3A_6 masked %lt3A_97 : memref<672xi32, #tpu.memory_space<vmem>>[vector<16xi32>], vector<16xi32>, vector<16xi1>
      %add3A_98 = arith.constant 96 : i32
      %add3A_99 = arith.addi %scan3A_41, %add3A_98 : i32
      %sub3A_100 = arith.constant 1 : i32
      %sub3A_101 = arith.subi %add3A_99, %sub3A_100 : i32
      %jit3A = arith.constant 96 : i32
      %div3A = arith.divsi %sub3A_101, %jit3A : i32
      %sign3A = arith.constant 0 : i32
      %sign3A_102 = arith.cmpi sgt, %sub3A_101, %sign3A : i32
      %sign3A_103 = arith.extui %sign3A_102 : i1 to i32
      %sign3A_104 = arith.constant 0 : i32
      %sign3A_105 = arith.cmpi slt, %sub3A_101, %sign3A_104 : i32
      %sign3A_106 = arith.extui %sign3A_105 : i1 to i32
      %sign3A_107 = arith.subi %sign3A_103, %sign3A_106 : i32
      %sign3A_108 = arith.constant 0 : i32
      %sign3A_109 = arith.cmpi sgt, %jit3A, %sign3A_108 : i32
      %sign3A_110 = arith.extui %sign3A_109 : i1 to i32
      %sign3A_111 = arith.constant 0 : i32
      %sign3A_112 = arith.cmpi slt, %jit3A, %sign3A_111 : i32
      %sign3A_113 = arith.extui %sign3A_112 : i1 to i32
      %sign3A_114 = arith.subi %sign3A_110, %sign3A_113 : i32
      %ne3A = arith.cmpi ne, %sign3A_107, %sign3A_114 : i32
      %rem3A = arith.remsi %sub3A_101, %jit3A : i32
      %ne3A_115 = arith.constant 0 : i32
      %ne3A_116 = arith.cmpi ne, %rem3A, %ne3A_115 : i32
      %and3A = arith.andi %ne3A, %ne3A_116 : i1
      %sub3A_117 = arith.constant 1 : i32
      %sub3A_118 = arith.subi %div3A, %sub3A_117 : i32
      %select_n3A = arith.select %and3A, %sub3A_118, %div3A : i32
      %gt3A = arith.constant 0 : i32
      %gt3A_119 = arith.cmpi sgt, %select_n3A, %gt3A : i32
      %convert_element_type3A = arith.extui %gt3A_119 : i1 to i32
      %cond3A = arith.constant 0 : i32
      %cond3A_120 = arith.cmpi ne, %convert_element_type3A, %cond3A : i32
      scf.if %cond3A_120 {
        %dma_start3A = arith.constant 0 : i32
        %dma_start3A_147 = arith.constant 0 : i32
        %dma_start3A_148 = tpu.memref_slice %arg10[%dma_start3A, %dma_start3A_147] : memref<256x128xf32, #tpu.memory_space<vmem>> -> memref<96x128xf32, #tpu.memory_space<vmem>>
        %dma_start3A_149 = arith.constant 0 : i32
        %dma_start3A_150 = tpu.memref_slice %arg8[%dma_start3A_149] : memref<672xi32, #tpu.memory_space<vmem>> -> memref<96xi32, #tpu.memory_space<vmem>>
        %dma_start3A_151 = arith.constant 0 : i32
        %dma_start3A_152 = arith.constant 0 : i32
        %dma_start3A_153 = tpu.memref_slice %arg3[%dma_start3A_151, %dma_start3A_152] : memref<10000x128xf32, #tpu.memory_space<hbm>> -> memref<10000x128xf32, #tpu.memory_space<hbm>>
        tpu.enqueue_indirect_dma source(%dma_start3A_153 : memref<10000x128xf32, #tpu.memory_space<hbm>>) target(%dma_start3A_148 : memref<96x128xf32, #tpu.memory_space<vmem>>) offsets(%dma_start3A_150 : memref<96xi32, #tpu.memory_space<vmem>>) semaphore(%arg11 : memref<!tpu.dma_semaphore, #tpu.memory_space<semaphore_mem>>)
      } else {
      }
      %while3A = arith.constant 0 : i32
      %while3A_121 = arith.constant 0 : i32
      %while3A_122 = arith.subi %select_n3A, %while3A : i32
      %while3A_123 = arith.addi %while3A, %while3A_122 : i32
      %while3A_124 = arith.constant 1 : i32
      %while3A_125 = arith.divsi %while3A_122, %while3A_124 : i32
      %while3A_126 = arith.muli %while3A_125, %while3A_124 : i32
      %while3A_127 = arith.addi %while3A, %while3A_126 : i32
      %while3A_128 = arith.constant 1 : i32
      %while3A_129 = scf.for %while3A_147 = %while3A to %while3A_127 step %while3A_128 iter_args(%while3A_148 = %while3A_121) -> (i32)  : i32 {
        %jit3A_149 = arith.constant 2 : i32
        %eq3A = arith.constant 0 : i32
        %eq3A_150 = arith.cmpi eq, %jit3A_149, %eq3A : i32
        %jit3A_151 = arith.constant 1 : i32
        %select_n3A_152 = arith.select %eq3A_150, %jit3A_151, %jit3A_149 : i32
        %rem3A_153 = arith.remsi %while3A_147, %select_n3A_152 : i32
        %ne3A_154 = arith.constant 0 : i32
        %ne3A_155 = arith.cmpi ne, %rem3A_153, %ne3A_154 : i32
        %lt3A_156 = arith.constant 0 : i32
        %lt3A_157 = arith.cmpi slt, %rem3A_153, %lt3A_156 : i32
        %lt3A_158 = arith.constant 0 : i32
        %lt3A_159 = arith.cmpi slt, %select_n3A_152, %lt3A_158 : i32
        %ne3A_160 = arith.xori %lt3A_157, %lt3A_159 : i1
        %and3A_161 = arith.andi %ne3A_160, %ne3A_155 : i1
        %add3A_162 = arith.addi %rem3A_153, %select_n3A_152 : i32
        %select_n3A_163 = arith.select %and3A_161, %add3A_162, %rem3A_153 : i32
        %eq3A_164 = arith.constant 0 : i32
        %eq3A_165 = arith.cmpi eq, %select_n3A_163, %eq3A_164 : i32
        %convert_element_type3A_166 = arith.extui %eq3A_165 : i1 to i32
        %cond3A_167 = arith.constant 0 : i32
        %cond3A_168 = arith.cmpi ne, %convert_element_type3A_166, %cond3A_167 : i32
        scf.if %cond3A_168 {
          %mul3A_191 = arith.constant 96 : i32
          %mul3A_192 = arith.muli %while3A_147, %mul3A_191 : i32
          %dma_wait3A = arith.constant 0 : i32
          %dma_wait3A_193 = arith.constant 0 : i32
          %dma_wait3A_194 = tpu.memref_slice %arg10[%dma_wait3A, %dma_wait3A_193] : memref<256x128xf32, #tpu.memory_space<vmem>> -> memref<96x128xf32, #tpu.memory_space<vmem>>
          %dma_wait3A_195 = tpu.memref_slice %arg8[%mul3A_192] : memref<672xi32, #tpu.memory_space<vmem>> -> memref<96xi32, #tpu.memory_space<vmem>>
          %dma_wait3A_196 = arith.constant 0 : i32
          %dma_wait3A_197 = arith.constant 0 : i32
          %dma_wait3A_198 = tpu.memref_slice %arg3[%dma_wait3A_196, %dma_wait3A_197] : memref<10000x128xf32, #tpu.memory_space<hbm>> -> memref<10000x128xf32, #tpu.memory_space<hbm>>
          tpu.wait_indirect_dma semaphore(%arg11 : memref<!tpu.dma_semaphore, #tpu.memory_space<semaphore_mem>>) src(%dma_wait3A_198 : memref<10000x128xf32, #tpu.memory_space<hbm>>) dst(%dma_wait3A_194 : memref<96x128xf32, #tpu.memory_space<vmem>>)
          %add3A_199 = arith.constant 1 : i32
          %add3A_200 = arith.addi %while3A_147, %add3A_199 : i32
          %lt3A_201 = arith.cmpi slt, %add3A_200, %select_n3A : i32
          %convert_element_type3A_202 = arith.extui %lt3A_201 : i1 to i32
          %cond3A_203 = arith.constant 0 : i32
          %cond3A_204 = arith.cmpi ne, %convert_element_type3A_202, %cond3A_203 : i32
          scf.if %cond3A_204 {
            %add3A_207 = arith.constant 1 : i32
            %add3A_208 = arith.addi %while3A_147, %add3A_207 : i32
            %mul3A_209 = arith.constant 96 : i32
            %mul3A_210 = arith.muli %add3A_208, %mul3A_209 : i32
            %dma_start3A = arith.constant 96 : i32
            %dma_start3A_211 = arith.constant 0 : i32
            %dma_start3A_212 = tpu.memref_slice %arg10[%dma_start3A, %dma_start3A_211] : memref<256x128xf32, #tpu.memory_space<vmem>> -> memref<96x128xf32, #tpu.memory_space<vmem>>
            %dma_start3A_213 = tpu.memref_slice %arg8[%mul3A_210] : memref<672xi32, #tpu.memory_space<vmem>> -> memref<96xi32, #tpu.memory_space<vmem>>
            %dma_start3A_214 = arith.constant 0 : i32
            %dma_start3A_215 = arith.constant 0 : i32
            %dma_start3A_216 = tpu.memref_slice %arg3[%dma_start3A_214, %dma_start3A_215] : memref<10000x128xf32, #tpu.memory_space<hbm>> -> memref<10000x128xf32, #tpu.memory_space<hbm>>
            tpu.enqueue_indirect_dma source(%dma_start3A_216 : memref<10000x128xf32, #tpu.memory_space<hbm>>) target(%dma_start3A_212 : memref<96x128xf32, #tpu.memory_space<vmem>>) offsets(%dma_start3A_213 : memref<96xi32, #tpu.memory_space<vmem>>) semaphore(%arg12 : memref<!tpu.dma_semaphore, #tpu.memory_space<semaphore_mem>>)
          } else {
          }
          %mul3A_205 = arith.constant 96 : i32
          %mul3A_206 = arith.muli %while3A_147, %mul3A_205 : i32
          "tpu.region"() ({
            %run_scoped3A = tpu.sem_alloc : memref<!tpu.dma_semaphore, #tpu.memory_space<semaphore_mem>>
            %dma_start3A = arith.constant 0 : i32
            %dma_start3A_207 = arith.constant 0 : i32
            %dma_start3A_208 = tpu.memref_slice %arg10[%dma_start3A, %dma_start3A_207] : memref<256x128xf32, #tpu.memory_space<vmem>> -> memref<96x128xf32, #tpu.memory_space<vmem>>
            %dma_start3A_209 = tpu.memref_slice %arg9[%mul3A_206] : memref<672xi32, #tpu.memory_space<vmem>> -> memref<96xi32, #tpu.memory_space<vmem>>
            %dma_start3A_210 = arith.constant 0 : i32
            %dma_start3A_211 = arith.constant 0 : i32
            %dma_start3A_212 = tpu.memref_slice %arg6[%dma_start3A_210, %dma_start3A_211] : memref<10256x128xf32, #tpu.memory_space<vmem_shared>> -> memref<10256x128xf32, #tpu.memory_space<vmem_shared>>
            tpu.enqueue_indirect_dma source(%dma_start3A_208 : memref<96x128xf32, #tpu.memory_space<vmem>>) target(%dma_start3A_212 : memref<10256x128xf32, #tpu.memory_space<vmem_shared>>) offsets(%dma_start3A_209 : memref<96xi32, #tpu.memory_space<vmem>>) semaphore(%run_scoped3A : memref<!tpu.dma_semaphore, #tpu.memory_space<semaphore_mem>>) {add = true}
            %dma_wait3A_213 = arith.constant 0 : i32
            %dma_wait3A_214 = arith.constant 0 : i32
            %dma_wait3A_215 = tpu.memref_slice %arg10[%dma_wait3A_213, %dma_wait3A_214] : memref<256x128xf32, #tpu.memory_space<vmem>> -> memref<96x128xf32, #tpu.memory_space<vmem>>
            %dma_wait3A_216 = tpu.memref_slice %arg9[%mul3A_206] : memref<672xi32, #tpu.memory_space<vmem>> -> memref<96xi32, #tpu.memory_space<vmem>>
            %dma_wait3A_217 = arith.constant 0 : i32
            %dma_wait3A_218 = arith.constant 0 : i32
            %dma_wait3A_219 = tpu.memref_slice %arg6[%dma_wait3A_217, %dma_wait3A_218] : memref<10256x128xf32, #tpu.memory_space<vmem_shared>> -> memref<10256x128xf32, #tpu.memory_space<vmem_shared>>
            tpu.wait_indirect_dma semaphore(%run_scoped3A : memref<!tpu.dma_semaphore, #tpu.memory_space<semaphore_mem>>) src(%dma_wait3A_215 : memref<96x128xf32, #tpu.memory_space<vmem>>) dst(%dma_wait3A_219 : memref<10256x128xf32, #tpu.memory_space<vmem_shared>>)
            tpu.yield
          }) : () -> ()
        } else {
        }
        %jit3A_169 = arith.constant 2 : i32
        %eq3A_170 = arith.constant 0 : i32
        %eq3A_171 = arith.cmpi eq, %jit3A_169, %eq3A_170 : i32
        %jit3A_172 = arith.constant 1 : i32
        %select_n3A_173 = arith.select %eq3A_171, %jit3A_172, %jit3A_169 : i32
        %rem3A_174 = arith.remsi %while3A_147, %select_n3A_173 : i32
        %ne3A_175 = arith.constant 0 : i32
        %ne3A_176 = arith.cmpi ne, %rem3A_174, %ne3A_175 : i32
        %lt3A_177 = arith.constant 0 : i32
        %lt3A_178 = arith.cmpi slt, %rem3A_174, %lt3A_177 : i32
        %lt3A_179 = arith.constant 0 : i32
        %lt3A_180 = arith.cmpi slt, %select_n3A_173, %lt3A_179 : i32
        %ne3A_181 = arith.xori %lt3A_178, %lt3A_180 : i1
        %and3A_182 = arith.andi %ne3A_181, %ne3A_176 : i1
        %add3A_183 = arith.addi %rem3A_174, %select_n3A_173 : i32
        %select_n3A_184 = arith.select %and3A_182, %add3A_183, %rem3A_174 : i32
        %eq3A_185 = arith.constant 1 : i32
        %eq3A_186 = arith.cmpi eq, %select_n3A_184, %eq3A_185 : i32
        %convert_element_type3A_187 = arith.extui %eq3A_186 : i1 to i32
        %cond3A_188 = arith.constant 0 : i32
        %cond3A_189 = arith.cmpi ne, %convert_element_type3A_187, %cond3A_188 : i32
        scf.if %cond3A_189 {
          %mul3A_191 = arith.constant 96 : i32
          %mul3A_192 = arith.muli %while3A_147, %mul3A_191 : i32
          %dma_wait3A = arith.constant 96 : i32
          %dma_wait3A_193 = arith.constant 0 : i32
          %dma_wait3A_194 = tpu.memref_slice %arg10[%dma_wait3A, %dma_wait3A_193] : memref<256x128xf32, #tpu.memory_space<vmem>> -> memref<96x128xf32, #tpu.memory_space<vmem>>
          %dma_wait3A_195 = tpu.memref_slice %arg8[%mul3A_192] : memref<672xi32, #tpu.memory_space<vmem>> -> memref<96xi32, #tpu.memory_space<vmem>>
          %dma_wait3A_196 = arith.constant 0 : i32
          %dma_wait3A_197 = arith.constant 0 : i32
          %dma_wait3A_198 = tpu.memref_slice %arg3[%dma_wait3A_196, %dma_wait3A_197] : memref<10000x128xf32, #tpu.memory_space<hbm>> -> memref<10000x128xf32, #tpu.memory_space<hbm>>
          tpu.wait_indirect_dma semaphore(%arg12 : memref<!tpu.dma_semaphore, #tpu.memory_space<semaphore_mem>>) src(%dma_wait3A_198 : memref<10000x128xf32, #tpu.memory_space<hbm>>) dst(%dma_wait3A_194 : memref<96x128xf32, #tpu.memory_space<vmem>>)
          %add3A_199 = arith.constant 1 : i32
          %add3A_200 = arith.addi %while3A_147, %add3A_199 : i32
          %lt3A_201 = arith.cmpi slt, %add3A_200, %select_n3A : i32
          %convert_element_type3A_202 = arith.extui %lt3A_201 : i1 to i32
          %cond3A_203 = arith.constant 0 : i32
          %cond3A_204 = arith.cmpi ne, %convert_element_type3A_202, %cond3A_203 : i32
          scf.if %cond3A_204 {
            %add3A_207 = arith.constant 1 : i32
            %add3A_208 = arith.addi %while3A_147, %add3A_207 : i32
            %mul3A_209 = arith.constant 96 : i32
            %mul3A_210 = arith.muli %add3A_208, %mul3A_209 : i32
            %dma_start3A = arith.constant 0 : i32
            %dma_start3A_211 = arith.constant 0 : i32
            %dma_start3A_212 = tpu.memref_slice %arg10[%dma_start3A, %dma_start3A_211] : memref<256x128xf32, #tpu.memory_space<vmem>> -> memref<96x128xf32, #tpu.memory_space<vmem>>
            %dma_start3A_213 = tpu.memref_slice %arg8[%mul3A_210] : memref<672xi32, #tpu.memory_space<vmem>> -> memref<96xi32, #tpu.memory_space<vmem>>
            %dma_start3A_214 = arith.constant 0 : i32
            %dma_start3A_215 = arith.constant 0 : i32
            %dma_start3A_216 = tpu.memref_slice %arg3[%dma_start3A_214, %dma_start3A_215] : memref<10000x128xf32, #tpu.memory_space<hbm>> -> memref<10000x128xf32, #tpu.memory_space<hbm>>
            tpu.enqueue_indirect_dma source(%dma_start3A_216 : memref<10000x128xf32, #tpu.memory_space<hbm>>) target(%dma_start3A_212 : memref<96x128xf32, #tpu.memory_space<vmem>>) offsets(%dma_start3A_213 : memref<96xi32, #tpu.memory_space<vmem>>) semaphore(%arg11 : memref<!tpu.dma_semaphore, #tpu.memory_space<semaphore_mem>>)
          } else {
          }
          %mul3A_205 = arith.constant 96 : i32
          %mul3A_206 = arith.muli %while3A_147, %mul3A_205 : i32
          "tpu.region"() ({
            %run_scoped3A = tpu.sem_alloc : memref<!tpu.dma_semaphore, #tpu.memory_space<semaphore_mem>>
            %dma_start3A = arith.constant 96 : i32
            %dma_start3A_207 = arith.constant 0 : i32
            %dma_start3A_208 = tpu.memref_slice %arg10[%dma_start3A, %dma_start3A_207] : memref<256x128xf32, #tpu.memory_space<vmem>> -> memref<96x128xf32, #tpu.memory_space<vmem>>
            %dma_start3A_209 = tpu.memref_slice %arg9[%mul3A_206] : memref<672xi32, #tpu.memory_space<vmem>> -> memref<96xi32, #tpu.memory_space<vmem>>
            %dma_start3A_210 = arith.constant 0 : i32
            %dma_start3A_211 = arith.constant 0 : i32
            %dma_start3A_212 = tpu.memref_slice %arg6[%dma_start3A_210, %dma_start3A_211] : memref<10256x128xf32, #tpu.memory_space<vmem_shared>> -> memref<10256x128xf32, #tpu.memory_space<vmem_shared>>
            tpu.enqueue_indirect_dma source(%dma_start3A_208 : memref<96x128xf32, #tpu.memory_space<vmem>>) target(%dma_start3A_212 : memref<10256x128xf32, #tpu.memory_space<vmem_shared>>) offsets(%dma_start3A_209 : memref<96xi32, #tpu.memory_space<vmem>>) semaphore(%run_scoped3A : memref<!tpu.dma_semaphore, #tpu.memory_space<semaphore_mem>>) {add = true}
            %dma_wait3A_213 = arith.constant 96 : i32
            %dma_wait3A_214 = arith.constant 0 : i32
            %dma_wait3A_215 = tpu.memref_slice %arg10[%dma_wait3A_213, %dma_wait3A_214] : memref<256x128xf32, #tpu.memory_space<vmem>> -> memref<96x128xf32, #tpu.memory_space<vmem>>
            %dma_wait3A_216 = tpu.memref_slice %arg9[%mul3A_206] : memref<672xi32, #tpu.memory_space<vmem>> -> memref<96xi32, #tpu.memory_space<vmem>>
            %dma_wait3A_217 = arith.constant 0 : i32
            %dma_wait3A_218 = arith.constant 0 : i32
            %dma_wait3A_219 = tpu.memref_slice %arg6[%dma_wait3A_217, %dma_wait3A_218] : memref<10256x128xf32, #tpu.memory_space<vmem_shared>> -> memref<10256x128xf32, #tpu.memory_space<vmem_shared>>
            tpu.wait_indirect_dma semaphore(%run_scoped3A : memref<!tpu.dma_semaphore, #tpu.memory_space<semaphore_mem>>) src(%dma_wait3A_215 : memref<96x128xf32, #tpu.memory_space<vmem>>) dst(%dma_wait3A_219 : memref<10256x128xf32, #tpu.memory_space<vmem_shared>>)
            tpu.yield
          }) : () -> ()
        } else {
        }
        %while3A_190 = arith.constant 0 : i32
        scf.yield %while3A_190 : i32
      }
      %while3A_130 = arith.constant 1 : i32
      %while3A_131 = scf.for %while3A_147 = %while3A_127 to %while3A_123 step %while3A_130 iter_args(%while3A_148 = %while3A_129) -> (i32)  : i32 {
        %jit3A_149 = arith.constant 2 : i32
        %eq3A = arith.constant 0 : i32
        %eq3A_150 = arith.cmpi eq, %jit3A_149, %eq3A : i32
        %jit3A_151 = arith.constant 1 : i32
        %select_n3A_152 = arith.select %eq3A_150, %jit3A_151, %jit3A_149 : i32
        %rem3A_153 = arith.remsi %while3A_147, %select_n3A_152 : i32
        %ne3A_154 = arith.constant 0 : i32
        %ne3A_155 = arith.cmpi ne, %rem3A_153, %ne3A_154 : i32
        %lt3A_156 = arith.constant 0 : i32
        %lt3A_157 = arith.cmpi slt, %rem3A_153, %lt3A_156 : i32
        %lt3A_158 = arith.constant 0 : i32
        %lt3A_159 = arith.cmpi slt, %select_n3A_152, %lt3A_158 : i32
        %ne3A_160 = arith.xori %lt3A_157, %lt3A_159 : i1
        %and3A_161 = arith.andi %ne3A_160, %ne3A_155 : i1
        %add3A_162 = arith.addi %rem3A_153, %select_n3A_152 : i32
        %select_n3A_163 = arith.select %and3A_161, %add3A_162, %rem3A_153 : i32
        %eq3A_164 = arith.constant 0 : i32
        %eq3A_165 = arith.cmpi eq, %select_n3A_163, %eq3A_164 : i32
        %convert_element_type3A_166 = arith.extui %eq3A_165 : i1 to i32
        %cond3A_167 = arith.constant 0 : i32
        %cond3A_168 = arith.cmpi ne, %convert_element_type3A_166, %cond3A_167 : i32
        scf.if %cond3A_168 {
          %mul3A_191 = arith.constant 96 : i32
          %mul3A_192 = arith.muli %while3A_147, %mul3A_191 : i32
          %dma_wait3A = arith.constant 0 : i32
          %dma_wait3A_193 = arith.constant 0 : i32
          %dma_wait3A_194 = tpu.memref_slice %arg10[%dma_wait3A, %dma_wait3A_193] : memref<256x128xf32, #tpu.memory_space<vmem>> -> memref<96x128xf32, #tpu.memory_space<vmem>>
          %dma_wait3A_195 = tpu.memref_slice %arg8[%mul3A_192] : memref<672xi32, #tpu.memory_space<vmem>> -> memref<96xi32, #tpu.memory_space<vmem>>
          %dma_wait3A_196 = arith.constant 0 : i32
          %dma_wait3A_197 = arith.constant 0 : i32
          %dma_wait3A_198 = tpu.memref_slice %arg3[%dma_wait3A_196, %dma_wait3A_197] : memref<10000x128xf32, #tpu.memory_space<hbm>> -> memref<10000x128xf32, #tpu.memory_space<hbm>>
          tpu.wait_indirect_dma semaphore(%arg11 : memref<!tpu.dma_semaphore, #tpu.memory_space<semaphore_mem>>) src(%dma_wait3A_198 : memref<10000x128xf32, #tpu.memory_space<hbm>>) dst(%dma_wait3A_194 : memref<96x128xf32, #tpu.memory_space<vmem>>)
          %add3A_199 = arith.constant 1 : i32
          %add3A_200 = arith.addi %while3A_147, %add3A_199 : i32
          %lt3A_201 = arith.cmpi slt, %add3A_200, %select_n3A : i32
          %convert_element_type3A_202 = arith.extui %lt3A_201 : i1 to i32
          %cond3A_203 = arith.constant 0 : i32
          %cond3A_204 = arith.cmpi ne, %convert_element_type3A_202, %cond3A_203 : i32
          scf.if %cond3A_204 {
            %add3A_207 = arith.constant 1 : i32
            %add3A_208 = arith.addi %while3A_147, %add3A_207 : i32
            %mul3A_209 = arith.constant 96 : i32
            %mul3A_210 = arith.muli %add3A_208, %mul3A_209 : i32
            %dma_start3A = arith.constant 96 : i32
            %dma_start3A_211 = arith.constant 0 : i32
            %dma_start3A_212 = tpu.memref_slice %arg10[%dma_start3A, %dma_start3A_211] : memref<256x128xf32, #tpu.memory_space<vmem>> -> memref<96x128xf32, #tpu.memory_space<vmem>>
            %dma_start3A_213 = tpu.memref_slice %arg8[%mul3A_210] : memref<672xi32, #tpu.memory_space<vmem>> -> memref<96xi32, #tpu.memory_space<vmem>>
            %dma_start3A_214 = arith.constant 0 : i32
            %dma_start3A_215 = arith.constant 0 : i32
            %dma_start3A_216 = tpu.memref_slice %arg3[%dma_start3A_214, %dma_start3A_215] : memref<10000x128xf32, #tpu.memory_space<hbm>> -> memref<10000x128xf32, #tpu.memory_space<hbm>>
            tpu.enqueue_indirect_dma source(%dma_start3A_216 : memref<10000x128xf32, #tpu.memory_space<hbm>>) target(%dma_start3A_212 : memref<96x128xf32, #tpu.memory_space<vmem>>) offsets(%dma_start3A_213 : memref<96xi32, #tpu.memory_space<vmem>>) semaphore(%arg12 : memref<!tpu.dma_semaphore, #tpu.memory_space<semaphore_mem>>)
          } else {
          }
          %mul3A_205 = arith.constant 96 : i32
          %mul3A_206 = arith.muli %while3A_147, %mul3A_205 : i32
          "tpu.region"() ({
            %run_scoped3A = tpu.sem_alloc : memref<!tpu.dma_semaphore, #tpu.memory_space<semaphore_mem>>
            %dma_start3A = arith.constant 0 : i32
            %dma_start3A_207 = arith.constant 0 : i32
            %dma_start3A_208 = tpu.memref_slice %arg10[%dma_start3A, %dma_start3A_207] : memref<256x128xf32, #tpu.memory_space<vmem>> -> memref<96x128xf32, #tpu.memory_space<vmem>>
            %dma_start3A_209 = tpu.memref_slice %arg9[%mul3A_206] : memref<672xi32, #tpu.memory_space<vmem>> -> memref<96xi32, #tpu.memory_space<vmem>>
            %dma_start3A_210 = arith.constant 0 : i32
            %dma_start3A_211 = arith.constant 0 : i32
            %dma_start3A_212 = tpu.memref_slice %arg6[%dma_start3A_210, %dma_start3A_211] : memref<10256x128xf32, #tpu.memory_space<vmem_shared>> -> memref<10256x128xf32, #tpu.memory_space<vmem_shared>>
            tpu.enqueue_indirect_dma source(%dma_start3A_208 : memref<96x128xf32, #tpu.memory_space<vmem>>) target(%dma_start3A_212 : memref<10256x128xf32, #tpu.memory_space<vmem_shared>>) offsets(%dma_start3A_209 : memref<96xi32, #tpu.memory_space<vmem>>) semaphore(%run_scoped3A : memref<!tpu.dma_semaphore, #tpu.memory_space<semaphore_mem>>) {add = true}
            %dma_wait3A_213 = arith.constant 0 : i32
            %dma_wait3A_214 = arith.constant 0 : i32
            %dma_wait3A_215 = tpu.memref_slice %arg10[%dma_wait3A_213, %dma_wait3A_214] : memref<256x128xf32, #tpu.memory_space<vmem>> -> memref<96x128xf32, #tpu.memory_space<vmem>>
            %dma_wait3A_216 = tpu.memref_slice %arg9[%mul3A_206] : memref<672xi32, #tpu.memory_space<vmem>> -> memref<96xi32, #tpu.memory_space<vmem>>
            %dma_wait3A_217 = arith.constant 0 : i32
            %dma_wait3A_218 = arith.constant 0 : i32
            %dma_wait3A_219 = tpu.memref_slice %arg6[%dma_wait3A_217, %dma_wait3A_218] : memref<10256x128xf32, #tpu.memory_space<vmem_shared>> -> memref<10256x128xf32, #tpu.memory_space<vmem_shared>>
            tpu.wait_indirect_dma semaphore(%run_scoped3A : memref<!tpu.dma_semaphore, #tpu.memory_space<semaphore_mem>>) src(%dma_wait3A_215 : memref<96x128xf32, #tpu.memory_space<vmem>>) dst(%dma_wait3A_219 : memref<10256x128xf32, #tpu.memory_space<vmem_shared>>)
            tpu.yield
          }) : () -> ()
        } else {
        }
        %jit3A_169 = arith.constant 2 : i32
        %eq3A_170 = arith.constant 0 : i32
        %eq3A_171 = arith.cmpi eq, %jit3A_169, %eq3A_170 : i32
        %jit3A_172 = arith.constant 1 : i32
        %select_n3A_173 = arith.select %eq3A_171, %jit3A_172, %jit3A_169 : i32
        %rem3A_174 = arith.remsi %while3A_147, %select_n3A_173 : i32
        %ne3A_175 = arith.constant 0 : i32
        %ne3A_176 = arith.cmpi ne, %rem3A_174, %ne3A_175 : i32
        %lt3A_177 = arith.constant 0 : i32
        %lt3A_178 = arith.cmpi slt, %rem3A_174, %lt3A_177 : i32
        %lt3A_179 = arith.constant 0 : i32
        %lt3A_180 = arith.cmpi slt, %select_n3A_173, %lt3A_179 : i32
        %ne3A_181 = arith.xori %lt3A_178, %lt3A_180 : i1
        %and3A_182 = arith.andi %ne3A_181, %ne3A_176 : i1
        %add3A_183 = arith.addi %rem3A_174, %select_n3A_173 : i32
        %select_n3A_184 = arith.select %and3A_182, %add3A_183, %rem3A_174 : i32
        %eq3A_185 = arith.constant 1 : i32
        %eq3A_186 = arith.cmpi eq, %select_n3A_184, %eq3A_185 : i32
        %convert_element_type3A_187 = arith.extui %eq3A_186 : i1 to i32
        %cond3A_188 = arith.constant 0 : i32
        %cond3A_189 = arith.cmpi ne, %convert_element_type3A_187, %cond3A_188 : i32
        scf.if %cond3A_189 {
          %mul3A_191 = arith.constant 96 : i32
          %mul3A_192 = arith.muli %while3A_147, %mul3A_191 : i32
          %dma_wait3A = arith.constant 96 : i32
          %dma_wait3A_193 = arith.constant 0 : i32
          %dma_wait3A_194 = tpu.memref_slice %arg10[%dma_wait3A, %dma_wait3A_193] : memref<256x128xf32, #tpu.memory_space<vmem>> -> memref<96x128xf32, #tpu.memory_space<vmem>>
          %dma_wait3A_195 = tpu.memref_slice %arg8[%mul3A_192] : memref<672xi32, #tpu.memory_space<vmem>> -> memref<96xi32, #tpu.memory_space<vmem>>
          %dma_wait3A_196 = arith.constant 0 : i32
          %dma_wait3A_197 = arith.constant 0 : i32
          %dma_wait3A_198 = tpu.memref_slice %arg3[%dma_wait3A_196, %dma_wait3A_197] : memref<10000x128xf32, #tpu.memory_space<hbm>> -> memref<10000x128xf32, #tpu.memory_space<hbm>>
          tpu.wait_indirect_dma semaphore(%arg12 : memref<!tpu.dma_semaphore, #tpu.memory_space<semaphore_mem>>) src(%dma_wait3A_198 : memref<10000x128xf32, #tpu.memory_space<hbm>>) dst(%dma_wait3A_194 : memref<96x128xf32, #tpu.memory_space<vmem>>)
          %add3A_199 = arith.constant 1 : i32
          %add3A_200 = arith.addi %while3A_147, %add3A_199 : i32
          %lt3A_201 = arith.cmpi slt, %add3A_200, %select_n3A : i32
          %convert_element_type3A_202 = arith.extui %lt3A_201 : i1 to i32
          %cond3A_203 = arith.constant 0 : i32
          %cond3A_204 = arith.cmpi ne, %convert_element_type3A_202, %cond3A_203 : i32
          scf.if %cond3A_204 {
            %add3A_207 = arith.constant 1 : i32
            %add3A_208 = arith.addi %while3A_147, %add3A_207 : i32
            %mul3A_209 = arith.constant 96 : i32
            %mul3A_210 = arith.muli %add3A_208, %mul3A_209 : i32
            %dma_start3A = arith.constant 0 : i32
            %dma_start3A_211 = arith.constant 0 : i32
            %dma_start3A_212 = tpu.memref_slice %arg10[%dma_start3A, %dma_start3A_211] : memref<256x128xf32, #tpu.memory_space<vmem>> -> memref<96x128xf32, #tpu.memory_space<vmem>>
            %dma_start3A_213 = tpu.memref_slice %arg8[%mul3A_210] : memref<672xi32, #tpu.memory_space<vmem>> -> memref<96xi32, #tpu.memory_space<vmem>>
            %dma_start3A_214 = arith.constant 0 : i32
            %dma_start3A_215 = arith.constant 0 : i32
            %dma_start3A_216 = tpu.memref_slice %arg3[%dma_start3A_214, %dma_start3A_215] : memref<10000x128xf32, #tpu.memory_space<hbm>> -> memref<10000x128xf32, #tpu.memory_space<hbm>>
            tpu.enqueue_indirect_dma source(%dma_start3A_216 : memref<10000x128xf32, #tpu.memory_space<hbm>>) target(%dma_start3A_212 : memref<96x128xf32, #tpu.memory_space<vmem>>) offsets(%dma_start3A_213 : memref<96xi32, #tpu.memory_space<vmem>>) semaphore(%arg11 : memref<!tpu.dma_semaphore, #tpu.memory_space<semaphore_mem>>)
          } else {
          }
          %mul3A_205 = arith.constant 96 : i32
          %mul3A_206 = arith.muli %while3A_147, %mul3A_205 : i32
          "tpu.region"() ({
            %run_scoped3A = tpu.sem_alloc : memref<!tpu.dma_semaphore, #tpu.memory_space<semaphore_mem>>
            %dma_start3A = arith.constant 96 : i32
            %dma_start3A_207 = arith.constant 0 : i32
            %dma_start3A_208 = tpu.memref_slice %arg10[%dma_start3A, %dma_start3A_207] : memref<256x128xf32, #tpu.memory_space<vmem>> -> memref<96x128xf32, #tpu.memory_space<vmem>>
            %dma_start3A_209 = tpu.memref_slice %arg9[%mul3A_206] : memref<672xi32, #tpu.memory_space<vmem>> -> memref<96xi32, #tpu.memory_space<vmem>>
            %dma_start3A_210 = arith.constant 0 : i32
            %dma_start3A_211 = arith.constant 0 : i32
            %dma_start3A_212 = tpu.memref_slice %arg6[%dma_start3A_210, %dma_start3A_211] : memref<10256x128xf32, #tpu.memory_space<vmem_shared>> -> memref<10256x128xf32, #tpu.memory_space<vmem_shared>>
            tpu.enqueue_indirect_dma source(%dma_start3A_208 : memref<96x128xf32, #tpu.memory_space<vmem>>) target(%dma_start3A_212 : memref<10256x128xf32, #tpu.memory_space<vmem_shared>>) offsets(%dma_start3A_209 : memref<96xi32, #tpu.memory_space<vmem>>) semaphore(%run_scoped3A : memref<!tpu.dma_semaphore, #tpu.memory_space<semaphore_mem>>) {add = true}
            %dma_wait3A_213 = arith.constant 96 : i32
            %dma_wait3A_214 = arith.constant 0 : i32
            %dma_wait3A_215 = tpu.memref_slice %arg10[%dma_wait3A_213, %dma_wait3A_214] : memref<256x128xf32, #tpu.memory_space<vmem>> -> memref<96x128xf32, #tpu.memory_space<vmem>>
            %dma_wait3A_216 = tpu.memref_slice %arg9[%mul3A_206] : memref<672xi32, #tpu.memory_space<vmem>> -> memref<96xi32, #tpu.memory_space<vmem>>
            %dma_wait3A_217 = arith.constant 0 : i32
            %dma_wait3A_218 = arith.constant 0 : i32
            %dma_wait3A_219 = tpu.memref_slice %arg6[%dma_wait3A_217, %dma_wait3A_218] : memref<10256x128xf32, #tpu.memory_space<vmem_shared>> -> memref<10256x128xf32, #tpu.memory_space<vmem_shared>>
            tpu.wait_indirect_dma semaphore(%run_scoped3A : memref<!tpu.dma_semaphore, #tpu.memory_space<semaphore_mem>>) src(%dma_wait3A_215 : memref<96x128xf32, #tpu.memory_space<vmem>>) dst(%dma_wait3A_219 : memref<10256x128xf32, #tpu.memory_space<vmem_shared>>)
            tpu.yield
          }) : () -> ()
        } else {
        }
        %while3A_190 = arith.constant 0 : i32
        scf.yield %while3A_190 : i32
      }
      %barrier3A_132 = arith.constant 0 : index
      tpu.barrier barrier_id(%barrier3A_132)
      %add3A_133 = arith.constant 0 : i32
      %add3A_134 = arith.addi %sub3A, %add3A_133 : i32
      "tpu.region"() ({
        %run_scoped3A = tpu.sem_alloc : memref<!tpu.dma_semaphore, #tpu.memory_space<semaphore_mem>>
        %dma_start3A = arith.constant 0 : i32
        %dma_start3A_147 = tpu.memref_slice %arg6[%add3A_134, %dma_start3A] : memref<10256x128xf32, #tpu.memory_space<vmem_shared>> -> memref<256x128xf32, #tpu.memory_space<vmem_shared>>
        %dma_start3A_148 = arith.constant 0 : i32
        %dma_start3A_149 = tpu.memref_slice %arg6[%add3A_134, %dma_start3A_148] : memref<10256x128xf32, #tpu.memory_space<vmem_shared>> -> memref<256x128xf32, #tpu.memory_space<vmem_shared>>
        tpu.enqueue_dma source(%dma_start3A_149 : memref<256x128xf32, #tpu.memory_space<vmem_shared>>) target(%arg10 : memref<256x128xf32, #tpu.memory_space<vmem>>) target_semaphore(%run_scoped3A : memref<!tpu.dma_semaphore, #tpu.memory_space<semaphore_mem>>)
        %dma_wait3A = arith.constant 0 : i32
        %dma_wait3A_150 = tpu.memref_slice %arg6[%add3A_134, %dma_wait3A] : memref<10256x128xf32, #tpu.memory_space<vmem_shared>> -> memref<256x128xf32, #tpu.memory_space<vmem_shared>>
        %dma_wait3A_151 = arith.constant 0 : i32
        %dma_wait3A_152 = tpu.memref_slice %arg6[%add3A_134, %dma_wait3A_151] : memref<10256x128xf32, #tpu.memory_space<vmem_shared>> -> memref<256x128xf32, #tpu.memory_space<vmem_shared>>
        tpu.wait_dma2 semaphore(%run_scoped3A : memref<!tpu.dma_semaphore, #tpu.memory_space<semaphore_mem>>) src(%dma_wait3A_152 : memref<256x128xf32, #tpu.memory_space<vmem_shared>>) dst(%arg10 : memref<256x128xf32, #tpu.memory_space<vmem>>)
        tpu.yield
      }) : () -> ()
      %add3A_135 = arith.constant 0 : i32
      %add3A_136 = arith.addi %min3A_23, %add3A_135 : i32
      "tpu.region"() ({
        %run_scoped3A = tpu.sem_alloc : memref<!tpu.dma_semaphore, #tpu.memory_space<semaphore_mem>>
        %dma_start3A = arith.constant 0 : i32
        %dma_start3A_147 = tpu.memref_slice %arg5[%add3A_136, %dma_start3A] : memref<100000x128xf32, #tpu.memory_space<hbm>> -> memref<256x128xf32, #tpu.memory_space<hbm>>
        %dma_start3A_148 = arith.constant 0 : i32
        %dma_start3A_149 = tpu.memref_slice %arg5[%add3A_136, %dma_start3A_148] : memref<100000x128xf32, #tpu.memory_space<hbm>> -> memref<256x128xf32, #tpu.memory_space<hbm>>
        tpu.enqueue_dma source(%arg10 : memref<256x128xf32, #tpu.memory_space<vmem>>) target(%dma_start3A_149 : memref<256x128xf32, #tpu.memory_space<hbm>>) target_semaphore(%run_scoped3A : memref<!tpu.dma_semaphore, #tpu.memory_space<semaphore_mem>>)
        %dma_wait3A = arith.constant 0 : i32
        %dma_wait3A_150 = tpu.memref_slice %arg5[%add3A_136, %dma_wait3A] : memref<100000x128xf32, #tpu.memory_space<hbm>> -> memref<256x128xf32, #tpu.memory_space<hbm>>
        %dma_wait3A_151 = arith.constant 0 : i32
        %dma_wait3A_152 = tpu.memref_slice %arg5[%add3A_136, %dma_wait3A_151] : memref<100000x128xf32, #tpu.memory_space<hbm>> -> memref<256x128xf32, #tpu.memory_space<hbm>>
        tpu.wait_dma2 semaphore(%run_scoped3A : memref<!tpu.dma_semaphore, #tpu.memory_space<semaphore_mem>>) src(%arg10 : memref<256x128xf32, #tpu.memory_space<vmem>>) dst(%dma_wait3A_152 : memref<256x128xf32, #tpu.memory_space<hbm>>)
        tpu.yield
      }) : () -> ()
      %add3A_137 = arith.constant 256 : i32
      %add3A_138 = arith.addi %sub3A, %add3A_137 : i32
      "tpu.region"() ({
        %run_scoped3A = tpu.sem_alloc : memref<!tpu.dma_semaphore, #tpu.memory_space<semaphore_mem>>
        %dma_start3A = arith.constant 0 : i32
        %dma_start3A_147 = tpu.memref_slice %arg6[%add3A_138, %dma_start3A] : memref<10256x128xf32, #tpu.memory_space<vmem_shared>> -> memref<256x128xf32, #tpu.memory_space<vmem_shared>>
        %dma_start3A_148 = arith.constant 0 : i32
        %dma_start3A_149 = tpu.memref_slice %arg6[%add3A_138, %dma_start3A_148] : memref<10256x128xf32, #tpu.memory_space<vmem_shared>> -> memref<256x128xf32, #tpu.memory_space<vmem_shared>>
        tpu.enqueue_dma source(%dma_start3A_149 : memref<256x128xf32, #tpu.memory_space<vmem_shared>>) target(%arg10 : memref<256x128xf32, #tpu.memory_space<vmem>>) target_semaphore(%run_scoped3A : memref<!tpu.dma_semaphore, #tpu.memory_space<semaphore_mem>>)
        %dma_wait3A = arith.constant 0 : i32
        %dma_wait3A_150 = tpu.memref_slice %arg6[%add3A_138, %dma_wait3A] : memref<10256x128xf32, #tpu.memory_space<vmem_shared>> -> memref<256x128xf32, #tpu.memory_space<vmem_shared>>
        %dma_wait3A_151 = arith.constant 0 : i32
        %dma_wait3A_152 = tpu.memref_slice %arg6[%add3A_138, %dma_wait3A_151] : memref<10256x128xf32, #tpu.memory_space<vmem_shared>> -> memref<256x128xf32, #tpu.memory_space<vmem_shared>>
        tpu.wait_dma2 semaphore(%run_scoped3A : memref<!tpu.dma_semaphore, #tpu.memory_space<semaphore_mem>>) src(%dma_wait3A_152 : memref<256x128xf32, #tpu.memory_space<vmem_shared>>) dst(%arg10 : memref<256x128xf32, #tpu.memory_space<vmem>>)
        tpu.yield
      }) : () -> ()
      %add3A_139 = arith.constant 256 : i32
      %add3A_140 = arith.addi %min3A_23, %add3A_139 : i32
      "tpu.region"() ({
        %run_scoped3A = tpu.sem_alloc : memref<!tpu.dma_semaphore, #tpu.memory_space<semaphore_mem>>
        %dma_start3A = arith.constant 0 : i32
        %dma_start3A_147 = tpu.memref_slice %arg5[%add3A_140, %dma_start3A] : memref<100000x128xf32, #tpu.memory_space<hbm>> -> memref<256x128xf32, #tpu.memory_space<hbm>>
        %dma_start3A_148 = arith.constant 0 : i32
        %dma_start3A_149 = tpu.memref_slice %arg5[%add3A_140, %dma_start3A_148] : memref<100000x128xf32, #tpu.memory_space<hbm>> -> memref<256x128xf32, #tpu.memory_space<hbm>>
        tpu.enqueue_dma source(%arg10 : memref<256x128xf32, #tpu.memory_space<vmem>>) target(%dma_start3A_149 : memref<256x128xf32, #tpu.memory_space<hbm>>) target_semaphore(%run_scoped3A : memref<!tpu.dma_semaphore, #tpu.memory_space<semaphore_mem>>)
        %dma_wait3A = arith.constant 0 : i32
        %dma_wait3A_150 = tpu.memref_slice %arg5[%add3A_140, %dma_wait3A] : memref<100000x128xf32, #tpu.memory_space<hbm>> -> memref<256x128xf32, #tpu.memory_space<hbm>>
        %dma_wait3A_151 = arith.constant 0 : i32
        %dma_wait3A_152 = tpu.memref_slice %arg5[%add3A_140, %dma_wait3A_151] : memref<100000x128xf32, #tpu.memory_space<hbm>> -> memref<256x128xf32, #tpu.memory_space<hbm>>
        tpu.wait_dma2 semaphore(%run_scoped3A : memref<!tpu.dma_semaphore, #tpu.memory_space<semaphore_mem>>) src(%arg10 : memref<256x128xf32, #tpu.memory_space<vmem>>) dst(%dma_wait3A_152 : memref<256x128xf32, #tpu.memory_space<hbm>>)
        tpu.yield
      }) : () -> ()
      %add3A_141 = arith.constant 512 : i32
      %add3A_142 = arith.addi %sub3A, %add3A_141 : i32
      "tpu.region"() ({
        %run_scoped3A = tpu.sem_alloc : memref<!tpu.dma_semaphore, #tpu.memory_space<semaphore_mem>>
        %dma_start3A = arith.constant 0 : i32
        %dma_start3A_147 = arith.constant 0 : i32
        %dma_start3A_148 = tpu.memref_slice %arg10[%dma_start3A, %dma_start3A_147] : memref<256x128xf32, #tpu.memory_space<vmem>> -> memref<128x128xf32, #tpu.memory_space<vmem>>
        %dma_start3A_149 = arith.constant 0 : i32
        %dma_start3A_150 = tpu.memref_slice %arg6[%add3A_142, %dma_start3A_149] : memref<10256x128xf32, #tpu.memory_space<vmem_shared>> -> memref<128x128xf32, #tpu.memory_space<vmem_shared>>
        %dma_start3A_151 = arith.constant 0 : i32
        %dma_start3A_152 = arith.constant 0 : i32
        %dma_start3A_153 = tpu.memref_slice %arg10[%dma_start3A_151, %dma_start3A_152] : memref<256x128xf32, #tpu.memory_space<vmem>> -> memref<128x128xf32, #tpu.memory_space<vmem>>
        %dma_start3A_154 = arith.constant 0 : i32
        %dma_start3A_155 = tpu.memref_slice %arg6[%add3A_142, %dma_start3A_154] : memref<10256x128xf32, #tpu.memory_space<vmem_shared>> -> memref<128x128xf32, #tpu.memory_space<vmem_shared>>
        tpu.enqueue_dma source(%dma_start3A_155 : memref<128x128xf32, #tpu.memory_space<vmem_shared>>) target(%dma_start3A_153 : memref<128x128xf32, #tpu.memory_space<vmem>>) target_semaphore(%run_scoped3A : memref<!tpu.dma_semaphore, #tpu.memory_space<semaphore_mem>>)
        %dma_wait3A = arith.constant 0 : i32
        %dma_wait3A_156 = arith.constant 0 : i32
        %dma_wait3A_157 = tpu.memref_slice %arg10[%dma_wait3A, %dma_wait3A_156] : memref<256x128xf32, #tpu.memory_space<vmem>> -> memref<128x128xf32, #tpu.memory_space<vmem>>
        %dma_wait3A_158 = arith.constant 0 : i32
        %dma_wait3A_159 = tpu.memref_slice %arg6[%add3A_142, %dma_wait3A_158] : memref<10256x128xf32, #tpu.memory_space<vmem_shared>> -> memref<128x128xf32, #tpu.memory_space<vmem_shared>>
        %dma_wait3A_160 = arith.constant 0 : i32
        %dma_wait3A_161 = arith.constant 0 : i32
        %dma_wait3A_162 = tpu.memref_slice %arg10[%dma_wait3A_160, %dma_wait3A_161] : memref<256x128xf32, #tpu.memory_space<vmem>> -> memref<128x128xf32, #tpu.memory_space<vmem>>
        %dma_wait3A_163 = arith.constant 0 : i32
        %dma_wait3A_164 = tpu.memref_slice %arg6[%add3A_142, %dma_wait3A_163] : memref<10256x128xf32, #tpu.memory_space<vmem_shared>> -> memref<128x128xf32, #tpu.memory_space<vmem_shared>>
        tpu.wait_dma2 semaphore(%run_scoped3A : memref<!tpu.dma_semaphore, #tpu.memory_space<semaphore_mem>>) src(%dma_wait3A_164 : memref<128x128xf32, #tpu.memory_space<vmem_shared>>) dst(%dma_wait3A_162 : memref<128x128xf32, #tpu.memory_space<vmem>>)
        tpu.yield
      }) : () -> ()
      %add3A_143 = arith.constant 512 : i32
      %add3A_144 = arith.addi %min3A_23, %add3A_143 : i32
      "tpu.region"() ({
        %run_scoped3A = tpu.sem_alloc : memref<!tpu.dma_semaphore, #tpu.memory_space<semaphore_mem>>
        %dma_start3A = arith.constant 0 : i32
        %dma_start3A_147 = arith.constant 0 : i32
        %dma_start3A_148 = tpu.memref_slice %arg10[%dma_start3A, %dma_start3A_147] : memref<256x128xf32, #tpu.memory_space<vmem>> -> memref<128x128xf32, #tpu.memory_space<vmem>>
        %dma_start3A_149 = arith.constant 0 : i32
        %dma_start3A_150 = tpu.memref_slice %arg5[%add3A_144, %dma_start3A_149] : memref<100000x128xf32, #tpu.memory_space<hbm>> -> memref<128x128xf32, #tpu.memory_space<hbm>>
        %dma_start3A_151 = arith.constant 0 : i32
        %dma_start3A_152 = tpu.memref_slice %arg5[%add3A_144, %dma_start3A_151] : memref<100000x128xf32, #tpu.memory_space<hbm>> -> memref<128x128xf32, #tpu.memory_space<hbm>>
        %dma_start3A_153 = arith.constant 0 : i32
        %dma_start3A_154 = arith.constant 0 : i32
        %dma_start3A_155 = tpu.memref_slice %arg10[%dma_start3A_153, %dma_start3A_154] : memref<256x128xf32, #tpu.memory_space<vmem>> -> memref<128x128xf32, #tpu.memory_space<vmem>>
        tpu.enqueue_dma source(%dma_start3A_155 : memref<128x128xf32, #tpu.memory_space<vmem>>) target(%dma_start3A_152 : memref<128x128xf32, #tpu.memory_space<hbm>>) target_semaphore(%run_scoped3A : memref<!tpu.dma_semaphore, #tpu.memory_space<semaphore_mem>>)
        %dma_wait3A = arith.constant 0 : i32
        %dma_wait3A_156 = arith.constant 0 : i32
        %dma_wait3A_157 = tpu.memref_slice %arg10[%dma_wait3A, %dma_wait3A_156] : memref<256x128xf32, #tpu.memory_space<vmem>> -> memref<128x128xf32, #tpu.memory_space<vmem>>
        %dma_wait3A_158 = arith.constant 0 : i32
        %dma_wait3A_159 = tpu.memref_slice %arg5[%add3A_144, %dma_wait3A_158] : memref<100000x128xf32, #tpu.memory_space<hbm>> -> memref<128x128xf32, #tpu.memory_space<hbm>>
        %dma_wait3A_160 = arith.constant 0 : i32
        %dma_wait3A_161 = tpu.memref_slice %arg5[%add3A_144, %dma_wait3A_160] : memref<100000x128xf32, #tpu.memory_space<hbm>> -> memref<128x128xf32, #tpu.memory_space<hbm>>
        %dma_wait3A_162 = arith.constant 0 : i32
        %dma_wait3A_163 = arith.constant 0 : i32
        %dma_wait3A_164 = tpu.memref_slice %arg10[%dma_wait3A_162, %dma_wait3A_163] : memref<256x128xf32, #tpu.memory_space<vmem>> -> memref<128x128xf32, #tpu.memory_space<vmem>>
        tpu.wait_dma2 semaphore(%run_scoped3A : memref<!tpu.dma_semaphore, #tpu.memory_space<semaphore_mem>>) src(%dma_wait3A_164 : memref<128x128xf32, #tpu.memory_space<vmem>>) dst(%dma_wait3A_161 : memref<128x128xf32, #tpu.memory_space<hbm>>)
        tpu.yield
      }) : () -> ()
      %barrier3A_145 = arith.constant 0 : index
      tpu.barrier barrier_id(%barrier3A_145)
      %scan3A_146 = arith.constant 0 : i32
      scf.yield %scan3A_146 : i32
    }
    %scan3A_12 = arith.constant 5 : i32
    return
  }
}

#map = affine_map<(d0, d1) -> (0, 0)>
#map1 = affine_map<(d0, d1) -> (0)>
module attributes {stable_mosaic.version = 14 : i64} {
  func.func @k(%arg0: i32, %arg1: i32, %arg2: memref<100000x128xf32, #tpu.memory_space<hbm>>, %arg3: memref<320000xi32, #tpu.memory_space<hbm>>, %arg4: memref<320000xi32, #tpu.memory_space<hbm>>, %arg5: memref<100000x128xf32, #tpu.memory_space<hbm>>, %arg6: memref<1638400xf32, #tpu.memory_space<hbm>>, %arg7: memref<10256x128xf32, #tpu.memory_space<vmem_shared>>, %arg8: memref<2000xi32, #tpu.memory_space<vmem>>, %arg9: memref<2000xi32, #tpu.memory_space<vmem>>, %arg10: memref<2016xi32, #tpu.memory_space<vmem>>, %arg11: memref<2016xi32, #tpu.memory_space<vmem>>, %arg12: memref<96x128xf32, #tpu.memory_space<vmem>>, %arg13: memref<96x128xf32, #tpu.memory_space<vmem>>, %arg14: memref<10240xf32, #tpu.memory_space<vmem>>, %arg15: memref<!tpu.dma_semaphore, #tpu.memory_space<semaphore_mem>>, %arg16: memref<!tpu.dma_semaphore, #tpu.memory_space<semaphore_mem>>) attributes {dimension_semantics = [#tpu.dimension_semantics<core_parallel>, #tpu.dimension_semantics<subcore_parallel>], iteration_bounds = array<i64: 2, 16>, scalar_prefetch = 0 : i64, scratch_operands = 10 : i64, tpu.core_type = #tpu.core_type<sc_vector_subcore>, window_params = [{transform_indices = #map}, {transform_indices = #map1}, {transform_indices = #map1}, {transform_indices = #map}, {transform_indices = #map1}]} {
    %iota3A = tpu.iota {dimensions = array<i32: 0>} : vector<16xi32>
    %broadcast_in_dim3A = arith.constant 0.000000e+00 : f32
    %broadcast_in_dim3A_0 = vector.broadcast %broadcast_in_dim3A : f32 to vector<16xf32>
    %mul3A = arith.constant 16 : i32
    %mul3A_1 = arith.muli %arg1, %mul3A : i32
    %add3A = vector.broadcast %mul3A_1 : i32 to vector<16xi32>
    %add3A_2 = arith.addi %add3A, %iota3A : vector<16xi32>
    %broadcast_in_dim3A_3 = arith.constant 10240 : i32
    %broadcast_in_dim3A_4 = vector.broadcast %broadcast_in_dim3A_3 : i32 to vector<16xi32>
    %add3A_5 = vector.broadcast %arg1 : i32 to vector<16xi32>
    %add3A_6 = arith.addi %broadcast_in_dim3A_4, %add3A_5 : vector<16xi32>
    %scan3A = arith.constant 0 : i32
    %scan3A_7 = arith.constant 0 : i32
    %scan3A_8 = arith.constant 5 : i32
    %scan3A_9 = arith.addi %scan3A_7, %scan3A_8 : i32
    %scan3A_10 = arith.constant 1 : i32
    %scan3A_11 = scf.for %scan3A_13 = %scan3A_7 to %scan3A_9 step %scan3A_10 iter_args(%scan3A_14 = %scan3A) -> (i32)  : i32 {
      %mul3A_15 = arith.constant 5 : i32
      %mul3A_16 = arith.muli %arg0, %mul3A_15 : i32
      %add3A_17 = arith.addi %mul3A_16, %scan3A_13 : i32
      %mul3A_18 = arith.constant 10240 : i32
      %mul3A_19 = arith.muli %add3A_17, %mul3A_18 : i32
      %mul3A_20 = arith.constant 640 : i32
      %mul3A_21 = arith.muli %arg1, %mul3A_20 : i32
      %add3A_22 = arith.addi %mul3A_19, %mul3A_21 : i32
      %min3A = arith.constant 99360 : i32
      %min3A_23 = arith.minsi %add3A_22, %min3A : i32
      %sub3A = arith.subi %min3A_23, %mul3A_19 : i32
      %scan3A_24 = arith.constant 0 : i32
      %scan3A_25 = arith.constant 0 : i32
      %scan3A_26 = arith.constant 768 : i32
      %scan3A_27 = arith.addi %scan3A_25, %scan3A_26 : i32
      %scan3A_28 = arith.constant 1 : i32
      %scan3A_29 = scf.for %scan3A_259 = %scan3A_25 to %scan3A_27 step %scan3A_28 iter_args(%scan3A_260 = %scan3A_24) -> (i32)  : i32 {
        %mul3A_261 = arith.constant 16 : i32
        %mul3A_262 = arith.muli %scan3A_259, %mul3A_261 : i32
        %add3A_263 = vector.broadcast %mul3A_262 : i32 to vector<16xi32>
        %add3A_264 = arith.addi %add3A_263, %iota3A : vector<16xi32>
        %shift_right_arithmetic3A = arith.constant 7 : i32
        %shift_right_arithmetic3A_265 = vector.broadcast %shift_right_arithmetic3A : i32 to vector<16xi32>
        %shift_right_arithmetic3A_266 = arith.shrsi %add3A_264, %shift_right_arithmetic3A_265 : vector<16xi32>
        %and3A = arith.constant 127 : i32
        %and3A_267 = vector.broadcast %and3A : i32 to vector<16xi32>
        %and3A_268 = arith.andi %add3A_264, %and3A_267 : vector<16xi32>
        tpu.vector_store_idx %arg12[%shift_right_arithmetic3A_266, %and3A_268], %broadcast_in_dim3A_0 : memref<96x128xf32, #tpu.memory_space<vmem>>[vector<16xi32>, vector<16xi32>], vector<16xf32>,
        %scan3A_269 = arith.constant 0 : i32
        scf.yield %scan3A_269 : i32
      }
      %scan3A_30 = arith.constant 768 : i32
      %mul3A_31 = arith.constant 640 : i32
      %mul3A_32 = arith.muli %arg1, %mul3A_31 : i32
      %add3A_33 = arith.constant 0 : i32
      %add3A_34 = arith.addi %mul3A_32, %add3A_33 : i32
      "tpu.region"() ({
        %run_scoped3A = tpu.sem_alloc : memref<!tpu.dma_semaphore, #tpu.memory_space<semaphore_mem>>
        %dma_start3A_259 = arith.constant 0 : i32
        %dma_start3A_260 = tpu.memref_slice %arg7[%add3A_34, %dma_start3A_259] : memref<10256x128xf32, #tpu.memory_space<vmem_shared>> -> memref<96x128xf32, #tpu.memory_space<vmem_shared>>
        %dma_start3A_261 = arith.constant 0 : i32
        %dma_start3A_262 = tpu.memref_slice %arg7[%add3A_34, %dma_start3A_261] : memref<10256x128xf32, #tpu.memory_space<vmem_shared>> -> memref<96x128xf32, #tpu.memory_space<vmem_shared>>
        tpu.enqueue_dma source(%arg12 : memref<96x128xf32, #tpu.memory_space<vmem>>) target(%dma_start3A_262 : memref<96x128xf32, #tpu.memory_space<vmem_shared>>) target_semaphore(%run_scoped3A : memref<!tpu.dma_semaphore, #tpu.memory_space<semaphore_mem>>)
        %dma_wait3A_263 = arith.constant 0 : i32
        %dma_wait3A_264 = tpu.memref_slice %arg7[%add3A_34, %dma_wait3A_263] : memref<10256x128xf32, #tpu.memory_space<vmem_shared>> -> memref<96x128xf32, #tpu.memory_space<vmem_shared>>
        %dma_wait3A_265 = arith.constant 0 : i32
        %dma_wait3A_266 = tpu.memref_slice %arg7[%add3A_34, %dma_wait3A_265] : memref<10256x128xf32, #tpu.memory_space<vmem_shared>> -> memref<96x128xf32, #tpu.memory_space<vmem_shared>>
        tpu.wait_dma2 semaphore(%run_scoped3A : memref<!tpu.dma_semaphore, #tpu.memory_space<semaphore_mem>>) src(%arg12 : memref<96x128xf32, #tpu.memory_space<vmem>>) dst(%dma_wait3A_266 : memref<96x128xf32, #tpu.memory_space<vmem_shared>>)
        tpu.yield
      }) : () -> ()
      %mul3A_35 = arith.constant 640 : i32
      %mul3A_36 = arith.muli %arg1, %mul3A_35 : i32
      %add3A_37 = arith.constant 96 : i32
      %add3A_38 = arith.addi %mul3A_36, %add3A_37 : i32
      "tpu.region"() ({
        %run_scoped3A = tpu.sem_alloc : memref<!tpu.dma_semaphore, #tpu.memory_space<semaphore_mem>>
        %dma_start3A_259 = arith.constant 0 : i32
        %dma_start3A_260 = tpu.memref_slice %arg7[%add3A_38, %dma_start3A_259] : memref<10256x128xf32, #tpu.memory_space<vmem_shared>> -> memref<96x128xf32, #tpu.memory_space<vmem_shared>>
        %dma_start3A_261 = arith.constant 0 : i32
        %dma_start3A_262 = tpu.memref_slice %arg7[%add3A_38, %dma_start3A_261] : memref<10256x128xf32, #tpu.memory_space<vmem_shared>> -> memref<96x128xf32, #tpu.memory_space<vmem_shared>>
        tpu.enqueue_dma source(%arg12 : memref<96x128xf32, #tpu.memory_space<vmem>>) target(%dma_start3A_262 : memref<96x128xf32, #tpu.memory_space<vmem_shared>>) target_semaphore(%run_scoped3A : memref<!tpu.dma_semaphore, #tpu.memory_space<semaphore_mem>>)
        %dma_wait3A_263 = arith.constant 0 : i32
        %dma_wait3A_264 = tpu.memref_slice %arg7[%add3A_38, %dma_wait3A_263] : memref<10256x128xf32, #tpu.memory_space<vmem_shared>> -> memref<96x128xf32, #tpu.memory_space<vmem_shared>>
        %dma_wait3A_265 = arith.constant 0 : i32
        %dma_wait3A_266 = tpu.memref_slice %arg7[%add3A_38, %dma_wait3A_265] : memref<10256x128xf32, #tpu.memory_space<vmem_shared>> -> memref<96x128xf32, #tpu.memory_space<vmem_shared>>
        tpu.wait_dma2 semaphore(%run_scoped3A : memref<!tpu.dma_semaphore, #tpu.memory_space<semaphore_mem>>) src(%arg12 : memref<96x128xf32, #tpu.memory_space<vmem>>) dst(%dma_wait3A_266 : memref<96x128xf32, #tpu.memory_space<vmem_shared>>)
        tpu.yield
      }) : () -> ()
      %mul3A_39 = arith.constant 640 : i32
      %mul3A_40 = arith.muli %arg1, %mul3A_39 : i32
      %add3A_41 = arith.constant 192 : i32
      %add3A_42 = arith.addi %mul3A_40, %add3A_41 : i32
      "tpu.region"() ({
        %run_scoped3A = tpu.sem_alloc : memref<!tpu.dma_semaphore, #tpu.memory_space<semaphore_mem>>
        %dma_start3A_259 = arith.constant 0 : i32
        %dma_start3A_260 = tpu.memref_slice %arg7[%add3A_42, %dma_start3A_259] : memref<10256x128xf32, #tpu.memory_space<vmem_shared>> -> memref<96x128xf32, #tpu.memory_space<vmem_shared>>
        %dma_start3A_261 = arith.constant 0 : i32
        %dma_start3A_262 = tpu.memref_slice %arg7[%add3A_42, %dma_start3A_261] : memref<10256x128xf32, #tpu.memory_space<vmem_shared>> -> memref<96x128xf32, #tpu.memory_space<vmem_shared>>
        tpu.enqueue_dma source(%arg12 : memref<96x128xf32, #tpu.memory_space<vmem>>) target(%dma_start3A_262 : memref<96x128xf32, #tpu.memory_space<vmem_shared>>) target_semaphore(%run_scoped3A : memref<!tpu.dma_semaphore, #tpu.memory_space<semaphore_mem>>)
        %dma_wait3A_263 = arith.constant 0 : i32
        %dma_wait3A_264 = tpu.memref_slice %arg7[%add3A_42, %dma_wait3A_263] : memref<10256x128xf32, #tpu.memory_space<vmem_shared>> -> memref<96x128xf32, #tpu.memory_space<vmem_shared>>
        %dma_wait3A_265 = arith.constant 0 : i32
        %dma_wait3A_266 = tpu.memref_slice %arg7[%add3A_42, %dma_wait3A_265] : memref<10256x128xf32, #tpu.memory_space<vmem_shared>> -> memref<96x128xf32, #tpu.memory_space<vmem_shared>>
        tpu.wait_dma2 semaphore(%run_scoped3A : memref<!tpu.dma_semaphore, #tpu.memory_space<semaphore_mem>>) src(%arg12 : memref<96x128xf32, #tpu.memory_space<vmem>>) dst(%dma_wait3A_266 : memref<96x128xf32, #tpu.memory_space<vmem_shared>>)
        tpu.yield
      }) : () -> ()
      %mul3A_43 = arith.constant 640 : i32
      %mul3A_44 = arith.muli %arg1, %mul3A_43 : i32
      %add3A_45 = arith.constant 288 : i32
      %add3A_46 = arith.addi %mul3A_44, %add3A_45 : i32
      "tpu.region"() ({
        %run_scoped3A = tpu.sem_alloc : memref<!tpu.dma_semaphore, #tpu.memory_space<semaphore_mem>>
        %dma_start3A_259 = arith.constant 0 : i32
        %dma_start3A_260 = tpu.memref_slice %arg7[%add3A_46, %dma_start3A_259] : memref<10256x128xf32, #tpu.memory_space<vmem_shared>> -> memref<96x128xf32, #tpu.memory_space<vmem_shared>>
        %dma_start3A_261 = arith.constant 0 : i32
        %dma_start3A_262 = tpu.memref_slice %arg7[%add3A_46, %dma_start3A_261] : memref<10256x128xf32, #tpu.memory_space<vmem_shared>> -> memref<96x128xf32, #tpu.memory_space<vmem_shared>>
        tpu.enqueue_dma source(%arg12 : memref<96x128xf32, #tpu.memory_space<vmem>>) target(%dma_start3A_262 : memref<96x128xf32, #tpu.memory_space<vmem_shared>>) target_semaphore(%run_scoped3A : memref<!tpu.dma_semaphore, #tpu.memory_space<semaphore_mem>>)
        %dma_wait3A_263 = arith.constant 0 : i32
        %dma_wait3A_264 = tpu.memref_slice %arg7[%add3A_46, %dma_wait3A_263] : memref<10256x128xf32, #tpu.memory_space<vmem_shared>> -> memref<96x128xf32, #tpu.memory_space<vmem_shared>>
        %dma_wait3A_265 = arith.constant 0 : i32
        %dma_wait3A_266 = tpu.memref_slice %arg7[%add3A_46, %dma_wait3A_265] : memref<10256x128xf32, #tpu.memory_space<vmem_shared>> -> memref<96x128xf32, #tpu.memory_space<vmem_shared>>
        tpu.wait_dma2 semaphore(%run_scoped3A : memref<!tpu.dma_semaphore, #tpu.memory_space<semaphore_mem>>) src(%arg12 : memref<96x128xf32, #tpu.memory_space<vmem>>) dst(%dma_wait3A_266 : memref<96x128xf32, #tpu.memory_space<vmem_shared>>)
        tpu.yield
      }) : () -> ()
      %mul3A_47 = arith.constant 640 : i32
      %mul3A_48 = arith.muli %arg1, %mul3A_47 : i32
      %add3A_49 = arith.constant 384 : i32
      %add3A_50 = arith.addi %mul3A_48, %add3A_49 : i32
      "tpu.region"() ({
        %run_scoped3A = tpu.sem_alloc : memref<!tpu.dma_semaphore, #tpu.memory_space<semaphore_mem>>
        %dma_start3A_259 = arith.constant 0 : i32
        %dma_start3A_260 = tpu.memref_slice %arg7[%add3A_50, %dma_start3A_259] : memref<10256x128xf32, #tpu.memory_space<vmem_shared>> -> memref<96x128xf32, #tpu.memory_space<vmem_shared>>
        %dma_start3A_261 = arith.constant 0 : i32
        %dma_start3A_262 = tpu.memref_slice %arg7[%add3A_50, %dma_start3A_261] : memref<10256x128xf32, #tpu.memory_space<vmem_shared>> -> memref<96x128xf32, #tpu.memory_space<vmem_shared>>
        tpu.enqueue_dma source(%arg12 : memref<96x128xf32, #tpu.memory_space<vmem>>) target(%dma_start3A_262 : memref<96x128xf32, #tpu.memory_space<vmem_shared>>) target_semaphore(%run_scoped3A : memref<!tpu.dma_semaphore, #tpu.memory_space<semaphore_mem>>)
        %dma_wait3A_263 = arith.constant 0 : i32
        %dma_wait3A_264 = tpu.memref_slice %arg7[%add3A_50, %dma_wait3A_263] : memref<10256x128xf32, #tpu.memory_space<vmem_shared>> -> memref<96x128xf32, #tpu.memory_space<vmem_shared>>
        %dma_wait3A_265 = arith.constant 0 : i32
        %dma_wait3A_266 = tpu.memref_slice %arg7[%add3A_50, %dma_wait3A_265] : memref<10256x128xf32, #tpu.memory_space<vmem_shared>> -> memref<96x128xf32, #tpu.memory_space<vmem_shared>>
        tpu.wait_dma2 semaphore(%run_scoped3A : memref<!tpu.dma_semaphore, #tpu.memory_space<semaphore_mem>>) src(%arg12 : memref<96x128xf32, #tpu.memory_space<vmem>>) dst(%dma_wait3A_266 : memref<96x128xf32, #tpu.memory_space<vmem_shared>>)
        tpu.yield
      }) : () -> ()
      %mul3A_51 = arith.constant 640 : i32
      %mul3A_52 = arith.muli %arg1, %mul3A_51 : i32
      %add3A_53 = arith.constant 480 : i32
      %add3A_54 = arith.addi %mul3A_52, %add3A_53 : i32
      "tpu.region"() ({
        %run_scoped3A = tpu.sem_alloc : memref<!tpu.dma_semaphore, #tpu.memory_space<semaphore_mem>>
        %dma_start3A_259 = arith.constant 0 : i32
        %dma_start3A_260 = tpu.memref_slice %arg7[%add3A_54, %dma_start3A_259] : memref<10256x128xf32, #tpu.memory_space<vmem_shared>> -> memref<96x128xf32, #tpu.memory_space<vmem_shared>>
        %dma_start3A_261 = arith.constant 0 : i32
        %dma_start3A_262 = tpu.memref_slice %arg7[%add3A_54, %dma_start3A_261] : memref<10256x128xf32, #tpu.memory_space<vmem_shared>> -> memref<96x128xf32, #tpu.memory_space<vmem_shared>>
        tpu.enqueue_dma source(%arg12 : memref<96x128xf32, #tpu.memory_space<vmem>>) target(%dma_start3A_262 : memref<96x128xf32, #tpu.memory_space<vmem_shared>>) target_semaphore(%run_scoped3A : memref<!tpu.dma_semaphore, #tpu.memory_space<semaphore_mem>>)
        %dma_wait3A_263 = arith.constant 0 : i32
        %dma_wait3A_264 = tpu.memref_slice %arg7[%add3A_54, %dma_wait3A_263] : memref<10256x128xf32, #tpu.memory_space<vmem_shared>> -> memref<96x128xf32, #tpu.memory_space<vmem_shared>>
        %dma_wait3A_265 = arith.constant 0 : i32
        %dma_wait3A_266 = tpu.memref_slice %arg7[%add3A_54, %dma_wait3A_265] : memref<10256x128xf32, #tpu.memory_space<vmem_shared>> -> memref<96x128xf32, #tpu.memory_space<vmem_shared>>
        tpu.wait_dma2 semaphore(%run_scoped3A : memref<!tpu.dma_semaphore, #tpu.memory_space<semaphore_mem>>) src(%arg12 : memref<96x128xf32, #tpu.memory_space<vmem>>) dst(%dma_wait3A_266 : memref<96x128xf32, #tpu.memory_space<vmem_shared>>)
        tpu.yield
      }) : () -> ()
      %mul3A_55 = arith.constant 640 : i32
      %mul3A_56 = arith.muli %arg1, %mul3A_55 : i32
      %add3A_57 = arith.constant 576 : i32
      %add3A_58 = arith.addi %mul3A_56, %add3A_57 : i32
      "tpu.region"() ({
        %run_scoped3A = tpu.sem_alloc : memref<!tpu.dma_semaphore, #tpu.memory_space<semaphore_mem>>
        %dma_start3A_259 = arith.constant 0 : i32
        %dma_start3A_260 = arith.constant 0 : i32
        %dma_start3A_261 = tpu.memref_slice %arg12[%dma_start3A_259, %dma_start3A_260] : memref<96x128xf32, #tpu.memory_space<vmem>> -> memref<64x128xf32, #tpu.memory_space<vmem>>
        %dma_start3A_262 = arith.constant 0 : i32
        %dma_start3A_263 = tpu.memref_slice %arg7[%add3A_58, %dma_start3A_262] : memref<10256x128xf32, #tpu.memory_space<vmem_shared>> -> memref<64x128xf32, #tpu.memory_space<vmem_shared>>
        %dma_start3A_264 = arith.constant 0 : i32
        %dma_start3A_265 = tpu.memref_slice %arg7[%add3A_58, %dma_start3A_264] : memref<10256x128xf32, #tpu.memory_space<vmem_shared>> -> memref<64x128xf32, #tpu.memory_space<vmem_shared>>
        %dma_start3A_266 = arith.constant 0 : i32
        %dma_start3A_267 = arith.constant 0 : i32
        %dma_start3A_268 = tpu.memref_slice %arg12[%dma_start3A_266, %dma_start3A_267] : memref<96x128xf32, #tpu.memory_space<vmem>> -> memref<64x128xf32, #tpu.memory_space<vmem>>
        tpu.enqueue_dma source(%dma_start3A_268 : memref<64x128xf32, #tpu.memory_space<vmem>>) target(%dma_start3A_265 : memref<64x128xf32, #tpu.memory_space<vmem_shared>>) target_semaphore(%run_scoped3A : memref<!tpu.dma_semaphore, #tpu.memory_space<semaphore_mem>>)
        %dma_wait3A_269 = arith.constant 0 : i32
        %dma_wait3A_270 = arith.constant 0 : i32
        %dma_wait3A_271 = tpu.memref_slice %arg12[%dma_wait3A_269, %dma_wait3A_270] : memref<96x128xf32, #tpu.memory_space<vmem>> -> memref<64x128xf32, #tpu.memory_space<vmem>>
        %dma_wait3A_272 = arith.constant 0 : i32
        %dma_wait3A_273 = tpu.memref_slice %arg7[%add3A_58, %dma_wait3A_272] : memref<10256x128xf32, #tpu.memory_space<vmem_shared>> -> memref<64x128xf32, #tpu.memory_space<vmem_shared>>
        %dma_wait3A_274 = arith.constant 0 : i32
        %dma_wait3A_275 = tpu.memref_slice %arg7[%add3A_58, %dma_wait3A_274] : memref<10256x128xf32, #tpu.memory_space<vmem_shared>> -> memref<64x128xf32, #tpu.memory_space<vmem_shared>>
        %dma_wait3A_276 = arith.constant 0 : i32
        %dma_wait3A_277 = arith.constant 0 : i32
        %dma_wait3A_278 = tpu.memref_slice %arg12[%dma_wait3A_276, %dma_wait3A_277] : memref<96x128xf32, #tpu.memory_space<vmem>> -> memref<64x128xf32, #tpu.memory_space<vmem>>
        tpu.wait_dma2 semaphore(%run_scoped3A : memref<!tpu.dma_semaphore, #tpu.memory_space<semaphore_mem>>) src(%dma_wait3A_278 : memref<64x128xf32, #tpu.memory_space<vmem>>) dst(%dma_wait3A_275 : memref<64x128xf32, #tpu.memory_space<vmem_shared>>)
        tpu.yield
      }) : () -> ()
      %scan3A_59 = arith.constant 0 : i32
      %scan3A_60 = arith.constant 0 : i32
      %scan3A_61 = arith.constant 640 : i32
      %scan3A_62 = arith.addi %scan3A_60, %scan3A_61 : i32
      %scan3A_63 = arith.constant 1 : i32
      %scan3A_64 = scf.for %scan3A_259 = %scan3A_60 to %scan3A_62 step %scan3A_63 iter_args(%scan3A_260 = %scan3A_59) -> (i32)  : i32 {
        %mul3A_261 = arith.constant 16 : i32
        %mul3A_262 = arith.muli %scan3A_259, %mul3A_261 : i32
        %swap3A = arith.index_cast %mul3A_262 : i32 to index
        %swap3A_263 = tpu.vector_load %arg14[%swap3A] {strides = array<i32>} : memref<10240xf32, #tpu.memory_space<vmem>>, vector<16xf32>,
        tpu.vector_store %arg14[%swap3A], %broadcast_in_dim3A_0 {strides = array<i32>} : memref<10240xf32, #tpu.memory_space<vmem>>, vector<16xf32>,
        %scan3A_264 = arith.constant 0 : i32
        scf.yield %scan3A_264 : i32
      }
      %scan3A_65 = arith.constant 640 : i32
      %barrier3A = arith.constant 0 : index
      tpu.barrier barrier_id(%barrier3A)
      %scan3A_66 = arith.constant 0 : i32
      %scan3A_67 = arith.constant 0 : i32
      %scan3A_68 = arith.constant 10 : i32
      %scan3A_69 = arith.addi %scan3A_67, %scan3A_68 : i32
      %scan3A_70 = arith.constant 1 : i32
      %scan3A_71 = scf.for %scan3A_259 = %scan3A_67 to %scan3A_69 step %scan3A_70 iter_args(%scan3A_260 = %scan3A_66) -> (i32)  : i32 {
        %mul3A_261 = arith.constant 20000 : i32
        %mul3A_262 = arith.muli %arg1, %mul3A_261 : i32
        %mul3A_263 = arith.constant 2000 : i32
        %mul3A_264 = arith.muli %scan3A_259, %mul3A_263 : i32
        %add3A_265 = arith.addi %mul3A_262, %mul3A_264 : i32
        "tpu.region"() ({
          %run_scoped3A = tpu.sem_alloc : memref<!tpu.dma_semaphore, #tpu.memory_space<semaphore_mem>>
          %dma_start3A_363 = tpu.memref_slice %arg3[%add3A_265] : memref<320000xi32, #tpu.memory_space<hbm>> -> memref<2000xi32, #tpu.memory_space<hbm>>
          %dma_start3A_364 = tpu.memref_slice %arg3[%add3A_265] : memref<320000xi32, #tpu.memory_space<hbm>> -> memref<2000xi32, #tpu.memory_space<hbm>>
          tpu.enqueue_dma source(%dma_start3A_364 : memref<2000xi32, #tpu.memory_space<hbm>>) target(%arg8 : memref<2000xi32, #tpu.memory_space<vmem>>) target_semaphore(%run_scoped3A : memref<!tpu.dma_semaphore, #tpu.memory_space<semaphore_mem>>)
          %dma_wait3A_365 = tpu.memref_slice %arg3[%add3A_265] : memref<320000xi32, #tpu.memory_space<hbm>> -> memref<2000xi32, #tpu.memory_space<hbm>>
          %dma_wait3A_366 = tpu.memref_slice %arg3[%add3A_265] : memref<320000xi32, #tpu.memory_space<hbm>> -> memref<2000xi32, #tpu.memory_space<hbm>>
          tpu.wait_dma2 semaphore(%run_scoped3A : memref<!tpu.dma_semaphore, #tpu.memory_space<semaphore_mem>>) src(%dma_wait3A_366 : memref<2000xi32, #tpu.memory_space<hbm>>) dst(%arg8 : memref<2000xi32, #tpu.memory_space<vmem>>)
          tpu.yield
        }) : () -> ()
        "tpu.region"() ({
          %run_scoped3A = tpu.sem_alloc : memref<!tpu.dma_semaphore, #tpu.memory_space<semaphore_mem>>
          %dma_start3A_363 = tpu.memref_slice %arg4[%add3A_265] : memref<320000xi32, #tpu.memory_space<hbm>> -> memref<2000xi32, #tpu.memory_space<hbm>>
          %dma_start3A_364 = tpu.memref_slice %arg4[%add3A_265] : memref<320000xi32, #tpu.memory_space<hbm>> -> memref<2000xi32, #tpu.memory_space<hbm>>
          tpu.enqueue_dma source(%dma_start3A_364 : memref<2000xi32, #tpu.memory_space<hbm>>) target(%arg9 : memref<2000xi32, #tpu.memory_space<vmem>>) target_semaphore(%run_scoped3A : memref<!tpu.dma_semaphore, #tpu.memory_space<semaphore_mem>>)
          %dma_wait3A_365 = tpu.memref_slice %arg4[%add3A_265] : memref<320000xi32, #tpu.memory_space<hbm>> -> memref<2000xi32, #tpu.memory_space<hbm>>
          %dma_wait3A_366 = tpu.memref_slice %arg4[%add3A_265] : memref<320000xi32, #tpu.memory_space<hbm>> -> memref<2000xi32, #tpu.memory_space<hbm>>
          tpu.wait_dma2 semaphore(%run_scoped3A : memref<!tpu.dma_semaphore, #tpu.memory_space<semaphore_mem>>) src(%dma_wait3A_366 : memref<2000xi32, #tpu.memory_space<hbm>>) dst(%arg9 : memref<2000xi32, #tpu.memory_space<vmem>>)
          tpu.yield
        }) : () -> ()
        %scan3A_266 = arith.constant 0 : i32
        %scan3A_267 = arith.constant 0 : i32
        %scan3A_268 = arith.constant 125 : i32
        %scan3A_269 = arith.addi %scan3A_267, %scan3A_268 : i32
        %scan3A_270 = arith.constant 1 : i32
        %scan3A_271 = scf.for %scan3A_363 = %scan3A_267 to %scan3A_269 step %scan3A_270 iter_args(%scan3A_364 = %scan3A_266) -> (i32)  : i32 {
          %mul3A_365 = arith.constant 16 : i32
          %mul3A_366 = arith.muli %scan3A_363, %mul3A_365 : i32
          %get3A = arith.index_cast %mul3A_366 : i32 to index
          %get3A_367 = tpu.vector_load %arg8[%get3A] {strides = array<i32>} : memref<2000xi32, #tpu.memory_space<vmem>>, vector<16xi32>,
          %sub3A_368 = vector.broadcast %mul3A_19 : i32 to vector<16xi32>
          %sub3A_369 = arith.subi %get3A_367, %sub3A_368 : vector<16xi32>
          %ge3A = arith.constant 0 : i32
          %ge3A_370 = vector.broadcast %ge3A : i32 to vector<16xi32>
          %ge3A_371 = arith.cmpi sge, %sub3A_369, %ge3A_370 : vector<16xi32>
          %lt3A_372 = arith.constant 10240 : i32
          %lt3A_373 = vector.broadcast %lt3A_372 : i32 to vector<16xi32>
          %lt3A_374 = arith.cmpi slt, %sub3A_369, %lt3A_373 : vector<16xi32>
          %and3A_375 = arith.andi %ge3A_371, %lt3A_374 : vector<16xi1>
          %jit3A_376 = arith.constant 1 : i32
          %jit3A_377 = arith.constant 0 : i32
          %broadcast_in_dim3A_378 = vector.broadcast %jit3A_376 : i32 to vector<16xi32>
          %broadcast_in_dim3A_379 = vector.broadcast %jit3A_377 : i32 to vector<16xi32>
          %select_n3A_380 = arith.select %and3A_375, %broadcast_in_dim3A_378, %broadcast_in_dim3A_379 : vector<16xi1>, vector<16xi32>
          %broadcast_in_dim3A_381 = arith.constant true
          %broadcast_in_dim3A_382 = vector.broadcast %broadcast_in_dim3A_381 : i1 to vector<16xi1>
          %masked_cumsum3A = tpu.scan <sum>, %select_n3A_380 masked %broadcast_in_dim3A_382 : vector<16xi32>, vector<16xi1> -> vector<16xi32>
          %add3A_383 = vector.broadcast %scan3A_364 : i32 to vector<16xi32>
          %add3A_384 = arith.addi %add3A_383, %masked_cumsum3A : vector<16xi32>
          %sub3A_385 = arith.constant 1 : i32
          %sub3A_386 = vector.broadcast %sub3A_385 : i32 to vector<16xi32>
          %sub3A_387 = arith.subi %add3A_384, %sub3A_386 : vector<16xi32>
          %mul3A_388 = arith.constant 16 : i32
          %mul3A_389 = arith.muli %scan3A_363, %mul3A_388 : i32
          %get3A_390 = arith.index_cast %mul3A_389 : i32 to index
          %get3A_391 = tpu.vector_load %arg9[%get3A_390] {strides = array<i32>} : memref<2000xi32, #tpu.memory_space<vmem>>, vector<16xi32>,
          tpu.vector_store_idx %arg11[%sub3A_387], %sub3A_369 masked %and3A_375 : memref<2016xi32, #tpu.memory_space<vmem>>[vector<16xi32>], vector<16xi32>, vector<16xi1>
          tpu.vector_store_idx %arg10[%sub3A_387], %get3A_391 masked %and3A_375 : memref<2016xi32, #tpu.memory_space<vmem>>[vector<16xi32>], vector<16xi32>, vector<16xi1>
          %unique3A, %unique3A_392 = tpu.scan_count mask(%and3A_375 : vector<16xi1>) value(%sub3A_369 : vector<16xi32>) : vector<16xi1>, vector<16xi32>
          %convert_element_type3A_393 = arith.sitofp %unique3A_392 : vector<16xi32> to vector<16xf32>
          tpu.vector_store_idx %arg14[%sub3A_369], %convert_element_type3A_393 masked %unique3A {add = true} : memref<10240xf32, #tpu.memory_space<vmem>>[vector<16xi32>], vector<16xf32>, vector<16xi1>
          %reduce_sum3A = arith.constant true
          %reduce_sum3A_394 = vector.broadcast %reduce_sum3A : i1 to vector<16xi1>
          %reduce_sum3A_395 = tpu.scan <sum>, %select_n3A_380 masked %reduce_sum3A_394 : vector<16xi32>, vector<16xi1> -> vector<16xi32>
          %reduce_sum3A_396 = vector.extract %reduce_sum3A_395[15] : i32 from vector<16xi32>
          %add3A_397 = arith.addi %scan3A_364, %reduce_sum3A_396 : i32
          scf.yield %add3A_397 : i32
        }
        %scan3A_272 = arith.constant 125 : i32
        %add3A_273 = arith.constant 0 : i32
        %add3A_274 = arith.addi %scan3A_271, %add3A_273 : i32
        %add3A_275 = vector.broadcast %add3A_274 : i32 to vector<16xi32>
        %add3A_276 = arith.addi %add3A_275, %iota3A : vector<16xi32>
        %lt3A = arith.constant 2016 : i32
        %lt3A_277 = vector.broadcast %lt3A : i32 to vector<16xi32>
        %lt3A_278 = arith.cmpi slt, %add3A_276, %lt3A_277 : vector<16xi32>
        tpu.vector_store_idx %arg10[%add3A_276], %add3A_2 masked %lt3A_278 : memref<2016xi32, #tpu.memory_space<vmem>>[vector<16xi32>], vector<16xi32>, vector<16xi1>
        tpu.vector_store_idx %arg11[%add3A_276], %add3A_6 masked %lt3A_278 : memref<2016xi32, #tpu.memory_space<vmem>>[vector<16xi32>], vector<16xi32>, vector<16xi1>
        %add3A_279 = arith.constant 16 : i32
        %add3A_280 = arith.addi %scan3A_271, %add3A_279 : i32
        %add3A_281 = vector.broadcast %add3A_280 : i32 to vector<16xi32>
        %add3A_282 = arith.addi %add3A_281, %iota3A : vector<16xi32>
        %lt3A_283 = arith.constant 2016 : i32
        %lt3A_284 = vector.broadcast %lt3A_283 : i32 to vector<16xi32>
        %lt3A_285 = arith.cmpi slt, %add3A_282, %lt3A_284 : vector<16xi32>
        tpu.vector_store_idx %arg10[%add3A_282], %add3A_2 masked %lt3A_285 : memref<2016xi32, #tpu.memory_space<vmem>>[vector<16xi32>], vector<16xi32>, vector<16xi1>
        tpu.vector_store_idx %arg11[%add3A_282], %add3A_6 masked %lt3A_285 : memref<2016xi32, #tpu.memory_space<vmem>>[vector<16xi32>], vector<16xi32>, vector<16xi1>
        %add3A_286 = arith.constant 32 : i32
        %add3A_287 = arith.addi %scan3A_271, %add3A_286 : i32
        %add3A_288 = vector.broadcast %add3A_287 : i32 to vector<16xi32>
        %add3A_289 = arith.addi %add3A_288, %iota3A : vector<16xi32>
        %lt3A_290 = arith.constant 2016 : i32
        %lt3A_291 = vector.broadcast %lt3A_290 : i32 to vector<16xi32>
        %lt3A_292 = arith.cmpi slt, %add3A_289, %lt3A_291 : vector<16xi32>
        tpu.vector_store_idx %arg10[%add3A_289], %add3A_2 masked %lt3A_292 : memref<2016xi32, #tpu.memory_space<vmem>>[vector<16xi32>], vector<16xi32>, vector<16xi1>
        tpu.vector_store_idx %arg11[%add3A_289], %add3A_6 masked %lt3A_292 : memref<2016xi32, #tpu.memory_space<vmem>>[vector<16xi32>], vector<16xi32>, vector<16xi1>
        %add3A_293 = arith.constant 48 : i32
        %add3A_294 = arith.addi %scan3A_271, %add3A_293 : i32
        %add3A_295 = vector.broadcast %add3A_294 : i32 to vector<16xi32>
        %add3A_296 = arith.addi %add3A_295, %iota3A : vector<16xi32>
        %lt3A_297 = arith.constant 2016 : i32
        %lt3A_298 = vector.broadcast %lt3A_297 : i32 to vector<16xi32>
        %lt3A_299 = arith.cmpi slt, %add3A_296, %lt3A_298 : vector<16xi32>
        tpu.vector_store_idx %arg10[%add3A_296], %add3A_2 masked %lt3A_299 : memref<2016xi32, #tpu.memory_space<vmem>>[vector<16xi32>], vector<16xi32>, vector<16xi1>
        tpu.vector_store_idx %arg11[%add3A_296], %add3A_6 masked %lt3A_299 : memref<2016xi32, #tpu.memory_space<vmem>>[vector<16xi32>], vector<16xi32>, vector<16xi1>
        %add3A_300 = arith.constant 64 : i32
        %add3A_301 = arith.addi %scan3A_271, %add3A_300 : i32
        %add3A_302 = vector.broadcast %add3A_301 : i32 to vector<16xi32>
        %add3A_303 = arith.addi %add3A_302, %iota3A : vector<16xi32>
        %lt3A_304 = arith.constant 2016 : i32
        %lt3A_305 = vector.broadcast %lt3A_304 : i32 to vector<16xi32>
        %lt3A_306 = arith.cmpi slt, %add3A_303, %lt3A_305 : vector<16xi32>
        tpu.vector_store_idx %arg10[%add3A_303], %add3A_2 masked %lt3A_306 : memref<2016xi32, #tpu.memory_space<vmem>>[vector<16xi32>], vector<16xi32>, vector<16xi1>
        tpu.vector_store_idx %arg11[%add3A_303], %add3A_6 masked %lt3A_306 : memref<2016xi32, #tpu.memory_space<vmem>>[vector<16xi32>], vector<16xi32>, vector<16xi1>
        %add3A_307 = arith.constant 80 : i32
        %add3A_308 = arith.addi %scan3A_271, %add3A_307 : i32
        %add3A_309 = vector.broadcast %add3A_308 : i32 to vector<16xi32>
        %add3A_310 = arith.addi %add3A_309, %iota3A : vector<16xi32>
        %lt3A_311 = arith.constant 2016 : i32
        %lt3A_312 = vector.broadcast %lt3A_311 : i32 to vector<16xi32>
        %lt3A_313 = arith.cmpi slt, %add3A_310, %lt3A_312 : vector<16xi32>
        tpu.vector_store_idx %arg10[%add3A_310], %add3A_2 masked %lt3A_313 : memref<2016xi32, #tpu.memory_space<vmem>>[vector<16xi32>], vector<16xi32>, vector<16xi1>
        tpu.vector_store_idx %arg11[%add3A_310], %add3A_6 masked %lt3A_313 : memref<2016xi32, #tpu.memory_space<vmem>>[vector<16xi32>], vector<16xi32>, vector<16xi1>
        %add3A_314 = arith.constant 96 : i32
        %add3A_315 = arith.addi %scan3A_271, %add3A_314 : i32
        %add3A_316 = vector.broadcast %add3A_315 : i32 to vector<16xi32>
        %add3A_317 = arith.addi %add3A_316, %iota3A : vector<16xi32>
        %lt3A_318 = arith.constant 2016 : i32
        %lt3A_319 = vector.broadcast %lt3A_318 : i32 to vector<16xi32>
        %lt3A_320 = arith.cmpi slt, %add3A_317, %lt3A_319 : vector<16xi32>
        tpu.vector_store_idx %arg10[%add3A_317], %add3A_2 masked %lt3A_320 : memref<2016xi32, #tpu.memory_space<vmem>>[vector<16xi32>], vector<16xi32>, vector<16xi1>
        tpu.vector_store_idx %arg11[%add3A_317], %add3A_6 masked %lt3A_320 : memref<2016xi32, #tpu.memory_space<vmem>>[vector<16xi32>], vector<16xi32>, vector<16xi1>
        %add3A_321 = arith.constant 112 : i32
        %add3A_322 = arith.addi %scan3A_271, %add3A_321 : i32
        %add3A_323 = vector.broadcast %add3A_322 : i32 to vector<16xi32>
        %add3A_324 = arith.addi %add3A_323, %iota3A : vector<16xi32>
        %lt3A_325 = arith.constant 2016 : i32
        %lt3A_326 = vector.broadcast %lt3A_325 : i32 to vector<16xi32>
        %lt3A_327 = arith.cmpi slt, %add3A_324, %lt3A_326 : vector<16xi32>
        tpu.vector_store_idx %arg10[%add3A_324], %add3A_2 masked %lt3A_327 : memref<2016xi32, #tpu.memory_space<vmem>>[vector<16xi32>], vector<16xi32>, vector<16xi1>
        tpu.vector_store_idx %arg11[%add3A_324], %add3A_6 masked %lt3A_327 : memref<2016xi32, #tpu.memory_space<vmem>>[vector<16xi32>], vector<16xi32>, vector<16xi1>
        %add3A_328 = arith.constant 96 : i32
        %add3A_329 = arith.addi %scan3A_271, %add3A_328 : i32
        %sub3A_330 = arith.constant 1 : i32
        %sub3A_331 = arith.subi %add3A_329, %sub3A_330 : i32
        %jit3A = arith.constant 96 : i32
        %div3A = arith.divsi %sub3A_331, %jit3A : i32
        %sign3A = arith.constant 0 : i32
        %sign3A_332 = arith.cmpi sgt, %sub3A_331, %sign3A : i32
        %sign3A_333 = arith.extui %sign3A_332 : i1 to i32
        %sign3A_334 = arith.constant 0 : i32
        %sign3A_335 = arith.cmpi slt, %sub3A_331, %sign3A_334 : i32
        %sign3A_336 = arith.extui %sign3A_335 : i1 to i32
        %sign3A_337 = arith.subi %sign3A_333, %sign3A_336 : i32
        %sign3A_338 = arith.constant 0 : i32
        %sign3A_339 = arith.cmpi sgt, %jit3A, %sign3A_338 : i32
        %sign3A_340 = arith.extui %sign3A_339 : i1 to i32
        %sign3A_341 = arith.constant 0 : i32
        %sign3A_342 = arith.cmpi slt, %jit3A, %sign3A_341 : i32
        %sign3A_343 = arith.extui %sign3A_342 : i1 to i32
        %sign3A_344 = arith.subi %sign3A_340, %sign3A_343 : i32
        %ne3A = arith.cmpi ne, %sign3A_337, %sign3A_344 : i32
        %rem3A = arith.remsi %sub3A_331, %jit3A : i32
        %ne3A_345 = arith.constant 0 : i32
        %ne3A_346 = arith.cmpi ne, %rem3A, %ne3A_345 : i32
        %and3A = arith.andi %ne3A, %ne3A_346 : i1
        %sub3A_347 = arith.constant 1 : i32
        %sub3A_348 = arith.subi %div3A, %sub3A_347 : i32
        %select_n3A = arith.select %and3A, %sub3A_348, %div3A : i32
        %gt3A = arith.constant 0 : i32
        %gt3A_349 = arith.cmpi sgt, %select_n3A, %gt3A : i32
        %convert_element_type3A = arith.extui %gt3A_349 : i1 to i32
        %cond3A = arith.constant 0 : i32
        %cond3A_350 = arith.cmpi ne, %convert_element_type3A, %cond3A : i32
        scf.if %cond3A_350 {
          %dma_start3A_363 = arith.constant 0 : i32
          %dma_start3A_364 = tpu.memref_slice %arg10[%dma_start3A_363] : memref<2016xi32, #tpu.memory_space<vmem>> -> memref<96xi32, #tpu.memory_space<vmem>>
          %dma_start3A_365 = arith.constant 0 : i32
          %dma_start3A_366 = arith.constant 0 : i32
          %dma_start3A_367 = tpu.memref_slice %arg2[%dma_start3A_365, %dma_start3A_366] : memref<100000x128xf32, #tpu.memory_space<hbm>> -> memref<100000x128xf32, #tpu.memory_space<hbm>>
          tpu.enqueue_indirect_dma source(%dma_start3A_367 : memref<100000x128xf32, #tpu.memory_space<hbm>>) target(%arg12 : memref<96x128xf32, #tpu.memory_space<vmem>>) offsets(%dma_start3A_364 : memref<96xi32, #tpu.memory_space<vmem>>) semaphore(%arg15 : memref<!tpu.dma_semaphore, #tpu.memory_space<semaphore_mem>>)
        } else {
        }
        %while3A = arith.constant 0 : i32
        %while3A_351 = arith.constant 0 : i32
        %while3A_352 = arith.subi %select_n3A, %while3A : i32
        %while3A_353 = arith.addi %while3A, %while3A_352 : i32
        %while3A_354 = arith.constant 1 : i32
        %while3A_355 = arith.divsi %while3A_352, %while3A_354 : i32
        %while3A_356 = arith.muli %while3A_355, %while3A_354 : i32
        %while3A_357 = arith.addi %while3A, %while3A_356 : i32
        %while3A_358 = arith.constant 1 : i32
        %while3A_359 = scf.for %while3A_363 = %while3A to %while3A_357 step %while3A_358 iter_args(%while3A_364 = %while3A_351) -> (i32)  : i32 {
          %jit3A_365 = arith.constant 2 : i32
          %eq3A = arith.constant 0 : i32
          %eq3A_366 = arith.cmpi eq, %jit3A_365, %eq3A : i32
          %jit3A_367 = arith.constant 1 : i32
          %select_n3A_368 = arith.select %eq3A_366, %jit3A_367, %jit3A_365 : i32
          %rem3A_369 = arith.remsi %while3A_363, %select_n3A_368 : i32
          %ne3A_370 = arith.constant 0 : i32
          %ne3A_371 = arith.cmpi ne, %rem3A_369, %ne3A_370 : i32
          %lt3A_372 = arith.constant 0 : i32
          %lt3A_373 = arith.cmpi slt, %rem3A_369, %lt3A_372 : i32
          %lt3A_374 = arith.constant 0 : i32
          %lt3A_375 = arith.cmpi slt, %select_n3A_368, %lt3A_374 : i32
          %ne3A_376 = arith.xori %lt3A_373, %lt3A_375 : i1
          %and3A_377 = arith.andi %ne3A_376, %ne3A_371 : i1
          %add3A_378 = arith.addi %rem3A_369, %select_n3A_368 : i32
          %select_n3A_379 = arith.select %and3A_377, %add3A_378, %rem3A_369 : i32
          %eq3A_380 = arith.constant 0 : i32
          %eq3A_381 = arith.cmpi eq, %select_n3A_379, %eq3A_380 : i32
          %convert_element_type3A_382 = arith.extui %eq3A_381 : i1 to i32
          %cond3A_383 = arith.constant 0 : i32
          %cond3A_384 = arith.cmpi ne, %convert_element_type3A_382, %cond3A_383 : i32
          scf.if %cond3A_384 {
            %mul3A_407 = arith.constant 96 : i32
            %mul3A_408 = arith.muli %while3A_363, %mul3A_407 : i32
            %dma_wait3A_409 = tpu.memref_slice %arg10[%mul3A_408] : memref<2016xi32, #tpu.memory_space<vmem>> -> memref<96xi32, #tpu.memory_space<vmem>>
            %dma_wait3A_410 = arith.constant 0 : i32
            %dma_wait3A_411 = arith.constant 0 : i32
            %dma_wait3A_412 = tpu.memref_slice %arg2[%dma_wait3A_410, %dma_wait3A_411] : memref<100000x128xf32, #tpu.memory_space<hbm>> -> memref<100000x128xf32, #tpu.memory_space<hbm>>
            tpu.wait_indirect_dma semaphore(%arg15 : memref<!tpu.dma_semaphore, #tpu.memory_space<semaphore_mem>>) src(%dma_wait3A_412 : memref<100000x128xf32, #tpu.memory_space<hbm>>) dst(%arg12 : memref<96x128xf32, #tpu.memory_space<vmem>>)
            %add3A_413 = arith.constant 1 : i32
            %add3A_414 = arith.addi %while3A_363, %add3A_413 : i32
            %lt3A_415 = arith.cmpi slt, %add3A_414, %select_n3A : i32
            %convert_element_type3A_416 = arith.extui %lt3A_415 : i1 to i32
            %cond3A_417 = arith.constant 0 : i32
            %cond3A_418 = arith.cmpi ne, %convert_element_type3A_416, %cond3A_417 : i32
            scf.if %cond3A_418 {
              %add3A_421 = arith.constant 1 : i32
              %add3A_422 = arith.addi %while3A_363, %add3A_421 : i32
              %mul3A_423 = arith.constant 96 : i32
              %mul3A_424 = arith.muli %add3A_422, %mul3A_423 : i32
              %dma_start3A_425 = tpu.memref_slice %arg10[%mul3A_424] : memref<2016xi32, #tpu.memory_space<vmem>> -> memref<96xi32, #tpu.memory_space<vmem>>
              %dma_start3A_426 = arith.constant 0 : i32
              %dma_start3A_427 = arith.constant 0 : i32
              %dma_start3A_428 = tpu.memref_slice %arg2[%dma_start3A_426, %dma_start3A_427] : memref<100000x128xf32, #tpu.memory_space<hbm>> -> memref<100000x128xf32, #tpu.memory_space<hbm>>
              tpu.enqueue_indirect_dma source(%dma_start3A_428 : memref<100000x128xf32, #tpu.memory_space<hbm>>) target(%arg13 : memref<96x128xf32, #tpu.memory_space<vmem>>) offsets(%dma_start3A_425 : memref<96xi32, #tpu.memory_space<vmem>>) semaphore(%arg16 : memref<!tpu.dma_semaphore, #tpu.memory_space<semaphore_mem>>)
            } else {
            }
            %mul3A_419 = arith.constant 96 : i32
            %mul3A_420 = arith.muli %while3A_363, %mul3A_419 : i32
            "tpu.region"() ({
              %run_scoped3A = tpu.sem_alloc : memref<!tpu.dma_semaphore, #tpu.memory_space<semaphore_mem>>
              %dma_start3A_421 = tpu.memref_slice %arg11[%mul3A_420] : memref<2016xi32, #tpu.memory_space<vmem>> -> memref<96xi32, #tpu.memory_space<vmem>>
              %dma_start3A_422 = arith.constant 0 : i32
              %dma_start3A_423 = arith.constant 0 : i32
              %dma_start3A_424 = tpu.memref_slice %arg7[%dma_start3A_422, %dma_start3A_423] : memref<10256x128xf32, #tpu.memory_space<vmem_shared>> -> memref<10256x128xf32, #tpu.memory_space<vmem_shared>>
              tpu.enqueue_indirect_dma source(%arg12 : memref<96x128xf32, #tpu.memory_space<vmem>>) target(%dma_start3A_424 : memref<10256x128xf32, #tpu.memory_space<vmem_shared>>) offsets(%dma_start3A_421 : memref<96xi32, #tpu.memory_space<vmem>>) semaphore(%run_scoped3A : memref<!tpu.dma_semaphore, #tpu.memory_space<semaphore_mem>>) {add = true}
              %dma_wait3A_425 = tpu.memref_slice %arg11[%mul3A_420] : memref<2016xi32, #tpu.memory_space<vmem>> -> memref<96xi32, #tpu.memory_space<vmem>>
              %dma_wait3A_426 = arith.constant 0 : i32
              %dma_wait3A_427 = arith.constant 0 : i32
              %dma_wait3A_428 = tpu.memref_slice %arg7[%dma_wait3A_426, %dma_wait3A_427] : memref<10256x128xf32, #tpu.memory_space<vmem_shared>> -> memref<10256x128xf32, #tpu.memory_space<vmem_shared>>
              tpu.wait_indirect_dma semaphore(%run_scoped3A : memref<!tpu.dma_semaphore, #tpu.memory_space<semaphore_mem>>) src(%arg12 : memref<96x128xf32, #tpu.memory_space<vmem>>) dst(%dma_wait3A_428 : memref<10256x128xf32, #tpu.memory_space<vmem_shared>>)
              tpu.yield
            }) : () -> ()
          } else {
          }
          %jit3A_385 = arith.constant 2 : i32
          %eq3A_386 = arith.constant 0 : i32
          %eq3A_387 = arith.cmpi eq, %jit3A_385, %eq3A_386 : i32
          %jit3A_388 = arith.constant 1 : i32
          %select_n3A_389 = arith.select %eq3A_387, %jit3A_388, %jit3A_385 : i32
          %rem3A_390 = arith.remsi %while3A_363, %select_n3A_389 : i32
          %ne3A_391 = arith.constant 0 : i32
          %ne3A_392 = arith.cmpi ne, %rem3A_390, %ne3A_391 : i32
          %lt3A_393 = arith.constant 0 : i32
          %lt3A_394 = arith.cmpi slt, %rem3A_390, %lt3A_393 : i32
          %lt3A_395 = arith.constant 0 : i32
          %lt3A_396 = arith.cmpi slt, %select_n3A_389, %lt3A_395 : i32
          %ne3A_397 = arith.xori %lt3A_394, %lt3A_396 : i1
          %and3A_398 = arith.andi %ne3A_397, %ne3A_392 : i1
          %add3A_399 = arith.addi %rem3A_390, %select_n3A_389 : i32
          %select_n3A_400 = arith.select %and3A_398, %add3A_399, %rem3A_390 : i32
          %eq3A_401 = arith.constant 1 : i32
          %eq3A_402 = arith.cmpi eq, %select_n3A_400, %eq3A_401 : i32
          %convert_element_type3A_403 = arith.extui %eq3A_402 : i1 to i32
          %cond3A_404 = arith.constant 0 : i32
          %cond3A_405 = arith.cmpi ne, %convert_element_type3A_403, %cond3A_404 : i32
          scf.if %cond3A_405 {
            %mul3A_407 = arith.constant 96 : i32
            %mul3A_408 = arith.muli %while3A_363, %mul3A_407 : i32
            %dma_wait3A_409 = tpu.memref_slice %arg10[%mul3A_408] : memref<2016xi32, #tpu.memory_space<vmem>> -> memref<96xi32, #tpu.memory_space<vmem>>
            %dma_wait3A_410 = arith.constant 0 : i32
            %dma_wait3A_411 = arith.constant 0 : i32
            %dma_wait3A_412 = tpu.memref_slice %arg2[%dma_wait3A_410, %dma_wait3A_411] : memref<100000x128xf32, #tpu.memory_space<hbm>> -> memref<100000x128xf32, #tpu.memory_space<hbm>>
            tpu.wait_indirect_dma semaphore(%arg16 : memref<!tpu.dma_semaphore, #tpu.memory_space<semaphore_mem>>) src(%dma_wait3A_412 : memref<100000x128xf32, #tpu.memory_space<hbm>>) dst(%arg13 : memref<96x128xf32, #tpu.memory_space<vmem>>)
            %add3A_413 = arith.constant 1 : i32
            %add3A_414 = arith.addi %while3A_363, %add3A_413 : i32
            %lt3A_415 = arith.cmpi slt, %add3A_414, %select_n3A : i32
            %convert_element_type3A_416 = arith.extui %lt3A_415 : i1 to i32
            %cond3A_417 = arith.constant 0 : i32
            %cond3A_418 = arith.cmpi ne, %convert_element_type3A_416, %cond3A_417 : i32
            scf.if %cond3A_418 {
              %add3A_421 = arith.constant 1 : i32
              %add3A_422 = arith.addi %while3A_363, %add3A_421 : i32
              %mul3A_423 = arith.constant 96 : i32
              %mul3A_424 = arith.muli %add3A_422, %mul3A_423 : i32
              %dma_start3A_425 = tpu.memref_slice %arg10[%mul3A_424] : memref<2016xi32, #tpu.memory_space<vmem>> -> memref<96xi32, #tpu.memory_space<vmem>>
              %dma_start3A_426 = arith.constant 0 : i32
              %dma_start3A_427 = arith.constant 0 : i32
              %dma_start3A_428 = tpu.memref_slice %arg2[%dma_start3A_426, %dma_start3A_427] : memref<100000x128xf32, #tpu.memory_space<hbm>> -> memref<100000x128xf32, #tpu.memory_space<hbm>>
              tpu.enqueue_indirect_dma source(%dma_start3A_428 : memref<100000x128xf32, #tpu.memory_space<hbm>>) target(%arg12 : memref<96x128xf32, #tpu.memory_space<vmem>>) offsets(%dma_start3A_425 : memref<96xi32, #tpu.memory_space<vmem>>) semaphore(%arg15 : memref<!tpu.dma_semaphore, #tpu.memory_space<semaphore_mem>>)
            } else {
            }
            %mul3A_419 = arith.constant 96 : i32
            %mul3A_420 = arith.muli %while3A_363, %mul3A_419 : i32
            "tpu.region"() ({
              %run_scoped3A = tpu.sem_alloc : memref<!tpu.dma_semaphore, #tpu.memory_space<semaphore_mem>>
              %dma_start3A_421 = tpu.memref_slice %arg11[%mul3A_420] : memref<2016xi32, #tpu.memory_space<vmem>> -> memref<96xi32, #tpu.memory_space<vmem>>
              %dma_start3A_422 = arith.constant 0 : i32
              %dma_start3A_423 = arith.constant 0 : i32
              %dma_start3A_424 = tpu.memref_slice %arg7[%dma_start3A_422, %dma_start3A_423] : memref<10256x128xf32, #tpu.memory_space<vmem_shared>> -> memref<10256x128xf32, #tpu.memory_space<vmem_shared>>
              tpu.enqueue_indirect_dma source(%arg13 : memref<96x128xf32, #tpu.memory_space<vmem>>) target(%dma_start3A_424 : memref<10256x128xf32, #tpu.memory_space<vmem_shared>>) offsets(%dma_start3A_421 : memref<96xi32, #tpu.memory_space<vmem>>) semaphore(%run_scoped3A : memref<!tpu.dma_semaphore, #tpu.memory_space<semaphore_mem>>) {add = true}
              %dma_wait3A_425 = tpu.memref_slice %arg11[%mul3A_420] : memref<2016xi32, #tpu.memory_space<vmem>> -> memref<96xi32, #tpu.memory_space<vmem>>
              %dma_wait3A_426 = arith.constant 0 : i32
              %dma_wait3A_427 = arith.constant 0 : i32
              %dma_wait3A_428 = tpu.memref_slice %arg7[%dma_wait3A_426, %dma_wait3A_427] : memref<10256x128xf32, #tpu.memory_space<vmem_shared>> -> memref<10256x128xf32, #tpu.memory_space<vmem_shared>>
              tpu.wait_indirect_dma semaphore(%run_scoped3A : memref<!tpu.dma_semaphore, #tpu.memory_space<semaphore_mem>>) src(%arg13 : memref<96x128xf32, #tpu.memory_space<vmem>>) dst(%dma_wait3A_428 : memref<10256x128xf32, #tpu.memory_space<vmem_shared>>)
              tpu.yield
            }) : () -> ()
          } else {
          }
          %while3A_406 = arith.constant 0 : i32
          scf.yield %while3A_406 : i32
        }
        %while3A_360 = arith.constant 1 : i32
        %while3A_361 = scf.for %while3A_363 = %while3A_357 to %while3A_353 step %while3A_360 iter_args(%while3A_364 = %while3A_359) -> (i32)  : i32 {
          %jit3A_365 = arith.constant 2 : i32
          %eq3A = arith.constant 0 : i32
          %eq3A_366 = arith.cmpi eq, %jit3A_365, %eq3A : i32
          %jit3A_367 = arith.constant 1 : i32
          %select_n3A_368 = arith.select %eq3A_366, %jit3A_367, %jit3A_365 : i32
          %rem3A_369 = arith.remsi %while3A_363, %select_n3A_368 : i32
          %ne3A_370 = arith.constant 0 : i32
          %ne3A_371 = arith.cmpi ne, %rem3A_369, %ne3A_370 : i32
          %lt3A_372 = arith.constant 0 : i32
          %lt3A_373 = arith.cmpi slt, %rem3A_369, %lt3A_372 : i32
          %lt3A_374 = arith.constant 0 : i32
          %lt3A_375 = arith.cmpi slt, %select_n3A_368, %lt3A_374 : i32
          %ne3A_376 = arith.xori %lt3A_373, %lt3A_375 : i1
          %and3A_377 = arith.andi %ne3A_376, %ne3A_371 : i1
          %add3A_378 = arith.addi %rem3A_369, %select_n3A_368 : i32
          %select_n3A_379 = arith.select %and3A_377, %add3A_378, %rem3A_369 : i32
          %eq3A_380 = arith.constant 0 : i32
          %eq3A_381 = arith.cmpi eq, %select_n3A_379, %eq3A_380 : i32
          %convert_element_type3A_382 = arith.extui %eq3A_381 : i1 to i32
          %cond3A_383 = arith.constant 0 : i32
          %cond3A_384 = arith.cmpi ne, %convert_element_type3A_382, %cond3A_383 : i32
          scf.if %cond3A_384 {
            %mul3A_407 = arith.constant 96 : i32
            %mul3A_408 = arith.muli %while3A_363, %mul3A_407 : i32
            %dma_wait3A_409 = tpu.memref_slice %arg10[%mul3A_408] : memref<2016xi32, #tpu.memory_space<vmem>> -> memref<96xi32, #tpu.memory_space<vmem>>
            %dma_wait3A_410 = arith.constant 0 : i32
            %dma_wait3A_411 = arith.constant 0 : i32
            %dma_wait3A_412 = tpu.memref_slice %arg2[%dma_wait3A_410, %dma_wait3A_411] : memref<100000x128xf32, #tpu.memory_space<hbm>> -> memref<100000x128xf32, #tpu.memory_space<hbm>>
            tpu.wait_indirect_dma semaphore(%arg15 : memref<!tpu.dma_semaphore, #tpu.memory_space<semaphore_mem>>) src(%dma_wait3A_412 : memref<100000x128xf32, #tpu.memory_space<hbm>>) dst(%arg12 : memref<96x128xf32, #tpu.memory_space<vmem>>)
            %add3A_413 = arith.constant 1 : i32
            %add3A_414 = arith.addi %while3A_363, %add3A_413 : i32
            %lt3A_415 = arith.cmpi slt, %add3A_414, %select_n3A : i32
            %convert_element_type3A_416 = arith.extui %lt3A_415 : i1 to i32
            %cond3A_417 = arith.constant 0 : i32
            %cond3A_418 = arith.cmpi ne, %convert_element_type3A_416, %cond3A_417 : i32
            scf.if %cond3A_418 {
              %add3A_421 = arith.constant 1 : i32
              %add3A_422 = arith.addi %while3A_363, %add3A_421 : i32
              %mul3A_423 = arith.constant 96 : i32
              %mul3A_424 = arith.muli %add3A_422, %mul3A_423 : i32
              %dma_start3A_425 = tpu.memref_slice %arg10[%mul3A_424] : memref<2016xi32, #tpu.memory_space<vmem>> -> memref<96xi32, #tpu.memory_space<vmem>>
              %dma_start3A_426 = arith.constant 0 : i32
              %dma_start3A_427 = arith.constant 0 : i32
              %dma_start3A_428 = tpu.memref_slice %arg2[%dma_start3A_426, %dma_start3A_427] : memref<100000x128xf32, #tpu.memory_space<hbm>> -> memref<100000x128xf32, #tpu.memory_space<hbm>>
              tpu.enqueue_indirect_dma source(%dma_start3A_428 : memref<100000x128xf32, #tpu.memory_space<hbm>>) target(%arg13 : memref<96x128xf32, #tpu.memory_space<vmem>>) offsets(%dma_start3A_425 : memref<96xi32, #tpu.memory_space<vmem>>) semaphore(%arg16 : memref<!tpu.dma_semaphore, #tpu.memory_space<semaphore_mem>>)
            } else {
            }
            %mul3A_419 = arith.constant 96 : i32
            %mul3A_420 = arith.muli %while3A_363, %mul3A_419 : i32
            "tpu.region"() ({
              %run_scoped3A = tpu.sem_alloc : memref<!tpu.dma_semaphore, #tpu.memory_space<semaphore_mem>>
              %dma_start3A_421 = tpu.memref_slice %arg11[%mul3A_420] : memref<2016xi32, #tpu.memory_space<vmem>> -> memref<96xi32, #tpu.memory_space<vmem>>
              %dma_start3A_422 = arith.constant 0 : i32
              %dma_start3A_423 = arith.constant 0 : i32
              %dma_start3A_424 = tpu.memref_slice %arg7[%dma_start3A_422, %dma_start3A_423] : memref<10256x128xf32, #tpu.memory_space<vmem_shared>> -> memref<10256x128xf32, #tpu.memory_space<vmem_shared>>
              tpu.enqueue_indirect_dma source(%arg12 : memref<96x128xf32, #tpu.memory_space<vmem>>) target(%dma_start3A_424 : memref<10256x128xf32, #tpu.memory_space<vmem_shared>>) offsets(%dma_start3A_421 : memref<96xi32, #tpu.memory_space<vmem>>) semaphore(%run_scoped3A : memref<!tpu.dma_semaphore, #tpu.memory_space<semaphore_mem>>) {add = true}
              %dma_wait3A_425 = tpu.memref_slice %arg11[%mul3A_420] : memref<2016xi32, #tpu.memory_space<vmem>> -> memref<96xi32, #tpu.memory_space<vmem>>
              %dma_wait3A_426 = arith.constant 0 : i32
              %dma_wait3A_427 = arith.constant 0 : i32
              %dma_wait3A_428 = tpu.memref_slice %arg7[%dma_wait3A_426, %dma_wait3A_427] : memref<10256x128xf32, #tpu.memory_space<vmem_shared>> -> memref<10256x128xf32, #tpu.memory_space<vmem_shared>>
              tpu.wait_indirect_dma semaphore(%run_scoped3A : memref<!tpu.dma_semaphore, #tpu.memory_space<semaphore_mem>>) src(%arg12 : memref<96x128xf32, #tpu.memory_space<vmem>>) dst(%dma_wait3A_428 : memref<10256x128xf32, #tpu.memory_space<vmem_shared>>)
              tpu.yield
            }) : () -> ()
          } else {
          }
          %jit3A_385 = arith.constant 2 : i32
          %eq3A_386 = arith.constant 0 : i32
          %eq3A_387 = arith.cmpi eq, %jit3A_385, %eq3A_386 : i32
          %jit3A_388 = arith.constant 1 : i32
          %select_n3A_389 = arith.select %eq3A_387, %jit3A_388, %jit3A_385 : i32
          %rem3A_390 = arith.remsi %while3A_363, %select_n3A_389 : i32
          %ne3A_391 = arith.constant 0 : i32
          %ne3A_392 = arith.cmpi ne, %rem3A_390, %ne3A_391 : i32
          %lt3A_393 = arith.constant 0 : i32
          %lt3A_394 = arith.cmpi slt, %rem3A_390, %lt3A_393 : i32
          %lt3A_395 = arith.constant 0 : i32
          %lt3A_396 = arith.cmpi slt, %select_n3A_389, %lt3A_395 : i32
          %ne3A_397 = arith.xori %lt3A_394, %lt3A_396 : i1
          %and3A_398 = arith.andi %ne3A_397, %ne3A_392 : i1
          %add3A_399 = arith.addi %rem3A_390, %select_n3A_389 : i32
          %select_n3A_400 = arith.select %and3A_398, %add3A_399, %rem3A_390 : i32
          %eq3A_401 = arith.constant 1 : i32
          %eq3A_402 = arith.cmpi eq, %select_n3A_400, %eq3A_401 : i32
          %convert_element_type3A_403 = arith.extui %eq3A_402 : i1 to i32
          %cond3A_404 = arith.constant 0 : i32
          %cond3A_405 = arith.cmpi ne, %convert_element_type3A_403, %cond3A_404 : i32
          scf.if %cond3A_405 {
            %mul3A_407 = arith.constant 96 : i32
            %mul3A_408 = arith.muli %while3A_363, %mul3A_407 : i32
            %dma_wait3A_409 = tpu.memref_slice %arg10[%mul3A_408] : memref<2016xi32, #tpu.memory_space<vmem>> -> memref<96xi32, #tpu.memory_space<vmem>>
            %dma_wait3A_410 = arith.constant 0 : i32
            %dma_wait3A_411 = arith.constant 0 : i32
            %dma_wait3A_412 = tpu.memref_slice %arg2[%dma_wait3A_410, %dma_wait3A_411] : memref<100000x128xf32, #tpu.memory_space<hbm>> -> memref<100000x128xf32, #tpu.memory_space<hbm>>
            tpu.wait_indirect_dma semaphore(%arg16 : memref<!tpu.dma_semaphore, #tpu.memory_space<semaphore_mem>>) src(%dma_wait3A_412 : memref<100000x128xf32, #tpu.memory_space<hbm>>) dst(%arg13 : memref<96x128xf32, #tpu.memory_space<vmem>>)
            %add3A_413 = arith.constant 1 : i32
            %add3A_414 = arith.addi %while3A_363, %add3A_413 : i32
            %lt3A_415 = arith.cmpi slt, %add3A_414, %select_n3A : i32
            %convert_element_type3A_416 = arith.extui %lt3A_415 : i1 to i32
            %cond3A_417 = arith.constant 0 : i32
            %cond3A_418 = arith.cmpi ne, %convert_element_type3A_416, %cond3A_417 : i32
            scf.if %cond3A_418 {
              %add3A_421 = arith.constant 1 : i32
              %add3A_422 = arith.addi %while3A_363, %add3A_421 : i32
              %mul3A_423 = arith.constant 96 : i32
              %mul3A_424 = arith.muli %add3A_422, %mul3A_423 : i32
              %dma_start3A_425 = tpu.memref_slice %arg10[%mul3A_424] : memref<2016xi32, #tpu.memory_space<vmem>> -> memref<96xi32, #tpu.memory_space<vmem>>
              %dma_start3A_426 = arith.constant 0 : i32
              %dma_start3A_427 = arith.constant 0 : i32
              %dma_start3A_428 = tpu.memref_slice %arg2[%dma_start3A_426, %dma_start3A_427] : memref<100000x128xf32, #tpu.memory_space<hbm>> -> memref<100000x128xf32, #tpu.memory_space<hbm>>
              tpu.enqueue_indirect_dma source(%dma_start3A_428 : memref<100000x128xf32, #tpu.memory_space<hbm>>) target(%arg12 : memref<96x128xf32, #tpu.memory_space<vmem>>) offsets(%dma_start3A_425 : memref<96xi32, #tpu.memory_space<vmem>>) semaphore(%arg15 : memref<!tpu.dma_semaphore, #tpu.memory_space<semaphore_mem>>)
            } else {
            }
            %mul3A_419 = arith.constant 96 : i32
            %mul3A_420 = arith.muli %while3A_363, %mul3A_419 : i32
            "tpu.region"() ({
              %run_scoped3A = tpu.sem_alloc : memref<!tpu.dma_semaphore, #tpu.memory_space<semaphore_mem>>
              %dma_start3A_421 = tpu.memref_slice %arg11[%mul3A_420] : memref<2016xi32, #tpu.memory_space<vmem>> -> memref<96xi32, #tpu.memory_space<vmem>>
              %dma_start3A_422 = arith.constant 0 : i32
              %dma_start3A_423 = arith.constant 0 : i32
              %dma_start3A_424 = tpu.memref_slice %arg7[%dma_start3A_422, %dma_start3A_423] : memref<10256x128xf32, #tpu.memory_space<vmem_shared>> -> memref<10256x128xf32, #tpu.memory_space<vmem_shared>>
              tpu.enqueue_indirect_dma source(%arg13 : memref<96x128xf32, #tpu.memory_space<vmem>>) target(%dma_start3A_424 : memref<10256x128xf32, #tpu.memory_space<vmem_shared>>) offsets(%dma_start3A_421 : memref<96xi32, #tpu.memory_space<vmem>>) semaphore(%run_scoped3A : memref<!tpu.dma_semaphore, #tpu.memory_space<semaphore_mem>>) {add = true}
              %dma_wait3A_425 = tpu.memref_slice %arg11[%mul3A_420] : memref<2016xi32, #tpu.memory_space<vmem>> -> memref<96xi32, #tpu.memory_space<vmem>>
              %dma_wait3A_426 = arith.constant 0 : i32
              %dma_wait3A_427 = arith.constant 0 : i32
              %dma_wait3A_428 = tpu.memref_slice %arg7[%dma_wait3A_426, %dma_wait3A_427] : memref<10256x128xf32, #tpu.memory_space<vmem_shared>> -> memref<10256x128xf32, #tpu.memory_space<vmem_shared>>
              tpu.wait_indirect_dma semaphore(%run_scoped3A : memref<!tpu.dma_semaphore, #tpu.memory_space<semaphore_mem>>) src(%arg13 : memref<96x128xf32, #tpu.memory_space<vmem>>) dst(%dma_wait3A_428 : memref<10256x128xf32, #tpu.memory_space<vmem_shared>>)
              tpu.yield
            }) : () -> ()
          } else {
          }
          %while3A_406 = arith.constant 0 : i32
          scf.yield %while3A_406 : i32
        }
        %scan3A_362 = arith.constant 0 : i32
        scf.yield %scan3A_362 : i32
      }
      %scan3A_72 = arith.constant 10 : i32
      %barrier3A_73 = arith.constant 0 : index
      tpu.barrier barrier_id(%barrier3A_73)
      %add3A_74 = arith.constant 0 : i32
      %add3A_75 = arith.addi %sub3A, %add3A_74 : i32
      "tpu.region"() ({
        %run_scoped3A = tpu.sem_alloc : memref<!tpu.dma_semaphore, #tpu.memory_space<semaphore_mem>>
        %dma_start3A_259 = arith.constant 0 : i32
        %dma_start3A_260 = arith.constant 0 : i32
        %dma_start3A_261 = tpu.memref_slice %arg12[%dma_start3A_259, %dma_start3A_260] : memref<96x128xf32, #tpu.memory_space<vmem>> -> memref<96x128xf32, #tpu.memory_space<vmem>>
        %dma_start3A_262 = arith.constant 0 : i32
        %dma_start3A_263 = tpu.memref_slice %arg7[%add3A_75, %dma_start3A_262] : memref<10256x128xf32, #tpu.memory_space<vmem_shared>> -> memref<96x128xf32, #tpu.memory_space<vmem_shared>>
        %dma_start3A_264 = arith.constant 0 : i32
        %dma_start3A_265 = arith.constant 0 : i32
        %dma_start3A_266 = tpu.memref_slice %arg12[%dma_start3A_264, %dma_start3A_265] : memref<96x128xf32, #tpu.memory_space<vmem>> -> memref<96x128xf32, #tpu.memory_space<vmem>>
        %dma_start3A_267 = arith.constant 0 : i32
        %dma_start3A_268 = tpu.memref_slice %arg7[%add3A_75, %dma_start3A_267] : memref<10256x128xf32, #tpu.memory_space<vmem_shared>> -> memref<96x128xf32, #tpu.memory_space<vmem_shared>>
        tpu.enqueue_dma source(%dma_start3A_268 : memref<96x128xf32, #tpu.memory_space<vmem_shared>>) target(%dma_start3A_266 : memref<96x128xf32, #tpu.memory_space<vmem>>) target_semaphore(%run_scoped3A : memref<!tpu.dma_semaphore, #tpu.memory_space<semaphore_mem>>)
        %dma_wait3A_269 = arith.constant 0 : i32
        %dma_wait3A_270 = arith.constant 0 : i32
        %dma_wait3A_271 = tpu.memref_slice %arg12[%dma_wait3A_269, %dma_wait3A_270] : memref<96x128xf32, #tpu.memory_space<vmem>> -> memref<96x128xf32, #tpu.memory_space<vmem>>
        %dma_wait3A_272 = arith.constant 0 : i32
        %dma_wait3A_273 = tpu.memref_slice %arg7[%add3A_75, %dma_wait3A_272] : memref<10256x128xf32, #tpu.memory_space<vmem_shared>> -> memref<96x128xf32, #tpu.memory_space<vmem_shared>>
        %dma_wait3A_274 = arith.constant 0 : i32
        %dma_wait3A_275 = arith.constant 0 : i32
        %dma_wait3A_276 = tpu.memref_slice %arg12[%dma_wait3A_274, %dma_wait3A_275] : memref<96x128xf32, #tpu.memory_space<vmem>> -> memref<96x128xf32, #tpu.memory_space<vmem>>
        %dma_wait3A_277 = arith.constant 0 : i32
        %dma_wait3A_278 = tpu.memref_slice %arg7[%add3A_75, %dma_wait3A_277] : memref<10256x128xf32, #tpu.memory_space<vmem_shared>> -> memref<96x128xf32, #tpu.memory_space<vmem_shared>>
        tpu.wait_dma2 semaphore(%run_scoped3A : memref<!tpu.dma_semaphore, #tpu.memory_space<semaphore_mem>>) src(%dma_wait3A_278 : memref<96x128xf32, #tpu.memory_space<vmem_shared>>) dst(%dma_wait3A_276 : memref<96x128xf32, #tpu.memory_space<vmem>>)
        tpu.yield
      }) : () -> ()
      %add3A_76 = arith.constant 0 : i32
      %add3A_77 = arith.addi %min3A_23, %add3A_76 : i32
      %dma_start3A = arith.constant 0 : i32
      %dma_start3A_78 = arith.constant 0 : i32
      %dma_start3A_79 = tpu.memref_slice %arg12[%dma_start3A, %dma_start3A_78] : memref<96x128xf32, #tpu.memory_space<vmem>> -> memref<96x128xf32, #tpu.memory_space<vmem>>
      %dma_start3A_80 = arith.constant 0 : i32
      %dma_start3A_81 = tpu.memref_slice %arg5[%add3A_77, %dma_start3A_80] : memref<100000x128xf32, #tpu.memory_space<hbm>> -> memref<96x128xf32, #tpu.memory_space<hbm>>
      %dma_start3A_82 = arith.constant 0 : i32
      %dma_start3A_83 = tpu.memref_slice %arg5[%add3A_77, %dma_start3A_82] : memref<100000x128xf32, #tpu.memory_space<hbm>> -> memref<96x128xf32, #tpu.memory_space<hbm>>
      %dma_start3A_84 = arith.constant 0 : i32
      %dma_start3A_85 = arith.constant 0 : i32
      %dma_start3A_86 = tpu.memref_slice %arg12[%dma_start3A_84, %dma_start3A_85] : memref<96x128xf32, #tpu.memory_space<vmem>> -> memref<96x128xf32, #tpu.memory_space<vmem>>
      tpu.enqueue_dma source(%dma_start3A_86 : memref<96x128xf32, #tpu.memory_space<vmem>>) target(%dma_start3A_83 : memref<96x128xf32, #tpu.memory_space<hbm>>) target_semaphore(%arg15 : memref<!tpu.dma_semaphore, #tpu.memory_space<semaphore_mem>>)
      %add3A_87 = arith.constant 96 : i32
      %add3A_88 = arith.addi %sub3A, %add3A_87 : i32
      "tpu.region"() ({
        %run_scoped3A = tpu.sem_alloc : memref<!tpu.dma_semaphore, #tpu.memory_space<semaphore_mem>>
        %dma_start3A_259 = arith.constant 0 : i32
        %dma_start3A_260 = arith.constant 0 : i32
        %dma_start3A_261 = tpu.memref_slice %arg13[%dma_start3A_259, %dma_start3A_260] : memref<96x128xf32, #tpu.memory_space<vmem>> -> memref<96x128xf32, #tpu.memory_space<vmem>>
        %dma_start3A_262 = arith.constant 0 : i32
        %dma_start3A_263 = tpu.memref_slice %arg7[%add3A_88, %dma_start3A_262] : memref<10256x128xf32, #tpu.memory_space<vmem_shared>> -> memref<96x128xf32, #tpu.memory_space<vmem_shared>>
        %dma_start3A_264 = arith.constant 0 : i32
        %dma_start3A_265 = arith.constant 0 : i32
        %dma_start3A_266 = tpu.memref_slice %arg13[%dma_start3A_264, %dma_start3A_265] : memref<96x128xf32, #tpu.memory_space<vmem>> -> memref<96x128xf32, #tpu.memory_space<vmem>>
        %dma_start3A_267 = arith.constant 0 : i32
        %dma_start3A_268 = tpu.memref_slice %arg7[%add3A_88, %dma_start3A_267] : memref<10256x128xf32, #tpu.memory_space<vmem_shared>> -> memref<96x128xf32, #tpu.memory_space<vmem_shared>>
        tpu.enqueue_dma source(%dma_start3A_268 : memref<96x128xf32, #tpu.memory_space<vmem_shared>>) target(%dma_start3A_266 : memref<96x128xf32, #tpu.memory_space<vmem>>) target_semaphore(%run_scoped3A : memref<!tpu.dma_semaphore, #tpu.memory_space<semaphore_mem>>)
        %dma_wait3A_269 = arith.constant 0 : i32
        %dma_wait3A_270 = arith.constant 0 : i32
        %dma_wait3A_271 = tpu.memref_slice %arg13[%dma_wait3A_269, %dma_wait3A_270] : memref<96x128xf32, #tpu.memory_space<vmem>> -> memref<96x128xf32, #tpu.memory_space<vmem>>
        %dma_wait3A_272 = arith.constant 0 : i32
        %dma_wait3A_273 = tpu.memref_slice %arg7[%add3A_88, %dma_wait3A_272] : memref<10256x128xf32, #tpu.memory_space<vmem_shared>> -> memref<96x128xf32, #tpu.memory_space<vmem_shared>>
        %dma_wait3A_274 = arith.constant 0 : i32
        %dma_wait3A_275 = arith.constant 0 : i32
        %dma_wait3A_276 = tpu.memref_slice %arg13[%dma_wait3A_274, %dma_wait3A_275] : memref<96x128xf32, #tpu.memory_space<vmem>> -> memref<96x128xf32, #tpu.memory_space<vmem>>
        %dma_wait3A_277 = arith.constant 0 : i32
        %dma_wait3A_278 = tpu.memref_slice %arg7[%add3A_88, %dma_wait3A_277] : memref<10256x128xf32, #tpu.memory_space<vmem_shared>> -> memref<96x128xf32, #tpu.memory_space<vmem_shared>>
        tpu.wait_dma2 semaphore(%run_scoped3A : memref<!tpu.dma_semaphore, #tpu.memory_space<semaphore_mem>>) src(%dma_wait3A_278 : memref<96x128xf32, #tpu.memory_space<vmem_shared>>) dst(%dma_wait3A_276 : memref<96x128xf32, #tpu.memory_space<vmem>>)
        tpu.yield
      }) : () -> ()
      %add3A_89 = arith.constant 0 : i32
      %add3A_90 = arith.addi %min3A_23, %add3A_89 : i32
      %dma_wait3A = arith.constant 0 : i32
      %dma_wait3A_91 = arith.constant 0 : i32
      %dma_wait3A_92 = tpu.memref_slice %arg12[%dma_wait3A, %dma_wait3A_91] : memref<96x128xf32, #tpu.memory_space<vmem>> -> memref<96x128xf32, #tpu.memory_space<vmem>>
      %dma_wait3A_93 = arith.constant 0 : i32
      %dma_wait3A_94 = tpu.memref_slice %arg5[%add3A_90, %dma_wait3A_93] : memref<100000x128xf32, #tpu.memory_space<hbm>> -> memref<96x128xf32, #tpu.memory_space<hbm>>
      %dma_wait3A_95 = arith.constant 0 : i32
      %dma_wait3A_96 = tpu.memref_slice %arg5[%add3A_90, %dma_wait3A_95] : memref<100000x128xf32, #tpu.memory_space<hbm>> -> memref<96x128xf32, #tpu.memory_space<hbm>>
      %dma_wait3A_97 = arith.constant 0 : i32
      %dma_wait3A_98 = arith.constant 0 : i32
      %dma_wait3A_99 = tpu.memref_slice %arg12[%dma_wait3A_97, %dma_wait3A_98] : memref<96x128xf32, #tpu.memory_space<vmem>> -> memref<96x128xf32, #tpu.memory_space<vmem>>
      tpu.wait_dma2 semaphore(%arg15 : memref<!tpu.dma_semaphore, #tpu.memory_space<semaphore_mem>>) src(%dma_wait3A_99 : memref<96x128xf32, #tpu.memory_space<vmem>>) dst(%dma_wait3A_96 : memref<96x128xf32, #tpu.memory_space<hbm>>)
      %add3A_100 = arith.constant 96 : i32
      %add3A_101 = arith.addi %min3A_23, %add3A_100 : i32
      %dma_start3A_102 = arith.constant 0 : i32
      %dma_start3A_103 = arith.constant 0 : i32
      %dma_start3A_104 = tpu.memref_slice %arg13[%dma_start3A_102, %dma_start3A_103] : memref<96x128xf32, #tpu.memory_space<vmem>> -> memref<96x128xf32, #tpu.memory_space<vmem>>
      %dma_start3A_105 = arith.constant 0 : i32
      %dma_start3A_106 = tpu.memref_slice %arg5[%add3A_101, %dma_start3A_105] : memref<100000x128xf32, #tpu.memory_space<hbm>> -> memref<96x128xf32, #tpu.memory_space<hbm>>
      %dma_start3A_107 = arith.constant 0 : i32
      %dma_start3A_108 = tpu.memref_slice %arg5[%add3A_101, %dma_start3A_107] : memref<100000x128xf32, #tpu.memory_space<hbm>> -> memref<96x128xf32, #tpu.memory_space<hbm>>
      %dma_start3A_109 = arith.constant 0 : i32
      %dma_start3A_110 = arith.constant 0 : i32
      %dma_start3A_111 = tpu.memref_slice %arg13[%dma_start3A_109, %dma_start3A_110] : memref<96x128xf32, #tpu.memory_space<vmem>> -> memref<96x128xf32, #tpu.memory_space<vmem>>
      tpu.enqueue_dma source(%dma_start3A_111 : memref<96x128xf32, #tpu.memory_space<vmem>>) target(%dma_start3A_108 : memref<96x128xf32, #tpu.memory_space<hbm>>) target_semaphore(%arg16 : memref<!tpu.dma_semaphore, #tpu.memory_space<semaphore_mem>>)
      %add3A_112 = arith.constant 192 : i32
      %add3A_113 = arith.addi %sub3A, %add3A_112 : i32
      "tpu.region"() ({
        %run_scoped3A = tpu.sem_alloc : memref<!tpu.dma_semaphore, #tpu.memory_space<semaphore_mem>>
        %dma_start3A_259 = arith.constant 0 : i32
        %dma_start3A_260 = arith.constant 0 : i32
        %dma_start3A_261 = tpu.memref_slice %arg12[%dma_start3A_259, %dma_start3A_260] : memref<96x128xf32, #tpu.memory_space<vmem>> -> memref<96x128xf32, #tpu.memory_space<vmem>>
        %dma_start3A_262 = arith.constant 0 : i32
        %dma_start3A_263 = tpu.memref_slice %arg7[%add3A_113, %dma_start3A_262] : memref<10256x128xf32, #tpu.memory_space<vmem_shared>> -> memref<96x128xf32, #tpu.memory_space<vmem_shared>>
        %dma_start3A_264 = arith.constant 0 : i32
        %dma_start3A_265 = arith.constant 0 : i32
        %dma_start3A_266 = tpu.memref_slice %arg12[%dma_start3A_264, %dma_start3A_265] : memref<96x128xf32, #tpu.memory_space<vmem>> -> memref<96x128xf32, #tpu.memory_space<vmem>>
        %dma_start3A_267 = arith.constant 0 : i32
        %dma_start3A_268 = tpu.memref_slice %arg7[%add3A_113, %dma_start3A_267] : memref<10256x128xf32, #tpu.memory_space<vmem_shared>> -> memref<96x128xf32, #tpu.memory_space<vmem_shared>>
        tpu.enqueue_dma source(%dma_start3A_268 : memref<96x128xf32, #tpu.memory_space<vmem_shared>>) target(%dma_start3A_266 : memref<96x128xf32, #tpu.memory_space<vmem>>) target_semaphore(%run_scoped3A : memref<!tpu.dma_semaphore, #tpu.memory_space<semaphore_mem>>)
        %dma_wait3A_269 = arith.constant 0 : i32
        %dma_wait3A_270 = arith.constant 0 : i32
        %dma_wait3A_271 = tpu.memref_slice %arg12[%dma_wait3A_269, %dma_wait3A_270] : memref<96x128xf32, #tpu.memory_space<vmem>> -> memref<96x128xf32, #tpu.memory_space<vmem>>
        %dma_wait3A_272 = arith.constant 0 : i32
        %dma_wait3A_273 = tpu.memref_slice %arg7[%add3A_113, %dma_wait3A_272] : memref<10256x128xf32, #tpu.memory_space<vmem_shared>> -> memref<96x128xf32, #tpu.memory_space<vmem_shared>>
        %dma_wait3A_274 = arith.constant 0 : i32
        %dma_wait3A_275 = arith.constant 0 : i32
        %dma_wait3A_276 = tpu.memref_slice %arg12[%dma_wait3A_274, %dma_wait3A_275] : memref<96x128xf32, #tpu.memory_space<vmem>> -> memref<96x128xf32, #tpu.memory_space<vmem>>
        %dma_wait3A_277 = arith.constant 0 : i32
        %dma_wait3A_278 = tpu.memref_slice %arg7[%add3A_113, %dma_wait3A_277] : memref<10256x128xf32, #tpu.memory_space<vmem_shared>> -> memref<96x128xf32, #tpu.memory_space<vmem_shared>>
        tpu.wait_dma2 semaphore(%run_scoped3A : memref<!tpu.dma_semaphore, #tpu.memory_space<semaphore_mem>>) src(%dma_wait3A_278 : memref<96x128xf32, #tpu.memory_space<vmem_shared>>) dst(%dma_wait3A_276 : memref<96x128xf32, #tpu.memory_space<vmem>>)
        tpu.yield
      }) : () -> ()
      %add3A_114 = arith.constant 96 : i32
      %add3A_115 = arith.addi %min3A_23, %add3A_114 : i32
      %dma_wait3A_116 = arith.constant 0 : i32
      %dma_wait3A_117 = arith.constant 0 : i32
      %dma_wait3A_118 = tpu.memref_slice %arg13[%dma_wait3A_116, %dma_wait3A_117] : memref<96x128xf32, #tpu.memory_space<vmem>> -> memref<96x128xf32, #tpu.memory_space<vmem>>
      %dma_wait3A_119 = arith.constant 0 : i32
      %dma_wait3A_120 = tpu.memref_slice %arg5[%add3A_115, %dma_wait3A_119] : memref<100000x128xf32, #tpu.memory_space<hbm>> -> memref<96x128xf32, #tpu.memory_space<hbm>>
      %dma_wait3A_121 = arith.constant 0 : i32
      %dma_wait3A_122 = tpu.memref_slice %arg5[%add3A_115, %dma_wait3A_121] : memref<100000x128xf32, #tpu.memory_space<hbm>> -> memref<96x128xf32, #tpu.memory_space<hbm>>
      %dma_wait3A_123 = arith.constant 0 : i32
      %dma_wait3A_124 = arith.constant 0 : i32
      %dma_wait3A_125 = tpu.memref_slice %arg13[%dma_wait3A_123, %dma_wait3A_124] : memref<96x128xf32, #tpu.memory_space<vmem>> -> memref<96x128xf32, #tpu.memory_space<vmem>>
      tpu.wait_dma2 semaphore(%arg16 : memref<!tpu.dma_semaphore, #tpu.memory_space<semaphore_mem>>) src(%dma_wait3A_125 : memref<96x128xf32, #tpu.memory_space<vmem>>) dst(%dma_wait3A_122 : memref<96x128xf32, #tpu.memory_space<hbm>>)
      %add3A_126 = arith.constant 192 : i32
      %add3A_127 = arith.addi %min3A_23, %add3A_126 : i32
      %dma_start3A_128 = arith.constant 0 : i32
      %dma_start3A_129 = arith.constant 0 : i32
      %dma_start3A_130 = tpu.memref_slice %arg12[%dma_start3A_128, %dma_start3A_129] : memref<96x128xf32, #tpu.memory_space<vmem>> -> memref<96x128xf32, #tpu.memory_space<vmem>>
      %dma_start3A_131 = arith.constant 0 : i32
      %dma_start3A_132 = tpu.memref_slice %arg5[%add3A_127, %dma_start3A_131] : memref<100000x128xf32, #tpu.memory_space<hbm>> -> memref<96x128xf32, #tpu.memory_space<hbm>>
      %dma_start3A_133 = arith.constant 0 : i32
      %dma_start3A_134 = tpu.memref_slice %arg5[%add3A_127, %dma_start3A_133] : memref<100000x128xf32, #tpu.memory_space<hbm>> -> memref<96x128xf32, #tpu.memory_space<hbm>>
      %dma_start3A_135 = arith.constant 0 : i32
      %dma_start3A_136 = arith.constant 0 : i32
      %dma_start3A_137 = tpu.memref_slice %arg12[%dma_start3A_135, %dma_start3A_136] : memref<96x128xf32, #tpu.memory_space<vmem>> -> memref<96x128xf32, #tpu.memory_space<vmem>>
      tpu.enqueue_dma source(%dma_start3A_137 : memref<96x128xf32, #tpu.memory_space<vmem>>) target(%dma_start3A_134 : memref<96x128xf32, #tpu.memory_space<hbm>>) target_semaphore(%arg15 : memref<!tpu.dma_semaphore, #tpu.memory_space<semaphore_mem>>)
      %add3A_138 = arith.constant 288 : i32
      %add3A_139 = arith.addi %sub3A, %add3A_138 : i32
      "tpu.region"() ({
        %run_scoped3A = tpu.sem_alloc : memref<!tpu.dma_semaphore, #tpu.memory_space<semaphore_mem>>
        %dma_start3A_259 = arith.constant 0 : i32
        %dma_start3A_260 = arith.constant 0 : i32
        %dma_start3A_261 = tpu.memref_slice %arg13[%dma_start3A_259, %dma_start3A_260] : memref<96x128xf32, #tpu.memory_space<vmem>> -> memref<96x128xf32, #tpu.memory_space<vmem>>
        %dma_start3A_262 = arith.constant 0 : i32
        %dma_start3A_263 = tpu.memref_slice %arg7[%add3A_139, %dma_start3A_262] : memref<10256x128xf32, #tpu.memory_space<vmem_shared>> -> memref<96x128xf32, #tpu.memory_space<vmem_shared>>
        %dma_start3A_264 = arith.constant 0 : i32
        %dma_start3A_265 = arith.constant 0 : i32
        %dma_start3A_266 = tpu.memref_slice %arg13[%dma_start3A_264, %dma_start3A_265] : memref<96x128xf32, #tpu.memory_space<vmem>> -> memref<96x128xf32, #tpu.memory_space<vmem>>
        %dma_start3A_267 = arith.constant 0 : i32
        %dma_start3A_268 = tpu.memref_slice %arg7[%add3A_139, %dma_start3A_267] : memref<10256x128xf32, #tpu.memory_space<vmem_shared>> -> memref<96x128xf32, #tpu.memory_space<vmem_shared>>
        tpu.enqueue_dma source(%dma_start3A_268 : memref<96x128xf32, #tpu.memory_space<vmem_shared>>) target(%dma_start3A_266 : memref<96x128xf32, #tpu.memory_space<vmem>>) target_semaphore(%run_scoped3A : memref<!tpu.dma_semaphore, #tpu.memory_space<semaphore_mem>>)
        %dma_wait3A_269 = arith.constant 0 : i32
        %dma_wait3A_270 = arith.constant 0 : i32
        %dma_wait3A_271 = tpu.memref_slice %arg13[%dma_wait3A_269, %dma_wait3A_270] : memref<96x128xf32, #tpu.memory_space<vmem>> -> memref<96x128xf32, #tpu.memory_space<vmem>>
        %dma_wait3A_272 = arith.constant 0 : i32
        %dma_wait3A_273 = tpu.memref_slice %arg7[%add3A_139, %dma_wait3A_272] : memref<10256x128xf32, #tpu.memory_space<vmem_shared>> -> memref<96x128xf32, #tpu.memory_space<vmem_shared>>
        %dma_wait3A_274 = arith.constant 0 : i32
        %dma_wait3A_275 = arith.constant 0 : i32
        %dma_wait3A_276 = tpu.memref_slice %arg13[%dma_wait3A_274, %dma_wait3A_275] : memref<96x128xf32, #tpu.memory_space<vmem>> -> memref<96x128xf32, #tpu.memory_space<vmem>>
        %dma_wait3A_277 = arith.constant 0 : i32
        %dma_wait3A_278 = tpu.memref_slice %arg7[%add3A_139, %dma_wait3A_277] : memref<10256x128xf32, #tpu.memory_space<vmem_shared>> -> memref<96x128xf32, #tpu.memory_space<vmem_shared>>
        tpu.wait_dma2 semaphore(%run_scoped3A : memref<!tpu.dma_semaphore, #tpu.memory_space<semaphore_mem>>) src(%dma_wait3A_278 : memref<96x128xf32, #tpu.memory_space<vmem_shared>>) dst(%dma_wait3A_276 : memref<96x128xf32, #tpu.memory_space<vmem>>)
        tpu.yield
      }) : () -> ()
      %add3A_140 = arith.constant 192 : i32
      %add3A_141 = arith.addi %min3A_23, %add3A_140 : i32
      %dma_wait3A_142 = arith.constant 0 : i32
      %dma_wait3A_143 = arith.constant 0 : i32
      %dma_wait3A_144 = tpu.memref_slice %arg12[%dma_wait3A_142, %dma_wait3A_143] : memref<96x128xf32, #tpu.memory_space<vmem>> -> memref<96x128xf32, #tpu.memory_space<vmem>>
      %dma_wait3A_145 = arith.constant 0 : i32
      %dma_wait3A_146 = tpu.memref_slice %arg5[%add3A_141, %dma_wait3A_145] : memref<100000x128xf32, #tpu.memory_space<hbm>> -> memref<96x128xf32, #tpu.memory_space<hbm>>
      %dma_wait3A_147 = arith.constant 0 : i32
      %dma_wait3A_148 = tpu.memref_slice %arg5[%add3A_141, %dma_wait3A_147] : memref<100000x128xf32, #tpu.memory_space<hbm>> -> memref<96x128xf32, #tpu.memory_space<hbm>>
      %dma_wait3A_149 = arith.constant 0 : i32
      %dma_wait3A_150 = arith.constant 0 : i32
      %dma_wait3A_151 = tpu.memref_slice %arg12[%dma_wait3A_149, %dma_wait3A_150] : memref<96x128xf32, #tpu.memory_space<vmem>> -> memref<96x128xf32, #tpu.memory_space<vmem>>
      tpu.wait_dma2 semaphore(%arg15 : memref<!tpu.dma_semaphore, #tpu.memory_space<semaphore_mem>>) src(%dma_wait3A_151 : memref<96x128xf32, #tpu.memory_space<vmem>>) dst(%dma_wait3A_148 : memref<96x128xf32, #tpu.memory_space<hbm>>)
      %add3A_152 = arith.constant 288 : i32
      %add3A_153 = arith.addi %min3A_23, %add3A_152 : i32
      %dma_start3A_154 = arith.constant 0 : i32
      %dma_start3A_155 = arith.constant 0 : i32
      %dma_start3A_156 = tpu.memref_slice %arg13[%dma_start3A_154, %dma_start3A_155] : memref<96x128xf32, #tpu.memory_space<vmem>> -> memref<96x128xf32, #tpu.memory_space<vmem>>
      %dma_start3A_157 = arith.constant 0 : i32
      %dma_start3A_158 = tpu.memref_slice %arg5[%add3A_153, %dma_start3A_157] : memref<100000x128xf32, #tpu.memory_space<hbm>> -> memref<96x128xf32, #tpu.memory_space<hbm>>
      %dma_start3A_159 = arith.constant 0 : i32
      %dma_start3A_160 = tpu.memref_slice %arg5[%add3A_153, %dma_start3A_159] : memref<100000x128xf32, #tpu.memory_space<hbm>> -> memref<96x128xf32, #tpu.memory_space<hbm>>
      %dma_start3A_161 = arith.constant 0 : i32
      %dma_start3A_162 = arith.constant 0 : i32
      %dma_start3A_163 = tpu.memref_slice %arg13[%dma_start3A_161, %dma_start3A_162] : memref<96x128xf32, #tpu.memory_space<vmem>> -> memref<96x128xf32, #tpu.memory_space<vmem>>
      tpu.enqueue_dma source(%dma_start3A_163 : memref<96x128xf32, #tpu.memory_space<vmem>>) target(%dma_start3A_160 : memref<96x128xf32, #tpu.memory_space<hbm>>) target_semaphore(%arg16 : memref<!tpu.dma_semaphore, #tpu.memory_space<semaphore_mem>>)
      %add3A_164 = arith.constant 384 : i32
      %add3A_165 = arith.addi %sub3A, %add3A_164 : i32
      "tpu.region"() ({
        %run_scoped3A = tpu.sem_alloc : memref<!tpu.dma_semaphore, #tpu.memory_space<semaphore_mem>>
        %dma_start3A_259 = arith.constant 0 : i32
        %dma_start3A_260 = arith.constant 0 : i32
        %dma_start3A_261 = tpu.memref_slice %arg12[%dma_start3A_259, %dma_start3A_260] : memref<96x128xf32, #tpu.memory_space<vmem>> -> memref<96x128xf32, #tpu.memory_space<vmem>>
        %dma_start3A_262 = arith.constant 0 : i32
        %dma_start3A_263 = tpu.memref_slice %arg7[%add3A_165, %dma_start3A_262] : memref<10256x128xf32, #tpu.memory_space<vmem_shared>> -> memref<96x128xf32, #tpu.memory_space<vmem_shared>>
        %dma_start3A_264 = arith.constant 0 : i32
        %dma_start3A_265 = arith.constant 0 : i32
        %dma_start3A_266 = tpu.memref_slice %arg12[%dma_start3A_264, %dma_start3A_265] : memref<96x128xf32, #tpu.memory_space<vmem>> -> memref<96x128xf32, #tpu.memory_space<vmem>>
        %dma_start3A_267 = arith.constant 0 : i32
        %dma_start3A_268 = tpu.memref_slice %arg7[%add3A_165, %dma_start3A_267] : memref<10256x128xf32, #tpu.memory_space<vmem_shared>> -> memref<96x128xf32, #tpu.memory_space<vmem_shared>>
        tpu.enqueue_dma source(%dma_start3A_268 : memref<96x128xf32, #tpu.memory_space<vmem_shared>>) target(%dma_start3A_266 : memref<96x128xf32, #tpu.memory_space<vmem>>) target_semaphore(%run_scoped3A : memref<!tpu.dma_semaphore, #tpu.memory_space<semaphore_mem>>)
        %dma_wait3A_269 = arith.constant 0 : i32
        %dma_wait3A_270 = arith.constant 0 : i32
        %dma_wait3A_271 = tpu.memref_slice %arg12[%dma_wait3A_269, %dma_wait3A_270] : memref<96x128xf32, #tpu.memory_space<vmem>> -> memref<96x128xf32, #tpu.memory_space<vmem>>
        %dma_wait3A_272 = arith.constant 0 : i32
        %dma_wait3A_273 = tpu.memref_slice %arg7[%add3A_165, %dma_wait3A_272] : memref<10256x128xf32, #tpu.memory_space<vmem_shared>> -> memref<96x128xf32, #tpu.memory_space<vmem_shared>>
        %dma_wait3A_274 = arith.constant 0 : i32
        %dma_wait3A_275 = arith.constant 0 : i32
        %dma_wait3A_276 = tpu.memref_slice %arg12[%dma_wait3A_274, %dma_wait3A_275] : memref<96x128xf32, #tpu.memory_space<vmem>> -> memref<96x128xf32, #tpu.memory_space<vmem>>
        %dma_wait3A_277 = arith.constant 0 : i32
        %dma_wait3A_278 = tpu.memref_slice %arg7[%add3A_165, %dma_wait3A_277] : memref<10256x128xf32, #tpu.memory_space<vmem_shared>> -> memref<96x128xf32, #tpu.memory_space<vmem_shared>>
        tpu.wait_dma2 semaphore(%run_scoped3A : memref<!tpu.dma_semaphore, #tpu.memory_space<semaphore_mem>>) src(%dma_wait3A_278 : memref<96x128xf32, #tpu.memory_space<vmem_shared>>) dst(%dma_wait3A_276 : memref<96x128xf32, #tpu.memory_space<vmem>>)
        tpu.yield
      }) : () -> ()
      %add3A_166 = arith.constant 288 : i32
      %add3A_167 = arith.addi %min3A_23, %add3A_166 : i32
      %dma_wait3A_168 = arith.constant 0 : i32
      %dma_wait3A_169 = arith.constant 0 : i32
      %dma_wait3A_170 = tpu.memref_slice %arg13[%dma_wait3A_168, %dma_wait3A_169] : memref<96x128xf32, #tpu.memory_space<vmem>> -> memref<96x128xf32, #tpu.memory_space<vmem>>
      %dma_wait3A_171 = arith.constant 0 : i32
      %dma_wait3A_172 = tpu.memref_slice %arg5[%add3A_167, %dma_wait3A_171] : memref<100000x128xf32, #tpu.memory_space<hbm>> -> memref<96x128xf32, #tpu.memory_space<hbm>>
      %dma_wait3A_173 = arith.constant 0 : i32
      %dma_wait3A_174 = tpu.memref_slice %arg5[%add3A_167, %dma_wait3A_173] : memref<100000x128xf32, #tpu.memory_space<hbm>> -> memref<96x128xf32, #tpu.memory_space<hbm>>
      %dma_wait3A_175 = arith.constant 0 : i32
      %dma_wait3A_176 = arith.constant 0 : i32
      %dma_wait3A_177 = tpu.memref_slice %arg13[%dma_wait3A_175, %dma_wait3A_176] : memref<96x128xf32, #tpu.memory_space<vmem>> -> memref<96x128xf32, #tpu.memory_space<vmem>>
      tpu.wait_dma2 semaphore(%arg16 : memref<!tpu.dma_semaphore, #tpu.memory_space<semaphore_mem>>) src(%dma_wait3A_177 : memref<96x128xf32, #tpu.memory_space<vmem>>) dst(%dma_wait3A_174 : memref<96x128xf32, #tpu.memory_space<hbm>>)
      %add3A_178 = arith.constant 384 : i32
      %add3A_179 = arith.addi %min3A_23, %add3A_178 : i32
      %dma_start3A_180 = arith.constant 0 : i32
      %dma_start3A_181 = arith.constant 0 : i32
      %dma_start3A_182 = tpu.memref_slice %arg12[%dma_start3A_180, %dma_start3A_181] : memref<96x128xf32, #tpu.memory_space<vmem>> -> memref<96x128xf32, #tpu.memory_space<vmem>>
      %dma_start3A_183 = arith.constant 0 : i32
      %dma_start3A_184 = tpu.memref_slice %arg5[%add3A_179, %dma_start3A_183] : memref<100000x128xf32, #tpu.memory_space<hbm>> -> memref<96x128xf32, #tpu.memory_space<hbm>>
      %dma_start3A_185 = arith.constant 0 : i32
      %dma_start3A_186 = tpu.memref_slice %arg5[%add3A_179, %dma_start3A_185] : memref<100000x128xf32, #tpu.memory_space<hbm>> -> memref<96x128xf32, #tpu.memory_space<hbm>>
      %dma_start3A_187 = arith.constant 0 : i32
      %dma_start3A_188 = arith.constant 0 : i32
      %dma_start3A_189 = tpu.memref_slice %arg12[%dma_start3A_187, %dma_start3A_188] : memref<96x128xf32, #tpu.memory_space<vmem>> -> memref<96x128xf32, #tpu.memory_space<vmem>>
      tpu.enqueue_dma source(%dma_start3A_189 : memref<96x128xf32, #tpu.memory_space<vmem>>) target(%dma_start3A_186 : memref<96x128xf32, #tpu.memory_space<hbm>>) target_semaphore(%arg15 : memref<!tpu.dma_semaphore, #tpu.memory_space<semaphore_mem>>)
      %add3A_190 = arith.constant 480 : i32
      %add3A_191 = arith.addi %sub3A, %add3A_190 : i32
      "tpu.region"() ({
        %run_scoped3A = tpu.sem_alloc : memref<!tpu.dma_semaphore, #tpu.memory_space<semaphore_mem>>
        %dma_start3A_259 = arith.constant 0 : i32
        %dma_start3A_260 = arith.constant 0 : i32
        %dma_start3A_261 = tpu.memref_slice %arg13[%dma_start3A_259, %dma_start3A_260] : memref<96x128xf32, #tpu.memory_space<vmem>> -> memref<96x128xf32, #tpu.memory_space<vmem>>
        %dma_start3A_262 = arith.constant 0 : i32
        %dma_start3A_263 = tpu.memref_slice %arg7[%add3A_191, %dma_start3A_262] : memref<10256x128xf32, #tpu.memory_space<vmem_shared>> -> memref<96x128xf32, #tpu.memory_space<vmem_shared>>
        %dma_start3A_264 = arith.constant 0 : i32
        %dma_start3A_265 = arith.constant 0 : i32
        %dma_start3A_266 = tpu.memref_slice %arg13[%dma_start3A_264, %dma_start3A_265] : memref<96x128xf32, #tpu.memory_space<vmem>> -> memref<96x128xf32, #tpu.memory_space<vmem>>
        %dma_start3A_267 = arith.constant 0 : i32
        %dma_start3A_268 = tpu.memref_slice %arg7[%add3A_191, %dma_start3A_267] : memref<10256x128xf32, #tpu.memory_space<vmem_shared>> -> memref<96x128xf32, #tpu.memory_space<vmem_shared>>
        tpu.enqueue_dma source(%dma_start3A_268 : memref<96x128xf32, #tpu.memory_space<vmem_shared>>) target(%dma_start3A_266 : memref<96x128xf32, #tpu.memory_space<vmem>>) target_semaphore(%run_scoped3A : memref<!tpu.dma_semaphore, #tpu.memory_space<semaphore_mem>>)
        %dma_wait3A_269 = arith.constant 0 : i32
        %dma_wait3A_270 = arith.constant 0 : i32
        %dma_wait3A_271 = tpu.memref_slice %arg13[%dma_wait3A_269, %dma_wait3A_270] : memref<96x128xf32, #tpu.memory_space<vmem>> -> memref<96x128xf32, #tpu.memory_space<vmem>>
        %dma_wait3A_272 = arith.constant 0 : i32
        %dma_wait3A_273 = tpu.memref_slice %arg7[%add3A_191, %dma_wait3A_272] : memref<10256x128xf32, #tpu.memory_space<vmem_shared>> -> memref<96x128xf32, #tpu.memory_space<vmem_shared>>
        %dma_wait3A_274 = arith.constant 0 : i32
        %dma_wait3A_275 = arith.constant 0 : i32
        %dma_wait3A_276 = tpu.memref_slice %arg13[%dma_wait3A_274, %dma_wait3A_275] : memref<96x128xf32, #tpu.memory_space<vmem>> -> memref<96x128xf32, #tpu.memory_space<vmem>>
        %dma_wait3A_277 = arith.constant 0 : i32
        %dma_wait3A_278 = tpu.memref_slice %arg7[%add3A_191, %dma_wait3A_277] : memref<10256x128xf32, #tpu.memory_space<vmem_shared>> -> memref<96x128xf32, #tpu.memory_space<vmem_shared>>
        tpu.wait_dma2 semaphore(%run_scoped3A : memref<!tpu.dma_semaphore, #tpu.memory_space<semaphore_mem>>) src(%dma_wait3A_278 : memref<96x128xf32, #tpu.memory_space<vmem_shared>>) dst(%dma_wait3A_276 : memref<96x128xf32, #tpu.memory_space<vmem>>)
        tpu.yield
      }) : () -> ()
      %add3A_192 = arith.constant 384 : i32
      %add3A_193 = arith.addi %min3A_23, %add3A_192 : i32
      %dma_wait3A_194 = arith.constant 0 : i32
      %dma_wait3A_195 = arith.constant 0 : i32
      %dma_wait3A_196 = tpu.memref_slice %arg12[%dma_wait3A_194, %dma_wait3A_195] : memref<96x128xf32, #tpu.memory_space<vmem>> -> memref<96x128xf32, #tpu.memory_space<vmem>>
      %dma_wait3A_197 = arith.constant 0 : i32
      %dma_wait3A_198 = tpu.memref_slice %arg5[%add3A_193, %dma_wait3A_197] : memref<100000x128xf32, #tpu.memory_space<hbm>> -> memref<96x128xf32, #tpu.memory_space<hbm>>
      %dma_wait3A_199 = arith.constant 0 : i32
      %dma_wait3A_200 = tpu.memref_slice %arg5[%add3A_193, %dma_wait3A_199] : memref<100000x128xf32, #tpu.memory_space<hbm>> -> memref<96x128xf32, #tpu.memory_space<hbm>>
      %dma_wait3A_201 = arith.constant 0 : i32
      %dma_wait3A_202 = arith.constant 0 : i32
      %dma_wait3A_203 = tpu.memref_slice %arg12[%dma_wait3A_201, %dma_wait3A_202] : memref<96x128xf32, #tpu.memory_space<vmem>> -> memref<96x128xf32, #tpu.memory_space<vmem>>
      tpu.wait_dma2 semaphore(%arg15 : memref<!tpu.dma_semaphore, #tpu.memory_space<semaphore_mem>>) src(%dma_wait3A_203 : memref<96x128xf32, #tpu.memory_space<vmem>>) dst(%dma_wait3A_200 : memref<96x128xf32, #tpu.memory_space<hbm>>)
      %add3A_204 = arith.constant 480 : i32
      %add3A_205 = arith.addi %min3A_23, %add3A_204 : i32
      %dma_start3A_206 = arith.constant 0 : i32
      %dma_start3A_207 = arith.constant 0 : i32
      %dma_start3A_208 = tpu.memref_slice %arg13[%dma_start3A_206, %dma_start3A_207] : memref<96x128xf32, #tpu.memory_space<vmem>> -> memref<96x128xf32, #tpu.memory_space<vmem>>
      %dma_start3A_209 = arith.constant 0 : i32
      %dma_start3A_210 = tpu.memref_slice %arg5[%add3A_205, %dma_start3A_209] : memref<100000x128xf32, #tpu.memory_space<hbm>> -> memref<96x128xf32, #tpu.memory_space<hbm>>
      %dma_start3A_211 = arith.constant 0 : i32
      %dma_start3A_212 = tpu.memref_slice %arg5[%add3A_205, %dma_start3A_211] : memref<100000x128xf32, #tpu.memory_space<hbm>> -> memref<96x128xf32, #tpu.memory_space<hbm>>
      %dma_start3A_213 = arith.constant 0 : i32
      %dma_start3A_214 = arith.constant 0 : i32
      %dma_start3A_215 = tpu.memref_slice %arg13[%dma_start3A_213, %dma_start3A_214] : memref<96x128xf32, #tpu.memory_space<vmem>> -> memref<96x128xf32, #tpu.memory_space<vmem>>
      tpu.enqueue_dma source(%dma_start3A_215 : memref<96x128xf32, #tpu.memory_space<vmem>>) target(%dma_start3A_212 : memref<96x128xf32, #tpu.memory_space<hbm>>) target_semaphore(%arg16 : memref<!tpu.dma_semaphore, #tpu.memory_space<semaphore_mem>>)
      %add3A_216 = arith.constant 576 : i32
      %add3A_217 = arith.addi %sub3A, %add3A_216 : i32
      "tpu.region"() ({
        %run_scoped3A = tpu.sem_alloc : memref<!tpu.dma_semaphore, #tpu.memory_space<semaphore_mem>>
        %dma_start3A_259 = arith.constant 0 : i32
        %dma_start3A_260 = arith.constant 0 : i32
        %dma_start3A_261 = tpu.memref_slice %arg12[%dma_start3A_259, %dma_start3A_260] : memref<96x128xf32, #tpu.memory_space<vmem>> -> memref<64x128xf32, #tpu.memory_space<vmem>>
        %dma_start3A_262 = arith.constant 0 : i32
        %dma_start3A_263 = tpu.memref_slice %arg7[%add3A_217, %dma_start3A_262] : memref<10256x128xf32, #tpu.memory_space<vmem_shared>> -> memref<64x128xf32, #tpu.memory_space<vmem_shared>>
        %dma_start3A_264 = arith.constant 0 : i32
        %dma_start3A_265 = arith.constant 0 : i32
        %dma_start3A_266 = tpu.memref_slice %arg12[%dma_start3A_264, %dma_start3A_265] : memref<96x128xf32, #tpu.memory_space<vmem>> -> memref<64x128xf32, #tpu.memory_space<vmem>>
        %dma_start3A_267 = arith.constant 0 : i32
        %dma_start3A_268 = tpu.memref_slice %arg7[%add3A_217, %dma_start3A_267] : memref<10256x128xf32, #tpu.memory_space<vmem_shared>> -> memref<64x128xf32, #tpu.memory_space<vmem_shared>>
        tpu.enqueue_dma source(%dma_start3A_268 : memref<64x128xf32, #tpu.memory_space<vmem_shared>>) target(%dma_start3A_266 : memref<64x128xf32, #tpu.memory_space<vmem>>) target_semaphore(%run_scoped3A : memref<!tpu.dma_semaphore, #tpu.memory_space<semaphore_mem>>)
        %dma_wait3A_269 = arith.constant 0 : i32
        %dma_wait3A_270 = arith.constant 0 : i32
        %dma_wait3A_271 = tpu.memref_slice %arg12[%dma_wait3A_269, %dma_wait3A_270] : memref<96x128xf32, #tpu.memory_space<vmem>> -> memref<64x128xf32, #tpu.memory_space<vmem>>
        %dma_wait3A_272 = arith.constant 0 : i32
        %dma_wait3A_273 = tpu.memref_slice %arg7[%add3A_217, %dma_wait3A_272] : memref<10256x128xf32, #tpu.memory_space<vmem_shared>> -> memref<64x128xf32, #tpu.memory_space<vmem_shared>>
        %dma_wait3A_274 = arith.constant 0 : i32
        %dma_wait3A_275 = arith.constant 0 : i32
        %dma_wait3A_276 = tpu.memref_slice %arg12[%dma_wait3A_274, %dma_wait3A_275] : memref<96x128xf32, #tpu.memory_space<vmem>> -> memref<64x128xf32, #tpu.memory_space<vmem>>
        %dma_wait3A_277 = arith.constant 0 : i32
        %dma_wait3A_278 = tpu.memref_slice %arg7[%add3A_217, %dma_wait3A_277] : memref<10256x128xf32, #tpu.memory_space<vmem_shared>> -> memref<64x128xf32, #tpu.memory_space<vmem_shared>>
        tpu.wait_dma2 semaphore(%run_scoped3A : memref<!tpu.dma_semaphore, #tpu.memory_space<semaphore_mem>>) src(%dma_wait3A_278 : memref<64x128xf32, #tpu.memory_space<vmem_shared>>) dst(%dma_wait3A_276 : memref<64x128xf32, #tpu.memory_space<vmem>>)
        tpu.yield
      }) : () -> ()
      %add3A_218 = arith.constant 480 : i32
      %add3A_219 = arith.addi %min3A_23, %add3A_218 : i32
      %dma_wait3A_220 = arith.constant 0 : i32
      %dma_wait3A_221 = arith.constant 0 : i32
      %dma_wait3A_222 = tpu.memref_slice %arg13[%dma_wait3A_220, %dma_wait3A_221] : memref<96x128xf32, #tpu.memory_space<vmem>> -> memref<96x128xf32, #tpu.memory_space<vmem>>
      %dma_wait3A_223 = arith.constant 0 : i32
      %dma_wait3A_224 = tpu.memref_slice %arg5[%add3A_219, %dma_wait3A_223] : memref<100000x128xf32, #tpu.memory_space<hbm>> -> memref<96x128xf32, #tpu.memory_space<hbm>>
      %dma_wait3A_225 = arith.constant 0 : i32
      %dma_wait3A_226 = tpu.memref_slice %arg5[%add3A_219, %dma_wait3A_225] : memref<100000x128xf32, #tpu.memory_space<hbm>> -> memref<96x128xf32, #tpu.memory_space<hbm>>
      %dma_wait3A_227 = arith.constant 0 : i32
      %dma_wait3A_228 = arith.constant 0 : i32
      %dma_wait3A_229 = tpu.memref_slice %arg13[%dma_wait3A_227, %dma_wait3A_228] : memref<96x128xf32, #tpu.memory_space<vmem>> -> memref<96x128xf32, #tpu.memory_space<vmem>>
      tpu.wait_dma2 semaphore(%arg16 : memref<!tpu.dma_semaphore, #tpu.memory_space<semaphore_mem>>) src(%dma_wait3A_229 : memref<96x128xf32, #tpu.memory_space<vmem>>) dst(%dma_wait3A_226 : memref<96x128xf32, #tpu.memory_space<hbm>>)
      %add3A_230 = arith.constant 576 : i32
      %add3A_231 = arith.addi %min3A_23, %add3A_230 : i32
      %dma_start3A_232 = arith.constant 0 : i32
      %dma_start3A_233 = arith.constant 0 : i32
      %dma_start3A_234 = tpu.memref_slice %arg12[%dma_start3A_232, %dma_start3A_233] : memref<96x128xf32, #tpu.memory_space<vmem>> -> memref<64x128xf32, #tpu.memory_space<vmem>>
      %dma_start3A_235 = arith.constant 0 : i32
      %dma_start3A_236 = tpu.memref_slice %arg5[%add3A_231, %dma_start3A_235] : memref<100000x128xf32, #tpu.memory_space<hbm>> -> memref<64x128xf32, #tpu.memory_space<hbm>>
      %dma_start3A_237 = arith.constant 0 : i32
      %dma_start3A_238 = tpu.memref_slice %arg5[%add3A_231, %dma_start3A_237] : memref<100000x128xf32, #tpu.memory_space<hbm>> -> memref<64x128xf32, #tpu.memory_space<hbm>>
      %dma_start3A_239 = arith.constant 0 : i32
      %dma_start3A_240 = arith.constant 0 : i32
      %dma_start3A_241 = tpu.memref_slice %arg12[%dma_start3A_239, %dma_start3A_240] : memref<96x128xf32, #tpu.memory_space<vmem>> -> memref<64x128xf32, #tpu.memory_space<vmem>>
      tpu.enqueue_dma source(%dma_start3A_241 : memref<64x128xf32, #tpu.memory_space<vmem>>) target(%dma_start3A_238 : memref<64x128xf32, #tpu.memory_space<hbm>>) target_semaphore(%arg15 : memref<!tpu.dma_semaphore, #tpu.memory_space<semaphore_mem>>)
      %add3A_242 = arith.constant 576 : i32
      %add3A_243 = arith.addi %min3A_23, %add3A_242 : i32
      %dma_wait3A_244 = arith.constant 0 : i32
      %dma_wait3A_245 = arith.constant 0 : i32
      %dma_wait3A_246 = tpu.memref_slice %arg12[%dma_wait3A_244, %dma_wait3A_245] : memref<96x128xf32, #tpu.memory_space<vmem>> -> memref<64x128xf32, #tpu.memory_space<vmem>>
      %dma_wait3A_247 = arith.constant 0 : i32
      %dma_wait3A_248 = tpu.memref_slice %arg5[%add3A_243, %dma_wait3A_247] : memref<100000x128xf32, #tpu.memory_space<hbm>> -> memref<64x128xf32, #tpu.memory_space<hbm>>
      %dma_wait3A_249 = arith.constant 0 : i32
      %dma_wait3A_250 = tpu.memref_slice %arg5[%add3A_243, %dma_wait3A_249] : memref<100000x128xf32, #tpu.memory_space<hbm>> -> memref<64x128xf32, #tpu.memory_space<hbm>>
      %dma_wait3A_251 = arith.constant 0 : i32
      %dma_wait3A_252 = arith.constant 0 : i32
      %dma_wait3A_253 = tpu.memref_slice %arg12[%dma_wait3A_251, %dma_wait3A_252] : memref<96x128xf32, #tpu.memory_space<vmem>> -> memref<64x128xf32, #tpu.memory_space<vmem>>
      tpu.wait_dma2 semaphore(%arg15 : memref<!tpu.dma_semaphore, #tpu.memory_space<semaphore_mem>>) src(%dma_wait3A_253 : memref<64x128xf32, #tpu.memory_space<vmem>>) dst(%dma_wait3A_250 : memref<64x128xf32, #tpu.memory_space<hbm>>)
      %mul3A_254 = arith.constant 102400 : i32
      %mul3A_255 = arith.muli %arg1, %mul3A_254 : i32
      %add3A_256 = arith.addi %mul3A_255, %mul3A_19 : i32
      "tpu.region"() ({
        %run_scoped3A = tpu.sem_alloc : memref<!tpu.dma_semaphore, #tpu.memory_space<semaphore_mem>>
        %dma_start3A_259 = tpu.memref_slice %arg6[%add3A_256] : memref<1638400xf32, #tpu.memory_space<hbm>> -> memref<10240xf32, #tpu.memory_space<hbm>>
        %dma_start3A_260 = tpu.memref_slice %arg6[%add3A_256] : memref<1638400xf32, #tpu.memory_space<hbm>> -> memref<10240xf32, #tpu.memory_space<hbm>>
        tpu.enqueue_dma source(%arg14 : memref<10240xf32, #tpu.memory_space<vmem>>) target(%dma_start3A_260 : memref<10240xf32, #tpu.memory_space<hbm>>) target_semaphore(%run_scoped3A : memref<!tpu.dma_semaphore, #tpu.memory_space<semaphore_mem>>)
        %dma_wait3A_261 = tpu.memref_slice %arg6[%add3A_256] : memref<1638400xf32, #tpu.memory_space<hbm>> -> memref<10240xf32, #tpu.memory_space<hbm>>
        %dma_wait3A_262 = tpu.memref_slice %arg6[%add3A_256] : memref<1638400xf32, #tpu.memory_space<hbm>> -> memref<10240xf32, #tpu.memory_space<hbm>>
        tpu.wait_dma2 semaphore(%run_scoped3A : memref<!tpu.dma_semaphore, #tpu.memory_space<semaphore_mem>>) src(%arg14 : memref<10240xf32, #tpu.memory_space<vmem>>) dst(%dma_wait3A_262 : memref<10240xf32, #tpu.memory_space<hbm>>)
        tpu.yield
      }) : () -> ()
      %barrier3A_257 = arith.constant 0 : index
      tpu.barrier barrier_id(%barrier3A_257)
      %scan3A_258 = arith.constant 0 : i32
      scf.yield %scan3A_258 : i32
    }
    %scan3A_12 = arith.constant 5 : i32
    return
  }
}

module attributes {stable_mosaic.version = 14 : i64} {
  func.func @body(%arg0: i32, %arg1: memref<2048x128xf32, #tpu.memory_space<vmem>>, %arg2: memref<2048x128xf32, #tpu.memory_space<vmem>>, %arg3: memref<16x2048xf32, #tpu.memory_space<vmem>>, %arg4: memref<128x128xf32, #tpu.memory_space<vmem>>, %arg5: memref<1x128xf32, #tpu.memory_space<vmem>>, %arg6: memref<2048x128xf32, #tpu.memory_space<vmem>>) attributes {dimension_semantics = [#tpu.dimension_semantics<arbitrary>], iteration_bounds = array<i64: 49>, scalar_prefetch = 0 : i64, scratch_operands = 0 : i64, tpu.core_type = #tpu.core_type<tc>, window_params = [{transform_indices = @transform_0, window_bounds = array<i64: 2048, 128>}, {transform_indices = @transform_1, window_bounds = array<i64: 2048, 128>}, {transform_indices = @transform_2, window_bounds = array<i64: 16, 2048>}, {pipeline_mode = #tpu.pipeline_mode<synchronous>, transform_indices = @transform_3, window_bounds = array<i64: 128, 128>}, {pipeline_mode = #tpu.pipeline_mode<synchronous>, transform_indices = @transform_4, window_bounds = array<i64: 1, 128>}, {transform_indices = @transform_5, window_bounds = array<i64: 2048, 128>}]} {
    %get3A = arith.constant 0 : index
    %get3A_0 = arith.constant 0 : index
    %get3A_1 = vector.load %arg2[%get3A, %get3A_0] : memref<2048x128xf32, #tpu.memory_space<vmem>>, vector<2048x128xf32>
    %get3A_2 = arith.constant 0 : index
    %get3A_3 = arith.constant 0 : index
    %get3A_4 = vector.load %arg4[%get3A_2, %get3A_3] : memref<128x128xf32, #tpu.memory_space<vmem>>, vector<128x128xf32>
    %dot_general3A = arith.constant dense<0.000000e+00> : vector<2048x128xf32>
    %dot_general3A_5 = tpu.matmul %get3A_1, %get3A_4, %dot_general3A {dimension_numbers = #tpu.dot_dimension_numbers<[1], [1], [0], [0], [0, 0, 1, 0], [], []>, transpose_lhs_hint = false} : vector<2048x128xf32>, vector<128x128xf32>, vector<2048x128xf32> -> vector<2048x128xf32>
    %broadcast_in_dim3A = arith.constant 1.000000e+00 : f32
    %broadcast_in_dim3A_6 = vector.broadcast %broadcast_in_dim3A : f32 to vector<16x1xf32>
    %get3A_7 = arith.constant 0 : index
    %get3A_8 = arith.constant 0 : index
    %get3A_9 = vector.load %arg3[%get3A_7, %get3A_8] : memref<16x2048xf32, #tpu.memory_space<vmem>>, vector<16x2048xf32>
    %dot_general3A_10 = arith.constant dense<0.000000e+00> : vector<2048x1xf32>
    %dot_general3A_11 = tpu.matmul %get3A_9, %broadcast_in_dim3A_6, %dot_general3A_10 {dimension_numbers = #tpu.dot_dimension_numbers<[0], [0], [1], [1], [0, 1, 1, 1], [], []>, transpose_lhs_hint = false} : vector<16x2048xf32>, vector<16x1xf32>, vector<2048x1xf32> -> vector<2048x1xf32>
    %get3A_12 = arith.constant 0 : index
    %get3A_13 = arith.constant 0 : index
    %get3A_14 = vector.load %arg1[%get3A_12, %get3A_13] : memref<2048x128xf32, #tpu.memory_space<vmem>>, vector<2048x128xf32>
    %add3A = arith.addf %get3A_14, %dot_general3A_5 : vector<2048x128xf32>
    %get3A_15 = arith.constant 0 : index
    %get3A_16 = arith.constant 0 : index
    %get3A_17 = vector.load %arg5[%get3A_15, %get3A_16] : memref<1x128xf32, #tpu.memory_space<vmem>>, vector<1x128xf32>
    %mul3A = vector.broadcast %dot_general3A_11 : vector<2048x1xf32> to vector<2048x128xf32>
    %mul3A_18 = vector.broadcast %get3A_17 : vector<1x128xf32> to vector<2048x128xf32>
    %mul3A_19 = arith.mulf %mul3A, %mul3A_18 : vector<2048x128xf32>
    %add3A_20 = arith.addf %add3A, %mul3A_19 : vector<2048x128xf32>
    %swap3A = arith.constant 0 : index
    %swap3A_21 = arith.constant 0 : index
    %swap3A_22 = vector.load %arg6[%swap3A, %swap3A_21] : memref<2048x128xf32, #tpu.memory_space<vmem>>, vector<2048x128xf32>
    tpu.vector_store %arg6[%swap3A, %swap3A_21], %add3A_20 {strides = array<i32>} : memref<2048x128xf32, #tpu.memory_space<vmem>>, vector<2048x128xf32>,
    return
  }
  func.func @transform_0(%arg0: i32) -> (i32, i32) {
    %c0_i32 = arith.constant 0 : i32
    %c0_i32_0 = arith.constant 0 : i32
    return %arg0, %c0_i32 : i32, i32
  }
  func.func @transform_1(%arg0: i32) -> (i32, i32) {
    %c0_i32 = arith.constant 0 : i32
    %c0_i32_0 = arith.constant 0 : i32
    return %arg0, %c0_i32 : i32, i32
  }
  func.func @transform_2(%arg0: i32) -> (i32, i32) {
    %c0_i32 = arith.constant 0 : i32
    %c0_i32_0 = arith.constant 0 : i32
    return %c0_i32, %arg0 : i32, i32
  }
  func.func @transform_3(%arg0: i32) -> (i32, i32) {
    %c0_i32 = arith.constant 0 : i32
    %c0_i32_0 = arith.constant 0 : i32
    %c0_i32_1 = arith.constant 0 : i32
    return %c0_i32, %c0_i32_0 : i32, i32
  }
  func.func @transform_4(%arg0: i32) -> (i32, i32) {
    %c0_i32 = arith.constant 0 : i32
    %c0_i32_0 = arith.constant 0 : i32
    %c0_i32_1 = arith.constant 0 : i32
    return %c0_i32, %c0_i32_0 : i32, i32
  }
  func.func @transform_5(%arg0: i32) -> (i32, i32) {
    %c0_i32 = arith.constant 0 : i32
    %c0_i32_0 = arith.constant 0 : i32
    return %arg0, %c0_i32 : i32, i32
  }
}

module attributes {stable_mosaic.version = 14 : i64} {
  func.func @body(%arg0: i32, %arg1: memref<1000x128xf32, #tpu.memory_space<vmem>>, %arg2: memref<128x128xf32, #tpu.memory_space<vmem>>, %arg3: memref<1x128xf32, #tpu.memory_space<vmem>>, %arg4: memref<1000x128xf32, #tpu.memory_space<vmem>>) attributes {dimension_semantics = [#tpu.dimension_semantics<arbitrary>], iteration_bounds = array<i64: 10>, scalar_prefetch = 0 : i64, scratch_operands = 0 : i64, tpu.core_type = #tpu.core_type<tc>, window_params = [{transform_indices = @transform_0, window_bounds = array<i64: 1000, 128>}, {pipeline_mode = #tpu.pipeline_mode<synchronous>, transform_indices = @transform_1, window_bounds = array<i64: 128, 128>}, {pipeline_mode = #tpu.pipeline_mode<synchronous>, transform_indices = @transform_2, window_bounds = array<i64: 1, 128>}, {transform_indices = @transform_3, window_bounds = array<i64: 1000, 128>}]} {
    %get3A = arith.constant 0 : index
    %get3A_0 = arith.constant 0 : index
    %get3A_1 = vector.load %arg1[%get3A, %get3A_0] : memref<1000x128xf32, #tpu.memory_space<vmem>>, vector<1000x128xf32>
    %get3A_2 = arith.constant 0 : index
    %get3A_3 = arith.constant 0 : index
    %get3A_4 = vector.load %arg2[%get3A_2, %get3A_3] : memref<128x128xf32, #tpu.memory_space<vmem>>, vector<128x128xf32>
    %dot_general3A = arith.constant dense<0.000000e+00> : vector<1000x128xf32>
    %dot_general3A_5 = tpu.matmul %get3A_1, %get3A_4, %dot_general3A {dimension_numbers = #tpu.dot_dimension_numbers<[1], [1], [0], [0], [0, 0, 1, 0], [], []>, transpose_lhs_hint = false} : vector<1000x128xf32>, vector<128x128xf32>, vector<1000x128xf32> -> vector<1000x128xf32>
    %get3A_6 = arith.constant 0 : index
    %get3A_7 = arith.constant 0 : index
    %get3A_8 = vector.load %arg3[%get3A_6, %get3A_7] : memref<1x128xf32, #tpu.memory_space<vmem>>, vector<1x128xf32>
    %add3A = vector.broadcast %get3A_8 : vector<1x128xf32> to vector<1000x128xf32>
    %add3A_9 = arith.addf %dot_general3A_5, %add3A : vector<1000x128xf32>
    %swap3A = arith.constant 0 : index
    %swap3A_10 = arith.constant 0 : index
    %swap3A_11 = vector.load %arg4[%swap3A, %swap3A_10] : memref<1000x128xf32, #tpu.memory_space<vmem>>, vector<1000x128xf32>
    tpu.vector_store %arg4[%swap3A, %swap3A_10], %add3A_9 {strides = array<i32>} : memref<1000x128xf32, #tpu.memory_space<vmem>>, vector<1000x128xf32>,
    return
  }
  func.func @transform_0(%arg0: i32) -> (i32, i32) {
    %c0_i32 = arith.constant 0 : i32
    %c0_i32_0 = arith.constant 0 : i32
    return %arg0, %c0_i32 : i32, i32
  }
  func.func @transform_1(%arg0: i32) -> (i32, i32) {
    %c0_i32 = arith.constant 0 : i32
    %c0_i32_0 = arith.constant 0 : i32
    %c0_i32_1 = arith.constant 0 : i32
    return %c0_i32, %c0_i32_0 : i32, i32
  }
  func.func @transform_2(%arg0: i32) -> (i32, i32) {
    %c0_i32 = arith.constant 0 : i32
    %c0_i32_0 = arith.constant 0 : i32
    %c0_i32_1 = arith.constant 0 : i32
    return %c0_i32, %c0_i32_0 : i32, i32
  }
  func.func @transform_3(%arg0: i32) -> (i32, i32) {
    %c0_i32 = arith.constant 0 : i32
    %c0_i32_0 = arith.constant 0 : i32
    return %arg0, %c0_i32 : i32, i32
  }
}

</mosaic_0001>

<sc_bundles>
// kernel: kernel.6.cloned.1.call-start
scs
__scs_entry_jumppad:
0x0: {  	(pc) =	sbr.rel $0x88, $3  }
0x1: {  	(tag) =	ssettag $0x0;
	lr =	simm.s32 $0x1  }
0x2: {  	[smem:$0x3F99] =	sst lr;
	_ =	strace $0xD0000000  }
0x3: {  	_ = 	snop  }
0x4: {  	_ = 	snop  }
0x5: {  	_ = 	snop  }
0x6: {  	_ = 	snop  }
0x7: {  	_ = 	snop  }
__scs_overlays_trampoline_lowered:
0x8: {  	[smem:$0x3FA8] =	sst s0  }
0x9: {  	[smem:$0x3FA9] =	sst s1  }
0xa: {  	[smem:$0x3FAA] =	sst s2  }
0xb: {  	[smem:$0x3FAB] =	sst s3  }
0xc: {  	[smem:$0x3FAC] =	sst s4  }
0xd: {  	[smem:$0x3FAD] =	sst s5  }
0xe: {  	[smem:$0x3FAE] =	sst s6  }
0xf: {  	[smem:$0x3FAF] =	sst s7  }
0x10: {  	[smem:$0x3FB0] =	sst s8  }
0x11: {  	[smem:$0x3FB1] =	sst s9;
	s0 =	simm.s32 @!p0 $0x0  }
0x12: {  	s1 =	sld [smem:$0x3F97];
	s0 =	simm.s32 @p0 $0x1  }
0x13: {  	[smem:$0x3FB2] =	sst s0;
	s0 =	simm.s32 @!p1 $0x0  }
0x14: {  	s2 =	sld [smem:$0x3F96];
	s0 =	simm.s32 @p1 $0x1  }
0x15: {  	[smem:$0x3FB3] =	sst s0;
	s0 =	simm.s32 @!p2 $0x0  }
0x16: {  	s3 =	sld [smem:$0x3FDB];
	s0 =	simm.s32 @p2 $0x1  }
0x17: {  	s4 =	simm.s32 $0x1BF5;
	[smem:$0x3FB5] =	sst s0  }
0x18: {  	s0 =	sld [smem:$0x3F98];
	_ =	swait.ge [sflag:s4], $0x0  }
0x19: {  	s7 =	sld [smem:$0x3F99]  }
0x1a: {  	s8 =	sadd.s32 $0xFFFFE003, lr  }
0x1b: {  	s9 =	sadd.s32 $0xFFFFFEF7, lr;
	s5 =	simm.s32 $0xFFFFFFFF;
	p2 =	slt.u32 s8, $0xFFFFF086  }
0x1c: {  	p1 =	slt.u32 s9, $0xF7A;
	s5 =	simm.s32 @!p2 $0x0  }
0x1d: {  	s5 =	simm.s32 @p1 $0x1;
	p0 =	seq.s32 s7, s2  }
0x1e: {  	s7 =	smul.u32 @!p0 $0xF7A, s2;
	p2 =	seq.s32 @!p0 s5, $0x0  }
0x1f: {  	s9 =	smul.u32 $0xF7A, s1;
	s8 =	simm.s32 @!p0 $0x1BF5;
	p2 =	por !p2, p0  }
0x20: {  	[sflag:s8] =	ssyncset.s32 @!p0 $0xFFFFF086;
	s6 =	sadd.s32 @!p0 s3, s7;
	s7 =	simm.s32 @!p0 $0x108  }
0x21: {  	s3 =	sadd.s32 s3, s9;
	s6 =	sadd.s32 @!p0 $0x88, s6;
	s7 =	simm.s32 @p2 $0x1082  }
0x22: {  	[simem:s7], [sflag:s8] =	dma.local @!p0 [hbm:s6], $0xF7A  }
0x23: {  	s9 =	sor.u32 $0xD0000000, s2;
	s6 =	simm.s32 $0x108;
	_ =	swait.ge @!p0 [sflag:s8], $0x0  }
0x24: {  	s3 =	sadd.s32 $0x88, s3;
	s6 =	simm.s32 @!p1 $0x1082;
	[sflag:s4] =	ssyncset.s32 $0xFFFFF086  }
0x25: {  	[simem:s6], [sflag:s4] =	dma.local [hbm:s3], $0xF7A  }
0x26: {  	[smem:$0x3F99] =	sst s1;
	(tag) =	ssettag s2;
	_ =	strace s9  }
0x27: {  	s1 =	sld [smem:$0x3FA9]  }
0x28: {  	s2 =	sld [smem:$0x3FAA]  }
0x29: {  	s4 =	sld [smem:$0x3FAC]  }
0x2a: {  	p0 =	seq.s32 s5, $0x0;
	s5 =	sld [smem:$0x3FAD]  }
0x2b: {  	s6 =	sld [smem:$0x3FAE]  }
0x2c: {  	s7 =	sld [smem:$0x3FAF]  }
0x2d: {  	s3 =	simm.s32 $0x108;
	s8 =	sld [smem:$0x3FB0]  }
0x2e: {  	s3 =	simm.s32 @!p0 $0x1082;
	s9 =	sld [smem:$0x3FB1]  }
0x2f: {  	lr =	sadd.s32 s0, s3;
	s0 =	sld [smem:$0x3FA8]  }
0x30: {  	s3 =	sld [smem:$0x3FAB]  }
0x31: {  	[smem:$0x3FB4] =	sst s10  }
0x32: {  	s10 =	sld [smem:$0x3FB2];
	_ =	sdelay $0x3  }
0x33: {  	p0 =	seq.s32 s10, $0x1;
	s10 =	sld [smem:$0x3FB4];
	_ =	sdelay $0x3  }
0x34: {  	[smem:$0x3FB4] =	sst s10  }
0x35: {  	s10 =	sld [smem:$0x3FB3];
	_ =	sdelay $0x3  }
0x36: {  	p1 =	seq.s32 s10, $0x1;
	s10 =	sld [smem:$0x3FB4];
	_ =	sdelay $0x3  }
0x37: {  	[smem:$0x3FB4] =	sst s10  }
0x38: {  	s10 =	sld [smem:$0x3FB5]  }
0x39: {  	_ = 	snop;
	(pc) =	sbr.ind lr, $3  }
0x3a: {  	_ = 	snop  }
0x3b: {  	_ = 	snop  }
0x3c: {  	p2 =	seq.s32 s10, $0x1;
	s10 =	sld [smem:$0x3FB4]  }
0x3d: {  	_ =	shalt  }
0x3e: {  	_ =	shalt  }
0x3f: {  	_ =	shalt  }
0x40: {  	_ =	shalt  }
0x41: {  	_ =	shalt  }
0x42: {  	_ =	shalt  }
0x43: {  	_ =	shalt  }
0x44: {  	_ =	shalt  }
0x45: {  	_ =	shalt  }
0x46: {  	_ =	shalt  }
0x47: {  	_ =	shalt  }
0x48: {  	_ =	shalt  }
0x49: {  	_ =	shalt  }
0x4a: {  	_ =	shalt  }
0x4b: {  	_ =	shalt  }
0x4c: {  	_ =	shalt  }
0x4d: {  	_ =	shalt  }
0x4e: {  	_ =	shalt  }
0x4f: {  	_ =	shalt  }
0x50: {  	_ =	shalt  }
0x51: {  	_ =	shalt  }
0x52: {  	_ =	shalt  }
0x53: {  	_ =	shalt  }
0x54: {  	_ =	shalt  }
0x55: {  	_ =	shalt  }
0x56: {  	_ =	shalt  }
0x57: {  	_ =	shalt  }
0x58: {  	_ =	shalt  }
0x59: {  	_ =	shalt  }
0x5a: {  	_ =	shalt  }
0x5b: {  	_ =	shalt  }
0x5c: {  	_ =	shalt  }
0x5d: {  	_ =	shalt  }
0x5e: {  	_ =	shalt  }
0x5f: {  	_ =	shalt  }
0x60: {  	_ =	shalt  }
0x61: {  	_ =	shalt  }
0x62: {  	_ =	shalt  }
0x63: {  	_ =	shalt  }
0x64: {  	_ =	shalt  }
0x65: {  	_ =	shalt  }
0x66: {  	_ =	shalt  }
0x67: {  	_ =	shalt  }
0x68: {  	_ =	shalt  }
0x69: {  	_ =	shalt  }
0x6a: {  	_ =	shalt  }
0x6b: {  	_ =	shalt  }
0x6c: {  	_ =	shalt  }
0x6d: {  	_ =	shalt  }
0x6e: {  	_ =	shalt  }
0x6f: {  	_ =	shalt  }
0x70: {  	_ =	shalt  }
0x71: {  	_ =	shalt  }
0x72: {  	_ =	shalt  }
0x73: {  	_ =	shalt  }
0x74: {  	_ =	shalt  }
0x75: {  	_ =	shalt  }
0x76: {  	_ =	shalt  }
0x77: {  	_ =	shalt  }
0x78: {  	_ =	shalt  }
0x79: {  	_ =	shalt  }
0x7a: {  	_ =	shalt  }
0x7b: {  	_ =	shalt  }
0x7c: {  	_ =	shalt  }
0x7d: {  	_ =	shalt  }
0x7e: {  	_ =	shalt  }
0x7f: {  	_ =	shalt  }
0x80: {  	_ =	shalt  }
0x81: {  	_ =	shalt  }
0x82: {  	_ =	shalt  }
0x83: {  	_ =	shalt  }
0x84: {  	_ =	shalt  }
0x85: {  	_ =	shalt  }
0x86: {  	_ =	shalt  }
0x87: {  	_ =	shalt  }
.Lfunc_end0:
.L_simem_size_0:
called_computation_lowered:
.L_overlay_start_0:
0x88: {  	s2 =	sld [smem:$0x3FD9]  }
0x89: {  	s3 =	sld [smem:$0x3FFE];
	_ =	sdelay $0x1  }
0x8a: {  	s1 =	srdreg.scid  }
0x8b: {  	s0 =	sand.u32 $0x1, s1  }
0x8c: {  	s17 =	sshll.u32 s0, $0xA;
	s2 =	sadd.s32 s3, s2  }
0x8d: {  	s2 =	sadd.s32 s2, s17  }
0x8e: {  	[smem:$0x3FC0] =	sst s2  }
0x8f: {  	_ = 	snop  }
0x90: {  	s2 =	sld [smem:$0x3FC9]  }
0x91: {  	s18 =	sld [smem:$0x3FD0];
	(tm) =	ssettm $0x1  }
0x92: {  	s4 =	sld [smem:$0x3FFB];
	_ =	sdelay $0x3  }
0x93: {  	_ =	strace s4  }
0x94: {  	s4 =	sld [smem:$0x3FFC];
	_ =	sdelay $0x3  }
0x95: {  	_ =	strace s4  }
0x96: {  	s4 =	sld [smem:$0x3FFD];
	_ =	sdelay $0x3  }
0x97: {  	_ =	strace s4  }
0x98: {  	_ =	strace $0x8FFFFFFF  }
0x99: {  	s19 =	sld [smem:$0x3FDB];
	_ =	sdelay $0x1  }
0x9a: {  	s5 =	simm.s32 $_scs_section_size  }
0x9b: {  	s6 =	simm.s32 $_size__tile_overlayer_lowered;
	s7 =	simm.s32 $_tile_overlayer_lowered  }
0x9c: {  	s22 =	simm.s32 $0x1BFF;
	s21 =	sshll.u32 s7, $0x1;
	s4 =	sadd.s32 s5, s19  }
0x9d: {  	s8 =	simm.s32 $0x0;
	s20 =	sshll.u32 s6, $0x1;
	s6 =	sadd.s32 s21, s4  }
0x9e: {  	[timem:s8], [sflag:s22] =	dma.local [hbm:s6], s20  }
0x9f: {  	_ =	swait.ge [sflag:s22], s20  }
0xa0: {  	s5 =	ssub.s32 $0x0, s20;
	[sflag:s22] =	ssyncset.done $0x0  }
0xa1: {  	[sflag:s22] =	ssyncadd.s32 s5;
	_ =	sdelay $0x1  }
0xa2: {  	s23 =	simm.s32 $0x1B8B  }
0xa3: {  	_ =	swait.ge [sflag:s23], $0x1  }
0xa4: {  	[sflag:s23] =	ssyncset.done $0x0  }
0xa5: {  	s25 =	simm.s32 $0x1B8E;
	s24 =	sld [smem:$0x3FFE];
	[sflag:s23] =	ssyncadd.s32 $0xFFFFFFFF  }
0xa6: {  	s26 =	simm.s32 $execute0_lowered;
	[smem:$0x3FD2] =	sst s25  }
0xa7: {  	s6 =	sshll.u32 s26, $0x1;
	_ =	strace $0x80000046;
	[dreg:$0x1] =	wrdreg $0xFFFFFFFF  }
0xa8: {  	s28 =	simm.s32 $_size_execute0_lowered;
	s4 =	sadd.s32 s4, s6;
	[dreg:$0x0] =	wrdreg $0x0  }
0xa9: {  	s6 =	sshll.u32 s28, $0x1;
	[dreg:$0x2] =	wrdreg s4  }
0xaa: {  	[dreg:$0x3] =	wrdreg s6  }
0xab: {  	[dreg:$0x4] =	wrdreg $0xC0  }
0xac: {  	_ =	task [dreg:s8], $0x5FFFF  }
0xad: {  	[dreg:$0x1] =	wrdreg $0xFFFFFFFF  }
0xae: {  	[dreg:$0x0] =	wrdreg $0x60  }
0xaf: {  	[dreg:$0x2] =	wrdreg s2  }
0xb0: {  	[dreg:$0x3] =	wrdreg s18  }
0xb1: {  	[dreg:$0x4] =	wrdreg s24  }
0xb2: {  	[dreg:$0x5] =	wrdreg $0x0  }
0xb3: {  	[dreg:$0x6] =	wrdreg $0x9  }
0xb4: {  	_ =	task.clear_ibuf [dreg:s8], $0x7FFFF;
	_ =	strace $0x90000046  }
0xb5: {  	s29 =	simm.s32 $0x9;
	_ =	strace $0x80000048  }
0xb6: {  	_ =	swait.ge [sflag:s29], $0x1  }
0xb7: {  	[sflag:s29] =	ssyncadd.s32 $0xFFFFFFFF  }
0xb8: {  	_ =	strace $0x90000048  }
0xb9: {  	_ =	sfence  }
0xba: {  	s30 =	sld [smem:$0x0];
	_ =	sdelay $0x2  }
0xbb: {  	s31 =	sshll.u32 s1, $0xD;
	s1 =	sshrl.u32 s1, $0x2  }
0xbc: {  	s3 =	sand.u32 $0x4000, s31;
	s1 =	sadd.s32 s1, s30  }
0xbd: {  	s0 =	sor.u32 s3, s0;
	s1 =	sshll.u32 s1, $0x11  }
0xbe: {  	s0 =	sor.u32 s1, s0  }
0xbf: {  	s0 =	sadd.s32 $0x8F2B, s0  }
0xc0: {  	[sflag:s0] =	ssyncadd.remote.s32 $0x1  }
0xc1: {  	_ =	sfence.sel $0xFFFF  }
0xc2: {  	[dreg:$0x0] =	wrdreg $0xFFFFFFFF;
	(pc) =	sbr.abs _section_cstart, $3  }
0xc3: {  	[dreg:$0x1] =	wrdreg $0xFFFFFFFF  }
0xc4: {  	_ =	task.clear_ibuf [dreg:s8], $0x2FFFF;
	_ =	strace $0x9FFFFFFF  }
0xc5: {  	(tm) =	ssettm $0x7FFFFFFF  }
tec
execute0_lowered:
.L_overlay_start_1:
0x0: {  	(tag) =	ssettag $0x1  }
0x1: {  	s1 =	rddreg [dreg:$0x0]  }
0x2: {  	s3 =	rddreg [dreg:$0x1]  }
0x3: {  	s7 =	rddreg [dreg:$0x2]  }
0x4: {  	s4 =	rddreg [dreg:$0x3];
	s2 =	stileid.u32  }
0x5: {  	s5 =	simm.s32 $0x0;
	s8 =	srdreg.scid;
	s12 =	simm.s32 $0x3  }
0x6: {  	s13 =	simm.s32 $0x14900;
	s14 =	simm.s32 $0x14600;
	s16 =	simm.s32 $0x60  }
0x7: {  	s17 =	simm.s32 $0x0;
	s6 =	smul.u32 $0x280, s2;
	[smem:$0x7FF] =	sst s5  }
.Ltmp0:
0x8: {  	s9 =	sand.u32 $0x1, s8;
	s15 =	sshll.u32 s2, $0x4;
	(pc) =	sbr.rel .LBB2_1-.Ltmp0, $4  }
0x9: {  	v0 =	vlaneseq.u32;
	v1 =	vmov s2;
	_ =	strace $0x80000047;
	s10 =	ssub.s32 $0x2, s9;
	s9 =	smul.u32 $0x5, s9  }
0xa: {  	v2 =	vor.u32 $0x2800, v1;
	v1 =	vor.u32 s15, v0;
	s15 =	simm.s32 $0x14300;
	s31 =	sshrl.u32 s6, $0x3;
	s11 =	sshrl.u32 s10, $0x1  }
0xb: {  	s8 =	sadd.s32 s31, s7;
	s7 =	sadd.s32 $0x1800, s7;
	s10 =	ssub.s32 s10, s11  }
0xc: {  	v3 =	vimm.s32 $0x0;
	v2 =	vbroadcast v2, $0x0;
	s11 =	simm.s32 $0x14080;
	s8 =	sadd.s32 $0x1200, s8;
	s10 =	smax.u32 s10, $0x1  }
.LBB2_8:
0xd: {  	s17 =	sadd.s32 $0x1, s17  }
0xe: {  	p0 =	sne.s32 s17, s10  }
.Ltmp1:
0xf: {  	_ = 	snop;
	(pc) =	sbr.rel @!p0 .LBB2_9-.Ltmp1, $1  }
0x10: {  	_ =	sdelay $0x3  }
.LBB2_1:
.Ltmp2:
0x11: {  	(pc) =	sbr.rel .LBB2_2-.Ltmp2, $4  }
0x12: {  	[tilespmem:s11], [sflag:$0x3] =	stream.linear.gather [hbm4b:s8+s5], $0x280, $0x38;
	[tilespmem:$0x1C900] =	vst v63  }
0x13: {  	_ =	swait.ge [sflag:s12], $0x280  }
0x14: {  	[sflag:s12] =	ssyncset.done $0x0  }
0x15: {  	s18 =	simm.s32 $0x0;
	[sflag:s12] =	ssyncadd.s32 $0xFFFFFD80  }
.LBB2_7:
0x16: {  	[bflag:$0x0] =	sbarrier.arrive $0xFFFF  }
0x17: {  	[tilespmem:s13], [sflag:$0x3] =	stream.linear.gather [spmem:s22], $0x8000, $0x38;
	[tilespmem:$0x1C900] =	vst v63  }
0x18: {  	_ =	swait.ge [sflag:s12], $0x8000  }
0x19: {  	[sflag:s12] =	ssyncset.done $0x0  }
0x1a: {  	s0 =	sadd.s32 s7, s19;
	[sflag:s12] =	ssyncadd.s32 $0xFFFF8000  }
0x1b: {  	[hbm4b:s0+s5] =	stream.linear.scatter [tilespmem:s13], [sflag:$0x3], $0x8000, $0x38;
	[tilespmem:$0x1C900] =	vst v63  }
0x1c: {  	_ =	swait.ge [sflag:s12], $0x8000  }
0x1d: {  	[sflag:s12] =	ssyncset.done $0x0  }
0x1e: {  	[sflag:s12] =	ssyncadd.s32 $0xFFFF8000  }
0x1f: {  	[tilespmem:s13], [sflag:$0x3] =	stream.linear.gather [spmem:s23], $0x8000, $0x38;
	[tilespmem:$0x1C900] =	vst v63  }
0x20: {  	_ =	swait.ge [sflag:s12], $0x8000  }
0x21: {  	[sflag:s12] =	ssyncset.done $0x0  }
0x22: {  	s30 =	sadd.s32 s7, s20;
	[sflag:s12] =	ssyncadd.s32 $0xFFFF8000  }
0x23: {  	[hbm4b:s30+s5] =	stream.linear.scatter [tilespmem:s13], [sflag:$0x3], $0x8000, $0x38;
	[tilespmem:$0x1C900] =	vst v63  }
0x24: {  	_ =	swait.ge [sflag:s12], $0x8000  }
0x25: {  	[sflag:s12] =	ssyncset.done $0x0  }
0x26: {  	[sflag:s12] =	ssyncadd.s32 $0xFFFF8000  }
0x27: {  	[tilespmem:s13], [sflag:$0x3] =	stream.linear.gather [spmem:s24], $0x4000, $0x38;
	[tilespmem:$0x1C900] =	vst v63  }
0x28: {  	_ =	swait.ge [sflag:s12], $0x4000  }
0x29: {  	s18 =	sadd.s32 $0x1, s18;
	[sflag:s12] =	ssyncset.done $0x0  }
0x2a: {  	s31 =	sadd.s32 s7, s21;
	p0 =	sne.s32 s18, $0x5;
	[sflag:s12] =	ssyncadd.s32 $0xFFFFC000  }
0x2b: {  	[hbm4b:s31+s5] =	stream.linear.scatter [tilespmem:s13], [sflag:$0x3], $0x4000, $0x38;
	[tilespmem:$0x1C900] =	vst v63  }
.Ltmp3:
0x2c: {  	_ =	swait.ge [sflag:s12], $0x4000;
	(pc) =	sbr.rel @!p0 .LBB2_8-.Ltmp3, $3  }
0x2d: {  	[sflag:s12] =	ssyncset.done $0x0  }
0x2e: {  	[sflag:s12] =	ssyncadd.s32 $0xFFFFC000  }
0x2f: {  	[bflag:$0x0] =	sbarrier.arrive $0xFFFF;
	_ =	sdelay $0x1  }
.LBB2_2:
0x30: {  	s19 =	sadd.s32 s9, s18  }
0x31: {  	s26 =	smul.u32 $0x2800, s19;
	_ =	sdelay $0x1  }
0x32: {  	s20 =	sadd.s32 s6, s26  }
0x33: {  	p0 =	slt.s32 s20, $0x18420  }
0x34: {  	s20 =	simm.s32 @!p0 $0x18420  }
0x35: {  	s19 =	sshll.u32 s20, $0x4  }
0x36: {  	s25 =	simm.s32 $0x0;
	s20 =	ssub.s32 s20, s26;
	s21 =	sadd.s32 s1, s19  }
0x37: {  	[tilespmem:s13], [sflag:$0x3] =	stream.linear.gather [hbm4b:s21+s25], $0x8000, $0x38;
	[tilespmem:$0x1C900] =	vst v63  }
0x38: {  	s20 =	sshll.u32 s20, $0x9;
	_ =	swait.ge [sflag:s12], $0x8000  }
0x39: {  	s20 =	sshra.s32 s20, $0x2;
	[sflag:s12] =	ssyncset.done $0x0  }
0x3a: {  	s22 =	sadd.s32 s20, s4;
	[sflag:s12] =	ssyncadd.s32 $0xFFFF8000  }
0x3b: {  	[spmem:s22] =	stream.linear.scatter [tilespmem:s13], [sflag:$0x3], $0x8000, $0x38;
	[tilespmem:$0x1C900] =	vst v63  }
0x3c: {  	_ =	swait.ge [sflag:s12], $0x8000  }
0x3d: {  	s20 =	sadd.s32 $0x1000, s19;
	[sflag:s12] =	ssyncset.done $0x0  }
0x3e: {  	s31 =	sadd.s32 s1, s20;
	[sflag:s12] =	ssyncadd.s32 $0xFFFF8000  }
0x3f: {  	[tilespmem:s13], [sflag:$0x3] =	stream.linear.gather [hbm4b:s31+s25], $0x8000, $0x38;
	[tilespmem:$0x1C900] =	vst v63  }
0x40: {  	_ =	swait.ge [sflag:s12], $0x8000  }
0x41: {  	[sflag:s12] =	ssyncset.done $0x0  }
0x42: {  	s23 =	sadd.s32 $0x8000, s22;
	[sflag:s12] =	ssyncadd.s32 $0xFFFF8000  }
0x43: {  	[spmem:s23] =	stream.linear.scatter [tilespmem:s13], [sflag:$0x3], $0x8000, $0x38;
	[tilespmem:$0x1C900] =	vst v63  }
0x44: {  	_ =	swait.ge [sflag:s12], $0x8000  }
0x45: {  	s21 =	sadd.s32 $0x2000, s19;
	[sflag:s12] =	ssyncset.done $0x0  }
0x46: {  	s24 =	sadd.s32 s1, s21;
	[sflag:s12] =	ssyncadd.s32 $0xFFFF8000  }
0x47: {  	[tilespmem:s13], [sflag:$0x3] =	stream.linear.gather [hbm4b:s24+s25], $0x4000, $0x38;
	[tilespmem:$0x1C900] =	vst v63  }
0x48: {  	_ =	swait.ge [sflag:s12], $0x4000  }
0x49: {  	[sflag:s12] =	ssyncset.done $0x0  }
0x4a: {  	s24 =	sadd.s32 $0x10000, s22;
	[sflag:s12] =	ssyncadd.s32 $0xFFFFC000  }
0x4b: {  	[spmem:s24] =	stream.linear.scatter [tilespmem:s13], [sflag:$0x3], $0x4000, $0x38;
	[tilespmem:$0x1C900] =	vst v63  }
0x4c: {  	_ =	swait.ge [sflag:s12], $0x4000  }
0x4d: {  	[sflag:s12] =	ssyncset.done $0x0  }
0x4e: {  	[sflag:s12] =	ssyncadd.s32 $0xFFFFC000  }
0x4f: {  	s28 =	simm.s32 $0x0;
	[bflag:$0x0] =	sbarrier.arrive $0xFFFF  }
0x50: {  	v5 =	vld [tilespmem:s28+$0x14080];
	_ =	sdelay $0x3  }
0x51: {  	v4 =	vmov s26  }
0x52: {  	v5 =	vsub.s32 v5, v4  }
0x53: {  	vm0 =	vlt.u32 v5, $0x2800  }
0x54: {  	v6 =	vsel vm0, $0x1, v3  }
0x55: {  	(xrf0) =	vadd.scan.msk.s32 $0xffff, v6;
	_ =	sdelay $0x2  }
0x56: {  	v6 =	vmov s25  }
0x57: {  	v6 =	vadd.s32 $0xFFFFFFFF, v6  }
0x58: {  	v6 =	vbroadcast v6, $0x0  }
0x59: {  	v7, _, _ =	vpop (xrf0)  }
0x5a: {  	v6 =	vadd.s32 v7, v6;
	(v2sf) =	vpush v7, $0xF;
	_ =	sdelay $0x4  }
0x5b: {  	[tilespmem:v6+s14+$0x0] =	vst.idx.msk vm0, v5;
	v5 =	vor.u32 s6, v0  }
0x5c: {  	s29 =	simm.s32 $0x10;
	s26 =	smov.u32 s6;
	s28 =	simm.s32 $0x80;
	[tilespmem:v6+s15+$0x0] =	vst.idx.msk vm0, v5  }
.LBB2_3:
0x5d: {  	p0 =	sne.s32 s28, $0x9C0;
	v5 =	vld [tilespmem:s29+$0x14080];
	_ =	sdelay $0x4  }
0x5e: {  	v5 =	vsub.s32 v5, v4  }
0x5f: {  	vm0 =	vlt.u32 v5, $0x2800  }
0x60: {  	v6 =	vsel vm0, $0x1, v3  }
0x61: {  	(xrf0) =	vadd.scan.msk.s32 $0xffff, v6;
	s29 =	spop (v2sf)  }
0x62: {  	s25 =	sadd.s32 s25, s29  }
0x63: {  	v6 =	vmov s25  }
0x64: {  	v6 =	vadd.s32 $0xFFFFFFFF, v6  }
0x65: {  	v6 =	vbroadcast v6, $0x0;
	_ =	sdelay $0x1  }
0x66: {  	v7, _, _ =	vpop (xrf0)  }
0x67: {  	v6 =	vadd.s32 v7, v6;
	(v2sf) =	vpush v7, $0xF;
	_ =	sdelay $0x1  }
.Ltmp4:
0x68: {  	(pc) =	sbr.rel @p0 .LBB2_3-.Ltmp4, $4  }
0x69: {  	_ = 	snop  }
0x6a: {  	s26 =	sadd.s32 $0x10, s26  }
0x6b: {  	v7 =	vor.u32 s26, v0;
	[tilespmem:v6+s14+$0x0] =	vst.idx.msk vm0, v5  }
0x6c: {  	s29 =	sshra.s32 s28, $0x2;
	s28 =	sadd.s32 $0x40, s28;
	[tilespmem:v6+s15+$0x0] =	vst.idx.msk vm0, v7  }
0x6d: {  	v5 =	vld [tilespmem:s29+$0x14080];
	_ =	sdelay $0x4  }
0x6e: {  	v4 =	vsub.s32 v5, v4  }
0x6f: {  	vm0 =	vlt.u32 v4, $0x2800  }
0x70: {  	v5 =	vsel vm0, $0x1, v3  }
0x71: {  	(xrf0) =	vadd.scan.msk.s32 $0xffff, v5;
	_ =	sdelay $0x5  }
0x72: {  	v5, _, _ =	vpop (xrf0)  }
0x73: {  	(v2sf) =	vpush v5, $0xF;
	_ =	sdelay $0x9  }
0x74: {  	s28 =	spop (v2sf)  }
0x75: {  	s25 =	sadd.s32 s25, s28  }
0x76: {  	v6 =	vmov s25  }
0x77: {  	v6 =	vadd.s32 $0xFFFFFFFF, v6  }
0x78: {  	v6 =	vbroadcast v6, $0x0  }
0x79: {  	s31 =	spop (v2sf)  }
0x7a: {  	v5 =	vadd.s32 v5, v6;
	s25 =	sadd.s32 s25, s31  }
0x7b: {  	v61 =	vadd.s32 s25, v0  }
0x7c: {  	s28 =	sadd.s32 $0x10, s25;
	vm1 =	vlt.s32 v61, $0x2A0  }
0x7d: {  	v7 =	vadd.s32 s28, v0  }
0x7e: {  	s26 =	sadd.s32 $0x10, s26;
	s0 =	sadd.s32 $0x20, s25;
	s28 =	sadd.s32 $0x5F, s25;
	vm2 =	vlt.s32 v7, $0x2A0  }
0x7f: {  	[tilespmem:v5+s14+$0x0] =	vst.idx.msk vm0, v4;
	v4 =	vor.u32 s26, v0;
	s29 =	sadd.s32 $0x30, s25;
	v8 =	vadd.s32 s0, v0;
	s31 =	smulhi.u32 $0x2AAAAAAB, s28;
	s0 =	sshra.s32 s28, $0x1F  }
0x80: {  	[tilespmem:v5+s15+$0x0] =	vst.idx.msk vm0, v4;
	v4 =	vadd.s32 s29, v0;
	vm3 =	vlt.s32 v8, $0x2A0;
	s29 =	smul.u32 $0x2AAAAAAB, s0;
	_ =	sdelay $0x1  }
0x81: {  	s30 =	sadd.s32 $0x40, s25;
	vm11 =	vlt.s32 v4, $0x2A0;
	s26 =	sadd.s32 s29, s31;
	[tilespmem:v61+s15+$0x0] =	vst.idx.msk vm1, v1  }
0x82: {  	v5 =	vadd.s32 s30, v0;
	s0 =	sshrl.u32 s26, $0x1F;
	s26 =	sshra.s32 s26, $0x4;
	[tilespmem:v61+s14+$0x0] =	vst.idx.msk vm1, v2  }
0x83: {  	s30 =	sadd.s32 $0x50, s25;
	vm12 =	vlt.s32 v5, $0x2A0;
	s31 =	sadd.s32 $0x60, s25;
	s26 =	sadd.s32 s0, s26;
	[tilespmem:v7+s15+$0x0] =	vst.idx.msk vm2, v1  }
0x84: {  	v62 =	vadd.s32 s30, v0;
	v63 =	vadd.s32 s31, v0;
	s31 =	smul.u32 $0xFFFFFFA0, s26;
	[tilespmem:v7+s14+$0x0] =	vst.idx.msk vm2, v2  }
0x85: {  	s30 =	sadd.s32 $0x70, s25;
	vm13 =	vlt.s32 v62, $0x2A0;
	s25 =	ssub.s32 $0xFFFFFFA1, s25;
	[tilespmem:v8+s15+$0x0] =	vst.idx.msk vm3, v1  }
0x86: {  	p0 =	slt.s32 s28, $0x1;
	p1 =	sne.s32 s31, s25;
	[tilespmem:v8+s14+$0x0] =	vst.idx.msk vm3, v2  }
0x87: {  	vm14 =	vlt.s32 v63, $0x2A0;
	p0 =	por !p0, !p1;
	[tilespmem:v4+s15+$0x0] =	vst.idx.msk vm11, v1  }
0x88: {  	s25 =	simm.s32 $0x1;
	p0 =	por !p0, !p0;
	[tilespmem:v4+s14+$0x0] =	vst.idx.msk vm11, v2;
	v4 =	vadd.s32 s30, v0  }
0x89: {  	s25 =	simm.s32 @!p0 $0x0;
	[tilespmem:v5+s15+$0x0] =	vst.idx.msk vm12, v1;
	vm15 =	vlt.s32 v4, $0x2A0  }
0x8a: {  	s25 =	ssub.s32 s26, s25;
	[tilespmem:v5+s14+$0x0] =	vst.idx.msk vm12, v2  }
0x8b: {  	p0 =	slt.s32 s25, $0x1;
	[tilespmem:v62+s15+$0x0] =	vst.idx.msk vm13, v1  }
.Ltmp5:
0x8c: {  	[tilespmem:v62+s14+$0x0] =	vst.idx.msk vm13, v2;
	(pc) =	sbr.rel @p0 .LBB2_7-.Ltmp5, $4  }
0x8d: {  	[tilespmem:v63+s15+$0x0] =	vst.idx.msk vm14, v1  }
0x8e: {  	[tilespmem:v63+s14+$0x0] =	vst.idx.msk vm14, v2  }
0x8f: {  	[tilespmem:v4+s15+$0x0] =	vst.idx.msk vm15, v1  }
0x90: {  	[tilespmem:v4+s14+$0x0] =	vst.idx.msk vm15, v2  }
0x91: {  	[tilespmem:s13], [sflag:$0x1] =	stream.indirect.gather [hbm4b:s3+s16], $0x80, s15, s16, $0xb8;
	[tilespmem:$0x1C900] =	vst v63  }
0x92: {  	s26 =	simm.s32 $0x0  }
.LBB2_6:
0x93: {  	s28 =	sand.u32 $0x1, s26  }
0x94: {  	p0 =	seq.s32 s28, $0x1  }
0x95: {  	s28 =	sadd.s32 @p0 $0x1, s26  }
0x96: {  	p1 =	sge.s32 @p0 s28, s25  }
0x97: {  	s29 =	simm.s32 @p0 $0x2;
	s0 =	smul.u32 @p0 $0x180, s26;
	p1 =	por p1, !p0  }
0x98: {  	_ =	swait.ge @p0 [sflag:s29], $0x3000;
	s30 =	smul.u32 @!p1 $0x180, s28  }
0x99: {  	[sflag:s29] =	ssyncset.done @p0 $0x0  }
0x9a: {  	s0 =	sshra.s32 @p0 s0, $0x2;
	[sflag:s29] =	ssyncadd.s32 @p0 $0xFFFFD000;
	s30 =	sshra.s32 @!p1 s30, $0x2  }
0x9b: {  	s31 =	simm.s32 @!p1 $0x14900;
	s29 =	sadd.s32 @!p1 $0x14300, s30;
	s30 =	simm.s32 @!p1 $0x60  }
0x9c: {  	[tilespmem:s31], [sflag:$0x1] =	stream.indirect.gather @!p1 [hbm4b:s3+s30], $0x80, s29, s30, $0xb8;
	[tilespmem:$0x1C900] =	vst v63  }
0x9d: {  	s0 =	sadd.s32 @p0 $0x14600, s0;
	s29 =	simm.s32 @p0 $0x60;
	s30 =	simm.s32 @p0 $0x17900  }
0x9e: {  	[spmem:s4] =	stream.indirect.scatter.add.f32 @p0 [tilespmem:s30], [sflag:$0x3], $0x80, s0, s29, $0xb8;
	[tilespmem:$0x1C900] =	vst v63  }
0x9f: {  	s0 =	simm.s32 @p0 $0x3;
	s29 =	sor.u32 @!p0 $0x1, s26  }
0xa0: {  	_ =	swait.ge @p0 [sflag:s0], $0x3000;
	p1 =	sge.s32 @!p0 s29, s25  }
0xa1: {  	[sflag:s0] =	ssyncset.done @p0 $0x0;
	p1 =	por p1, p0  }
0xa2: {  	[sflag:s0] =	ssyncadd.s32 @p0 $0xFFFFD000;
	s0 =	simm.s32 @!p0 $0x1;
	s30 =	smul.u32 @!p1 $0x180, s29  }
0xa3: {  	s26 =	smul.u32 @!p0 $0x180, s26;
	_ =	swait.ge @!p0 [sflag:s0], $0x3000  }
0xa4: {  	s31 =	simm.s32 @!p1 $0x17900;
	[sflag:s0] =	ssyncset.done @!p0 $0x0;
	s30 =	sshra.s32 @!p1 s30, $0x2  }
0xa5: {  	[sflag:s0] =	ssyncadd.s32 @!p0 $0xFFFFD000;
	s0 =	sadd.s32 @!p1 $0x14300, s30;
	s30 =	simm.s32 @!p1 $0x60  }
0xa6: {  	[tilespmem:s31], [sflag:$0x2] =	stream.indirect.gather @!p1 [hbm4b:s3+s30], $0x80, s0, s30, $0xb8;
	[tilespmem:$0x1C900] =	vst v63  }
0xa7: {  	s29 =	smov.u32 @p0 s28;
	s0 =	sshra.s32 @!p0 s26, $0x2;
	s26 =	simm.s32 @!p0 $0x60  }
0xa8: {  	s30 =	simm.s32 @!p0 $0x14900;
	p1 =	sne.s32 s29, s25;
	s0 =	sadd.s32 @!p0 $0x14600, s0  }
0xa9: {  	[spmem:s4] =	stream.indirect.scatter.add.f32 @!p0 [tilespmem:s30], [sflag:$0x4], $0x80, s0, s26, $0xb8;
	[tilespmem:$0x1C900] =	vst v63  }
.Ltmp6:
0xaa: {  	_ = 	snop;
	(pc) =	sbr.rel @p1 .LBB2_6-.Ltmp6, $4  }
0xab: {  	s0 =	simm.s32 @!p0 $0x4  }
0xac: {  	_ =	swait.ge @!p0 [sflag:s0], $0x3000  }
0xad: {  	[sflag:s0] =	ssyncset.done @!p0 $0x0  }
0xae: {  	s26 =	smov.u32 s29;
	[sflag:s0] =	ssyncadd.s32 @!p0 $0xFFFFD000  }
.Ltmp7:
0xaf: {  	_ = 	snop;
	(pc) =	sbr.rel .LBB2_7-.Ltmp7, $1  }
0xb0: {  	_ =	sdelay $0x3  }
.LBB2_9:
0xb1: {  	_ =	sfence.sel $0x180000  }
0xb2: {  	[bflag:$0x0] =	sbarrier.arrive $0xFFFF  }
0xb3: {  	_ =	strace $0x90000047  }
0xb4: {  	[bflag:$0x2] =	sbarrier.arrive $0xFFFF  }
0xb5: {  	p0 =	sne.s32 s2, $0x0;
	s0 =	rddreg [dreg:$0x4]  }
0xb6: {  	s0 =	sadd.s32 @!p0 $0x100000, s0  }
0xb7: {  	[sflag:s0] =	ssyncadd.tile.s32 @!p0 $0x1;
	_ =	shalt  }
.Lfunc_end2:
_tile_overlayer_lowered:
.L_overlay_start_2:
0xb8: {  	(tag) =	ssettag $0x2  }
0xb9: {  	s0 =	rddreg [dreg:$0x0];
	s2 =	stileid.u32  }
0xba: {  	s1 =	rddreg [dreg:$0x1];
	p0 =	sne.s32 s2, $0x0  }
0xbb: {  	s3 =	rddreg [dreg:$0x2];
	[bflag:$0x3] =	sbarrier.arrive $0xFFFF;
	s2 =	simm.s32 @!p0 $0x1C03  }
0xbc: {  	[timem:s3], [sflag:s2] =	dma.local @!p0 [hbm:s0], s1  }
0xbd: {  	s0 =	simm.s32 @!p0 $0x3  }
0xbe: {  	_ =	swait.ge @!p0 [sflag:s0], s1  }
0xbf: {  	s1 =	ssub.s32 @!p0 $0x0, s1;
	[sflag:s0] =	ssyncset.done @!p0 $0x0  }
0xc0: {  	[sflag:s0] =	ssyncadd.s32 @!p0 s1  }
0xc1: {  	[bflag:$0x3] =	sbarrier.arrive $0xFFFF  }
0xc2: {  	_ =	shalt  }

// kernel: kernel.9.cloned.1.call-start
scs
__scs_entry_jumppad:
0x0: {  	(pc) =	sbr.rel $0x88, $3  }
0x1: {  	(tag) =	ssettag $0x0;
	lr =	simm.s32 $0x1  }
0x2: {  	[smem:$0x3F99] =	sst lr;
	_ =	strace $0xD0000000  }
0x3: {  	_ = 	snop  }
0x4: {  	_ = 	snop  }
0x5: {  	_ = 	snop  }
0x6: {  	_ = 	snop  }
0x7: {  	_ = 	snop  }
__scs_overlays_trampoline_lowered:
0x8: {  	[smem:$0x3FA8] =	sst s0  }
0x9: {  	[smem:$0x3FA9] =	sst s1  }
0xa: {  	[smem:$0x3FAA] =	sst s2  }
0xb: {  	[smem:$0x3FAB] =	sst s3  }
0xc: {  	[smem:$0x3FAC] =	sst s4  }
0xd: {  	[smem:$0x3FAD] =	sst s5  }
0xe: {  	[smem:$0x3FAE] =	sst s6  }
0xf: {  	[smem:$0x3FAF] =	sst s7  }
0x10: {  	[smem:$0x3FB0] =	sst s8  }
0x11: {  	[smem:$0x3FB1] =	sst s9;
	s0 =	simm.s32 @!p0 $0x0  }
0x12: {  	s1 =	sld [smem:$0x3F97];
	s0 =	simm.s32 @p0 $0x1  }
0x13: {  	[smem:$0x3FB2] =	sst s0;
	s0 =	simm.s32 @!p1 $0x0  }
0x14: {  	s2 =	sld [smem:$0x3F96];
	s0 =	simm.s32 @p1 $0x1  }
0x15: {  	[smem:$0x3FB3] =	sst s0;
	s0 =	simm.s32 @!p2 $0x0  }
0x16: {  	s3 =	sld [smem:$0x3FDB];
	s0 =	simm.s32 @p2 $0x1  }
0x17: {  	s4 =	simm.s32 $0x1BF5;
	[smem:$0x3FB5] =	sst s0  }
0x18: {  	s0 =	sld [smem:$0x3F98];
	_ =	swait.ge [sflag:s4], $0x0  }
0x19: {  	s7 =	sld [smem:$0x3F99]  }
0x1a: {  	s8 =	sadd.s32 $0xFFFFE003, lr  }
0x1b: {  	s9 =	sadd.s32 $0xFFFFFEF7, lr;
	s5 =	simm.s32 $0xFFFFFFFF;
	p2 =	slt.u32 s8, $0xFFFFF086  }
0x1c: {  	p1 =	slt.u32 s9, $0xF7A;
	s5 =	simm.s32 @!p2 $0x0  }
0x1d: {  	s5 =	simm.s32 @p1 $0x1;
	p0 =	seq.s32 s7, s2  }
0x1e: {  	s7 =	smul.u32 @!p0 $0xF7A, s2;
	p2 =	seq.s32 @!p0 s5, $0x0  }
0x1f: {  	s9 =	smul.u32 $0xF7A, s1;
	s8 =	simm.s32 @!p0 $0x1BF5;
	p2 =	por !p2, p0  }
0x20: {  	[sflag:s8] =	ssyncset.s32 @!p0 $0xFFFFF086;
	s6 =	sadd.s32 @!p0 s3, s7;
	s7 =	simm.s32 @!p0 $0x108  }
0x21: {  	s3 =	sadd.s32 s3, s9;
	s6 =	sadd.s32 @!p0 $0x88, s6;
	s7 =	simm.s32 @p2 $0x1082  }
0x22: {  	[simem:s7], [sflag:s8] =	dma.local @!p0 [hbm:s6], $0xF7A  }
0x23: {  	s9 =	sor.u32 $0xD0000000, s2;
	s6 =	simm.s32 $0x108;
	_ =	swait.ge @!p0 [sflag:s8], $0x0  }
0x24: {  	s3 =	sadd.s32 $0x88, s3;
	s6 =	simm.s32 @!p1 $0x1082;
	[sflag:s4] =	ssyncset.s32 $0xFFFFF086  }
0x25: {  	[simem:s6], [sflag:s4] =	dma.local [hbm:s3], $0xF7A  }
0x26: {  	[smem:$0x3F99] =	sst s1;
	(tag) =	ssettag s2;
	_ =	strace s9  }
0x27: {  	s1 =	sld [smem:$0x3FA9]  }
0x28: {  	s2 =	sld [smem:$0x3FAA]  }
0x29: {  	s4 =	sld [smem:$0x3FAC]  }
0x2a: {  	p0 =	seq.s32 s5, $0x0;
	s5 =	sld [smem:$0x3FAD]  }
0x2b: {  	s6 =	sld [smem:$0x3FAE]  }
0x2c: {  	s7 =	sld [smem:$0x3FAF]  }
0x2d: {  	s3 =	simm.s32 $0x108;
	s8 =	sld [smem:$0x3FB0]  }
0x2e: {  	s3 =	simm.s32 @!p0 $0x1082;
	s9 =	sld [smem:$0x3FB1]  }
0x2f: {  	lr =	sadd.s32 s0, s3;
	s0 =	sld [smem:$0x3FA8]  }
0x30: {  	s3 =	sld [smem:$0x3FAB]  }
0x31: {  	[smem:$0x3FB4] =	sst s10  }
0x32: {  	s10 =	sld [smem:$0x3FB2];
	_ =	sdelay $0x3  }
0x33: {  	p0 =	seq.s32 s10, $0x1;
	s10 =	sld [smem:$0x3FB4];
	_ =	sdelay $0x3  }
0x34: {  	[smem:$0x3FB4] =	sst s10  }
0x35: {  	s10 =	sld [smem:$0x3FB3];
	_ =	sdelay $0x3  }
0x36: {  	p1 =	seq.s32 s10, $0x1;
	s10 =	sld [smem:$0x3FB4];
	_ =	sdelay $0x3  }
0x37: {  	[smem:$0x3FB4] =	sst s10  }
0x38: {  	s10 =	sld [smem:$0x3FB5]  }
0x39: {  	_ = 	snop;
	(pc) =	sbr.ind lr, $3  }
0x3a: {  	_ = 	snop  }
0x3b: {  	_ = 	snop  }
0x3c: {  	p2 =	seq.s32 s10, $0x1;
	s10 =	sld [smem:$0x3FB4]  }
0x3d: {  	_ =	shalt  }
0x3e: {  	_ =	shalt  }
0x3f: {  	_ =	shalt  }
0x40: {  	_ =	shalt  }
0x41: {  	_ =	shalt  }
0x42: {  	_ =	shalt  }
0x43: {  	_ =	shalt  }
0x44: {  	_ =	shalt  }
0x45: {  	_ =	shalt  }
0x46: {  	_ =	shalt  }
0x47: {  	_ =	shalt  }
0x48: {  	_ =	shalt  }
0x49: {  	_ =	shalt  }
0x4a: {  	_ =	shalt  }
0x4b: {  	_ =	shalt  }
0x4c: {  	_ =	shalt  }
0x4d: {  	_ =	shalt  }
0x4e: {  	_ =	shalt  }
0x4f: {  	_ =	shalt  }
0x50: {  	_ =	shalt  }
0x51: {  	_ =	shalt  }
0x52: {  	_ =	shalt  }
0x53: {  	_ =	shalt  }
0x54: {  	_ =	shalt  }
0x55: {  	_ =	shalt  }
0x56: {  	_ =	shalt  }
0x57: {  	_ =	shalt  }
0x58: {  	_ =	shalt  }
0x59: {  	_ =	shalt  }
0x5a: {  	_ =	shalt  }
0x5b: {  	_ =	shalt  }
0x5c: {  	_ =	shalt  }
0x5d: {  	_ =	shalt  }
0x5e: {  	_ =	shalt  }
0x5f: {  	_ =	shalt  }
0x60: {  	_ =	shalt  }
0x61: {  	_ =	shalt  }
0x62: {  	_ =	shalt  }
0x63: {  	_ =	shalt  }
0x64: {  	_ =	shalt  }
0x65: {  	_ =	shalt  }
0x66: {  	_ =	shalt  }
0x67: {  	_ =	shalt  }
0x68: {  	_ =	shalt  }
0x69: {  	_ =	shalt  }
0x6a: {  	_ =	shalt  }
0x6b: {  	_ =	shalt  }
0x6c: {  	_ =	shalt  }
0x6d: {  	_ =	shalt  }
0x6e: {  	_ =	shalt  }
0x6f: {  	_ =	shalt  }
0x70: {  	_ =	shalt  }
0x71: {  	_ =	shalt  }
0x72: {  	_ =	shalt  }
0x73: {  	_ =	shalt  }
0x74: {  	_ =	shalt  }
0x75: {  	_ =	shalt  }
0x76: {  	_ =	shalt  }
0x77: {  	_ =	shalt  }
0x78: {  	_ =	shalt  }
0x79: {  	_ =	shalt  }
0x7a: {  	_ =	shalt  }
0x7b: {  	_ =	shalt  }
0x7c: {  	_ =	shalt  }
0x7d: {  	_ =	shalt  }
0x7e: {  	_ =	shalt  }
0x7f: {  	_ =	shalt  }
0x80: {  	_ =	shalt  }
0x81: {  	_ =	shalt  }
0x82: {  	_ =	shalt  }
0x83: {  	_ =	shalt  }
0x84: {  	_ =	shalt  }
0x85: {  	_ =	shalt  }
0x86: {  	_ =	shalt  }
0x87: {  	_ =	shalt  }
.Lfunc_end0:
.L_simem_size_0:
called_computation.1_lowered:
.L_overlay_start_0:
0x88: {  	s2 =	sld [smem:$0x3FD9]  }
0x89: {  	s3 =	sld [smem:$0x3FFE];
	_ =	sdelay $0x1  }
0x8a: {  	s1 =	srdreg.scid  }
0x8b: {  	s0 =	sand.u32 $0x1, s1  }
0x8c: {  	s17 =	sshll.u32 s0, $0xA;
	s2 =	sadd.s32 s3, s2  }
0x8d: {  	s2 =	sadd.s32 s2, s17  }
0x8e: {  	[smem:$0x3FC0] =	sst s2  }
0x8f: {  	_ = 	snop  }
0x90: {  	s2 =	sld [smem:$0x3FD0];
	(tm) =	ssettm $0x1  }
0x91: {  	s18 =	sld [smem:$0x3FFB];
	_ =	sdelay $0x3  }
0x92: {  	_ =	strace s18  }
0x93: {  	s3 =	sld [smem:$0x3FFC];
	_ =	sdelay $0x3  }
0x94: {  	_ =	strace s3  }
0x95: {  	s3 =	sld [smem:$0x3FFD];
	_ =	sdelay $0x3  }
0x96: {  	_ =	strace s3  }
0x97: {  	_ =	strace $0x8FFFFFFF  }
0x98: {  	s19 =	sld [smem:$0x3FDB];
	_ =	sdelay $0x1  }
0x99: {  	s4 =	simm.s32 $_scs_section_size  }
0x9a: {  	s5 =	simm.s32 $_size__tile_overlayer_lowered;
	s6 =	simm.s32 $_tile_overlayer_lowered  }
0x9b: {  	s22 =	simm.s32 $0x1BFF;
	s21 =	sshll.u32 s6, $0x1;
	s3 =	sadd.s32 s4, s19  }
0x9c: {  	s7 =	simm.s32 $0x0;
	s20 =	sshll.u32 s5, $0x1;
	s5 =	sadd.s32 s21, s3  }
0x9d: {  	[timem:s7], [sflag:s22] =	dma.local [hbm:s5], s20  }
0x9e: {  	_ =	swait.ge [sflag:s22], s20  }
0x9f: {  	s4 =	ssub.s32 $0x0, s20;
	[sflag:s22] =	ssyncset.done $0x0  }
0xa0: {  	[sflag:s22] =	ssyncadd.s32 s4;
	_ =	sdelay $0x1  }
0xa1: {  	s23 =	simm.s32 $0x1B8B  }
0xa2: {  	_ =	swait.ge [sflag:s23], $0x1  }
0xa3: {  	[sflag:s23] =	ssyncset.done $0x0  }
0xa4: {  	s25 =	simm.s32 $0x1B8E;
	s24 =	sld [smem:$0x3FFE];
	[sflag:s23] =	ssyncadd.s32 $0xFFFFFFFF  }
0xa5: {  	s26 =	simm.s32 $execute0_lowered;
	[smem:$0x3FD2] =	sst s25  }
0xa6: {  	s5 =	sshll.u32 s26, $0x1;
	_ =	strace $0x80000049;
	[dreg:$0x1] =	wrdreg $0xFFFFFFFF  }
0xa7: {  	s28 =	simm.s32 $_size_execute0_lowered;
	s3 =	sadd.s32 s3, s5;
	[dreg:$0x0] =	wrdreg $0x0  }
0xa8: {  	s5 =	sshll.u32 s28, $0x1;
	[dreg:$0x2] =	wrdreg s3  }
0xa9: {  	[dreg:$0x3] =	wrdreg s5  }
0xaa: {  	[dreg:$0x4] =	wrdreg $0xC0  }
0xab: {  	_ =	task [dreg:s7], $0x5FFFF  }
0xac: {  	[dreg:$0x1] =	wrdreg $0xFFFFFFFF  }
0xad: {  	[dreg:$0x0] =	wrdreg $0x60  }
0xae: {  	[dreg:$0x2] =	wrdreg s24  }
0xaf: {  	[dreg:$0x3] =	wrdreg s2  }
0xb0: {  	[dreg:$0x4] =	wrdreg $0x0  }
0xb1: {  	[dreg:$0x5] =	wrdreg $0x9  }
0xb2: {  	_ =	task.clear_ibuf [dreg:s7], $0x6FFFF;
	_ =	strace $0x90000049  }
0xb3: {  	s29 =	simm.s32 $0x9;
	_ =	strace $0x8000004B  }
0xb4: {  	_ =	swait.ge [sflag:s29], $0x1  }
0xb5: {  	[sflag:s29] =	ssyncadd.s32 $0xFFFFFFFF  }
0xb6: {  	_ =	strace $0x9000004B  }
0xb7: {  	_ =	sfence  }
0xb8: {  	s30 =	sld [smem:$0x0];
	_ =	sdelay $0x2  }
0xb9: {  	s31 =	sshll.u32 s1, $0xD;
	s1 =	sshrl.u32 s1, $0x2  }
0xba: {  	s3 =	sand.u32 $0x4000, s31;
	s1 =	sadd.s32 s1, s30  }
0xbb: {  	s0 =	sor.u32 s3, s0;
	s1 =	sshll.u32 s1, $0x11  }
0xbc: {  	s0 =	sor.u32 s1, s0  }
0xbd: {  	s0 =	sadd.s32 $0x8F2B, s0  }
0xbe: {  	[sflag:s0] =	ssyncadd.remote.s32 $0x1  }
0xbf: {  	_ =	sfence.sel $0xFFFF  }
0xc0: {  	[dreg:$0x0] =	wrdreg $0xFFFFFFFF;
	(pc) =	sbr.abs _section_cstart, $3  }
0xc1: {  	[dreg:$0x1] =	wrdreg $0xFFFFFFFF  }
0xc2: {  	_ =	task.clear_ibuf [dreg:s7], $0x2FFFF;
	_ =	strace $0x9FFFFFFF  }
0xc3: {  	(tm) =	ssettm $0x7FFFFFFF  }
tec
execute0_lowered:
.L_overlay_start_1:
0x0: {  	(tag) =	ssettag $0x1  }
0x1: {  	s0 =	rddreg [dreg:$0x0]  }
0x2: {  	s2 =	rddreg [dreg:$0x2]  }
0x3: {  	s4 =	simm.s32 $0x0;
	s1 =	srdreg.scid;
	s10 =	stileid.u32  }
0x4: {  	s28 =	simm.s32 $0x16080;
	s29 =	simm.s32 $0x3;
	s30 =	simm.s32 $0x14080  }
0x5: {  	s31 =	simm.s32 $0x14880;
	s12 =	simm.s32 $0x0;
	[smem:$0x7FF] =	sst s4  }
0x6: {  	s1 =	sand.u32 $0x1, s1;
	s3 =	smul.u32 $0x50000, s10;
	s11 =	sadd.s32 $0x19BE00, s0  }
0x7: {  	s21 =	sadd.s32 $0x19C400, s0;
	_ =	strace $0x8000004A;
	[dreg:$0x4] =	wrdreg s11  }
0x8: {  	s5 =	sadd.s32 $0x1800, s0;
	s22 =	sadd.s32 $0x19CA00, s0;
	[dreg:$0xb] =	wrdreg s21  }
0x9: {  	s6 =	sadd.s32 $0x192000, s0;
	s23 =	sadd.s32 $0x19D000, s0;
	[dreg:$0xc] =	wrdreg s22  }
0xa: {  	s7 =	sadd.s32 $0x188200, s0;
	s24 =	sadd.s32 $0x19D600, s0;
	[dreg:$0xd] =	wrdreg s23  }
0xb: {  	s14 =	smul.u32 $0x280, s10;
	s25 =	sadd.s32 $0x19DC00, s0;
	[dreg:$0xe] =	wrdreg s24  }
0xc: {  	s20 =	sshll.u32 s10, $0x4;
	s0 =	sadd.s32 $0x19E200, s0;
	[dreg:$0x10] =	wrdreg s25  }
0xd: {  	s8 =	ssub.s32 $0x2, s1;
	s1 =	smul.u32 $0x5, s1;
	[dreg:$0x11] =	wrdreg s0  }
0xe: {  	s0 =	simm.s32 $0x15880;
	s24 =	simm.s32 $0x1C080;
	s11 =	simm.s32 $0x2  }
0xf: {  	s9 =	sshrl.u32 s8, $0x1;
	s3 =	sshrl.u32 s3, $0x2;
	[dreg:$0x5] =	wrdreg s14  }
0x10: {  	s8 =	ssub.s32 s8, s9;
	s3 =	sadd.s32 s3, s2;
	[dreg:$0xf] =	wrdreg s1  }
0x11: {  	s1 =	simm.s32 $0x1;
	s15 =	sadd.s32 $0x3000, s3;
	s16 =	sadd.s32 $0x6000, s3  }
0x12: {  	s17 =	sadd.s32 $0x9000, s3;
	s18 =	sadd.s32 $0xC000, s3;
	[dreg:$0x6] =	wrdreg s15  }
.Ltmp0:
0x13: {  	s19 =	sadd.s32 $0xF000, s3;
	[dreg:$0x7] =	wrdreg s16;
	(pc) =	sbr.rel .LBB2_1-.Ltmp0, $4  }
0x14: {  	s26 =	smax.u32 s8, $0x1;
	s23 =	smov.u32 s3;
	[dreg:$0x8] =	wrdreg s17  }
0x15: {  	v2 =	vmov s10;
	s25 =	sadd.s32 $0x12000, s3;
	s3 =	simm.s32 $0x15080;
	[dreg:$0x9] =	wrdreg s18  }
0x16: {  	v0 =	vlaneseq.u32;
	v3 =	vimm.f32 $0.0e+00;
	v2 =	vor.u32 $0x2800, v2;
	s8 =	simm.s32 $0x60;
	[dreg:$0xa] =	wrdreg s19;
	s18 =	smul.u32 $0x4E20, s10  }
0x17: {  	v4 =	vimm.s32 $0x0;
	v1 =	vor.u32 s20, v0;
	v2 =	vbroadcast v2, $0x0;
	[dreg:$0x12] =	wrdreg s26;
	s26 =	smul.u32 $0x19000, s10;
	s10 =	simm.s32 $0x19080  }
.LBB2_14:
0x18: {  	s12 =	rddreg [dreg:$0x13]  }
0x19: {  	s9 =	rddreg [dreg:$0x12];
	s12 =	sadd.s32 $0x1, s12  }
0x1a: {  	p0 =	sne.s32 s12, s9  }
.Ltmp1:
0x1b: {  	_ = 	snop;
	(pc) =	sbr.rel @!p0 .LBB2_15-.Ltmp1, $1  }
0x1c: {  	_ =	sdelay $0x3  }
.LBB2_1:
.Ltmp2:
0x1d: {  	(pc) =	sbr.rel .LBB2_2-.Ltmp2, $2  }
0x1e: {  	_ =	sdelay $0x2  }
0x1f: {  	[dreg:$0x13] =	wrdreg s12;
	s9 =	simm.s32 $0x0  }
.LBB2_13:
0x20: {  	s13 =	rddreg [dreg:$0x5]  }
0x21: {  	s13 =	sadd.s32 s13, s12  }
0x22: {  	s13 =	smin.u32 s13, $0x18420  }
0x23: {  	s14 =	ssub.s32 s13, s12  }
0x24: {  	s14 =	sshll.u32 s14, $0x9  }
0x25: {  	s14 =	sshra.s32 s14, $0x2  }
0x26: {  	[bflag:$0x0] =	sbarrier.arrive $0xFFFF;
	s14 =	sadd.s32 s14, s2  }
0x27: {  	[tilespmem:s28], [sflag:$0x3] =	stream.linear.gather [spmem:s14], $0x3000, $0x38;
	[tilespmem:$0x1E880] =	vst v63  }
0x28: {  	_ =	swait.ge [sflag:s29], $0x3000  }
0x29: {  	s13 =	sshll.u32 s13, $0x4;
	[sflag:s29] =	ssyncset.done $0x0;
	s15 =	rddreg [dreg:$0x4]  }
0x2a: {  	[sflag:s29] =	ssyncadd.s32 $0xFFFFD000;
	s15 =	sadd.s32 s15, s13  }
0x2b: {  	[hbm4b:s15+s4] =	stream.linear.scatter [tilespmem:s28], [sflag:$0x1], $0x3000, $0x38;
	[tilespmem:$0x1E880] =	vst v63  }
0x2c: {  	s22 =	sadd.s32 $0x3000, s14  }
0x2d: {  	[tilespmem:s10], [sflag:$0x3] =	stream.linear.gather [spmem:s22], $0x3000, $0x38;
	[tilespmem:$0x1E880] =	vst v63  }
0x2e: {  	_ =	swait.ge [sflag:s29], $0x3000  }
0x2f: {  	[sflag:s29] =	ssyncset.done $0x0  }
0x30: {  	[sflag:s29] =	ssyncadd.s32 $0xFFFFD000  }
0x31: {  	_ =	swait.ge [sflag:s1], $0x3000  }
0x32: {  	[sflag:s1] =	ssyncset.done $0x0;
	s16 =	rddreg [dreg:$0xb]  }
0x33: {  	[sflag:s1] =	ssyncadd.s32 $0xFFFFD000;
	s15 =	sadd.s32 s13, s16  }
0x34: {  	[hbm4b:s15+s4] =	stream.linear.scatter [tilespmem:s10], [sflag:$0x2], $0x3000, $0x38;
	[tilespmem:$0x1E880] =	vst v63  }
0x35: {  	s17 =	sadd.s32 $0x6000, s14  }
0x36: {  	[tilespmem:s28], [sflag:$0x3] =	stream.linear.gather [spmem:s17], $0x3000, $0x38;
	[tilespmem:$0x1E880] =	vst v63  }
0x37: {  	_ =	swait.ge [sflag:s29], $0x3000  }
0x38: {  	[sflag:s29] =	ssyncset.done $0x0  }
0x39: {  	[sflag:s29] =	ssyncadd.s32 $0xFFFFD000  }
0x3a: {  	_ =	swait.ge [sflag:s11], $0x3000  }
0x3b: {  	[sflag:s11] =	ssyncset.done $0x0;
	s19 =	rddreg [dreg:$0xc]  }
0x3c: {  	[sflag:s11] =	ssyncadd.s32 $0xFFFFD000;
	s15 =	sadd.s32 s13, s19  }
0x3d: {  	[hbm4b:s15+s4] =	stream.linear.scatter [tilespmem:s28], [sflag:$0x1], $0x3000, $0x38;
	[tilespmem:$0x1E880] =	vst v63  }
0x3e: {  	s20 =	sadd.s32 $0x9000, s14  }
0x3f: {  	[tilespmem:s10], [sflag:$0x3] =	stream.linear.gather [spmem:s20], $0x3000, $0x38;
	[tilespmem:$0x1E880] =	vst v63  }
0x40: {  	_ =	swait.ge [sflag:s29], $0x3000  }
0x41: {  	[sflag:s29] =	ssyncset.done $0x0  }
0x42: {  	[sflag:s29] =	ssyncadd.s32 $0xFFFFD000  }
0x43: {  	_ =	swait.ge [sflag:s1], $0x3000  }
0x44: {  	[sflag:s1] =	ssyncset.done $0x0;
	s21 =	rddreg [dreg:$0xd]  }
0x45: {  	[sflag:s1] =	ssyncadd.s32 $0xFFFFD000;
	s15 =	sadd.s32 s13, s21  }
0x46: {  	[hbm4b:s15+s4] =	stream.linear.scatter [tilespmem:s10], [sflag:$0x2], $0x3000, $0x38;
	[tilespmem:$0x1E880] =	vst v63  }
0x47: {  	s22 =	sadd.s32 $0xC000, s14  }
0x48: {  	[tilespmem:s28], [sflag:$0x3] =	stream.linear.gather [spmem:s22], $0x3000, $0x38;
	[tilespmem:$0x1E880] =	vst v63  }
0x49: {  	_ =	swait.ge [sflag:s29], $0x3000  }
0x4a: {  	[sflag:s29] =	ssyncset.done $0x0  }
0x4b: {  	[sflag:s29] =	ssyncadd.s32 $0xFFFFD000  }
0x4c: {  	_ =	swait.ge [sflag:s11], $0x3000  }
0x4d: {  	[sflag:s11] =	ssyncset.done $0x0;
	s16 =	rddreg [dreg:$0xe]  }
0x4e: {  	[sflag:s11] =	ssyncadd.s32 $0xFFFFD000;
	s15 =	sadd.s32 s13, s16  }
0x4f: {  	[hbm4b:s15+s4] =	stream.linear.scatter [tilespmem:s28], [sflag:$0x1], $0x3000, $0x38;
	[tilespmem:$0x1E880] =	vst v63  }
0x50: {  	s17 =	sadd.s32 $0xF000, s14  }
0x51: {  	[tilespmem:s10], [sflag:$0x3] =	stream.linear.gather [spmem:s17], $0x3000, $0x38;
	[tilespmem:$0x1E880] =	vst v63  }
0x52: {  	_ =	swait.ge [sflag:s29], $0x3000  }
0x53: {  	[sflag:s29] =	ssyncset.done $0x0  }
0x54: {  	[sflag:s29] =	ssyncadd.s32 $0xFFFFD000  }
0x55: {  	_ =	swait.ge [sflag:s1], $0x3000  }
0x56: {  	[sflag:s1] =	ssyncset.done $0x0;
	s19 =	rddreg [dreg:$0x10]  }
0x57: {  	[sflag:s1] =	ssyncadd.s32 $0xFFFFD000;
	s15 =	sadd.s32 s13, s19  }
0x58: {  	[hbm4b:s15+s4] =	stream.linear.scatter [tilespmem:s10], [sflag:$0x2], $0x3000, $0x38;
	[tilespmem:$0x1E880] =	vst v63  }
0x59: {  	s14 =	sadd.s32 $0x12000, s14  }
0x5a: {  	[tilespmem:s28], [sflag:$0x3] =	stream.linear.gather [spmem:s14], $0x2000, $0x38;
	[tilespmem:$0x1E880] =	vst v63  }
0x5b: {  	_ =	swait.ge [sflag:s29], $0x2000  }
0x5c: {  	[sflag:s29] =	ssyncset.done $0x0  }
0x5d: {  	[sflag:s29] =	ssyncadd.s32 $0xFFFFE000  }
0x5e: {  	_ =	swait.ge [sflag:s11], $0x3000  }
0x5f: {  	[sflag:s11] =	ssyncset.done $0x0;
	s20 =	rddreg [dreg:$0x11]  }
0x60: {  	[sflag:s11] =	ssyncadd.s32 $0xFFFFD000;
	s13 =	sadd.s32 s13, s20  }
0x61: {  	[hbm4b:s13+s4] =	stream.linear.scatter [tilespmem:s28], [sflag:$0x1], $0x2000, $0x38;
	[tilespmem:$0x1E880] =	vst v63  }
0x62: {  	_ =	swait.ge [sflag:s1], $0x2000  }
0x63: {  	[sflag:s1] =	ssyncset.done $0x0  }
0x64: {  	s21 =	sadd.s32 s26, s12;
	[sflag:s1] =	ssyncadd.s32 $0xFFFFE000  }
0x65: {  	s9 =	sadd.s32 $0x1, s9;
	s12 =	sshrl.u32 s21, $0x3;
	s22 =	rddreg [dreg:$0x1]  }
0x66: {  	p0 =	sne.s32 s9, $0x5;
	s12 =	sadd.s32 s22, s12  }
0x67: {  	[hbm4b:s12+s4] =	stream.linear.scatter [tilespmem:s24], [sflag:$0x3], $0x2800, $0x38;
	[tilespmem:$0x1E880] =	vst v63  }
.Ltmp3:
0x68: {  	_ =	swait.ge [sflag:s29], $0x2800;
	(pc) =	sbr.rel @!p0 .LBB2_14-.Ltmp3, $3  }
0x69: {  	[sflag:s29] =	ssyncset.done $0x0  }
0x6a: {  	[sflag:s29] =	ssyncadd.s32 $0xFFFFD800  }
0x6b: {  	[bflag:$0x0] =	sbarrier.arrive $0xFFFF;
	_ =	sdelay $0x1  }
.LBB2_2:
0x6c: {  	s13 =	simm.s32 $0x0  }
0x6d: {  	s12 =	simm.s32 $0x10;
	v5 =	vor.u32 s13, v0  }
.LBB2_3:
0x6e: {  	p0 =	sne.s32 s12, $0x2FF0  }
.Ltmp4:
0x6f: {  	_ = 	snop;
	(pc) =	sbr.rel @p0 .LBB2_3-.Ltmp4, $3  }
0x70: {  	_ =	sdelay $0x1  }
0x71: {  	[tilespmem:v5+s28+$0x0] =	vst.idx.msk $0xffff, v3;
	s13 =	smov.u32 s12;
	s12 =	sadd.s32 $0x10, s12  }
0x72: {  	v5 =	vor.u32 s13, v0  }
0x73: {  	_ =	sdelay $0x3  }
0x74: {  	[tilespmem:v5+s28+$0x0] =	vst.idx.msk $0xffff, v3  }
0x75: {  	[spmem:s23] =	stream.linear.scatter [tilespmem:s28], [sflag:$0x3], $0x3000, $0x38;
	[tilespmem:$0x1E880] =	vst v63  }
0x76: {  	_ =	swait.ge [sflag:s29], $0x3000  }
0x77: {  	[sflag:s29] =	ssyncset.done $0x0  }
0x78: {  	s12 =	rddreg [dreg:$0x6];
	[sflag:s29] =	ssyncadd.s32 $0xFFFFD000  }
0x79: {  	[spmem:s12] =	stream.linear.scatter [tilespmem:s28], [sflag:$0x3], $0x3000, $0x38;
	[tilespmem:$0x1E880] =	vst v63  }
0x7a: {  	_ =	swait.ge [sflag:s29], $0x3000  }
0x7b: {  	[sflag:s29] =	ssyncset.done $0x0  }
0x7c: {  	s19 =	rddreg [dreg:$0x7];
	[sflag:s29] =	ssyncadd.s32 $0xFFFFD000  }
0x7d: {  	[spmem:s19] =	stream.linear.scatter [tilespmem:s28], [sflag:$0x3], $0x3000, $0x38;
	[tilespmem:$0x1E880] =	vst v63  }
0x7e: {  	_ =	swait.ge [sflag:s29], $0x3000  }
0x7f: {  	[sflag:s29] =	ssyncset.done $0x0  }
0x80: {  	s20 =	rddreg [dreg:$0x8];
	[sflag:s29] =	ssyncadd.s32 $0xFFFFD000  }
0x81: {  	[spmem:s20] =	stream.linear.scatter [tilespmem:s28], [sflag:$0x3], $0x3000, $0x38;
	[tilespmem:$0x1E880] =	vst v63  }
0x82: {  	_ =	swait.ge [sflag:s29], $0x3000  }
0x83: {  	[sflag:s29] =	ssyncset.done $0x0  }
0x84: {  	s21 =	rddreg [dreg:$0x9];
	[sflag:s29] =	ssyncadd.s32 $0xFFFFD000  }
0x85: {  	[spmem:s21] =	stream.linear.scatter [tilespmem:s28], [sflag:$0x3], $0x3000, $0x38;
	[tilespmem:$0x1E880] =	vst v63  }
0x86: {  	_ =	swait.ge [sflag:s29], $0x3000  }
0x87: {  	[sflag:s29] =	ssyncset.done $0x0  }
0x88: {  	s22 =	rddreg [dreg:$0xa];
	[sflag:s29] =	ssyncadd.s32 $0xFFFFD000  }
0x89: {  	[spmem:s22] =	stream.linear.scatter [tilespmem:s28], [sflag:$0x3], $0x3000, $0x38;
	[tilespmem:$0x1E880] =	vst v63  }
0x8a: {  	_ =	swait.ge [sflag:s29], $0x3000  }
0x8b: {  	[sflag:s29] =	ssyncset.done $0x0  }
0x8c: {  	[sflag:s29] =	ssyncadd.s32 $0xFFFFD000  }
0x8d: {  	[spmem:s25] =	stream.linear.scatter [tilespmem:s28], [sflag:$0x3], $0x2000, $0x38;
	[tilespmem:$0x1E880] =	vst v63  }
0x8e: {  	_ =	swait.ge [sflag:s29], $0x2000  }
0x8f: {  	[sflag:s29] =	ssyncset.done $0x0  }
0x90: {  	s13 =	simm.s32 $0x0;
	s12 =	simm.s32 $0x40;
	[sflag:s29] =	ssyncadd.s32 $0xFFFFE000  }
.LBB2_5:
0x91: {  	p0 =	sne.s32 s12, $0x9FC0;
	[tilespmem:s13+$0x1C080] =	vst v3;
	s13 =	smov.u32 s12;
	s12 =	sadd.s32 $0x40, s12  }
.Ltmp5:
0x92: {  	(pc) =	sbr.rel @p0 .LBB2_5-.Ltmp5, $2  }
0x93: {  	_ =	sdelay $0x2  }
0x94: {  	s13 =	sshra.s32 s13, $0x2  }
.Ltmp6:
0x95: {  	s12 =	rddreg [dreg:$0xf];
	(pc) =	sbr.rel .LBB2_7-.Ltmp6, $4  }
0x96: {  	s12 =	sadd.s32 s12, s9  }
0x97: {  	[tilespmem:s13+$0x1C080] =	vst v3;
	s12 =	smul.u32 $0x2800, s12  }
0x98: {  	[bflag:$0x0] =	sbarrier.arrive $0xFFFF  }
0x99: {  	s13 =	simm.s32 $0x0;
	s14 =	simm.s32 $0x0;
	v5 =	vmov s12  }
.LBB2_12:
0x9a: {  	s14 =	sadd.s32 $0x1, s14  }
0x9b: {  	p0 =	sne.s32 s14, $0xA  }
.Ltmp7:
0x9c: {  	_ = 	snop;
	(pc) =	sbr.rel @!p0 .LBB2_13-.Ltmp7, $1  }
0x9d: {  	_ =	sdelay $0x3  }
.LBB2_7:
0x9e: {  	s15 =	smul.u32 $0x7D0, s14;
	_ =	sdelay $0x1  }
0x9f: {  	s15 =	sadd.s32 s18, s15  }
0xa0: {  	s15 =	sshrl.u32 s15, $0x3  }
0xa1: {  	s16 =	sadd.s32 s6, s15  }
0xa2: {  	[tilespmem:s30], [sflag:$0x3] =	stream.linear.gather [hbm4b:s16+s13], $0x7D0, $0x38;
	[tilespmem:$0x1E880] =	vst v63  }
0xa3: {  	_ =	swait.ge [sflag:s29], $0x7D0  }
0xa4: {  	[sflag:s29] =	ssyncset.done $0x0  }
0xa5: {  	s15 =	sadd.s32 s7, s15;
	[sflag:s29] =	ssyncadd.s32 $0xFFFFF830  }
0xa6: {  	[tilespmem:s31], [sflag:$0x3] =	stream.linear.gather [hbm4b:s15+s13], $0x7D0, $0x38;
	[tilespmem:$0x1E880] =	vst v63  }
0xa7: {  	_ =	swait.ge [sflag:s29], $0x7D0  }
0xa8: {  	[sflag:s29] =	ssyncset.done $0x0  }
0xa9: {  	s22 =	simm.s32 $0x0;
	[sflag:s29] =	ssyncadd.s32 $0xFFFFF830  }
0xaa: {  	v6 =	vld [tilespmem:s22+$0x14080];
	_ =	sdelay $0x4  }
0xab: {  	v7 =	vsub.s32 v6, v5  }
0xac: {  	vm0 =	vlt.u32 v7, $0x2800  }
0xad: {  	v8 =	vsel vm0, $0x1, v4;
	(xrf1) =	vunique.msk.u32 vm0, v7  }
0xae: {  	(xrf0) =	vadd.scan.msk.s32 $0xffff, v8;
	_ =	sdelay $0x5  }
0xaf: {  	v8, _, _ =	vpop (xrf0)  }
0xb0: {  	(v2sf) =	vpush v8, $0xF;
	_ =	sdelay $0x1  }
0xb1: {  	v9 =	vmov s13  }
0xb2: {  	v9 =	vadd.s32 $0xFFFFFFFF, v9  }
0xb3: {  	v9 =	vbroadcast v9, $0x0;
	_ =	sdelay $0x1  }
0xb4: {  	v8 =	vadd.s32 v8, v9  }
0xb5: {  	v10 =	vld [tilespmem:s22+$0x14880];
	v6 =	vand.u32 $0x7F, v6;
	v63 =	vand.u32 $0xFFFFFF80, v7;
	_, v11, vm1 =	vpop (xrf1)  }
0xb6: {  	v6 =	vor.u32 v6, v63;
	_ =	sdelay $0x2  }
0xb7: {  	[tilespmem:v8+s0+$0x0] =	vst.idx.msk vm0, v7;
	v7 =	vcvt.s32.f32 v11  }
0xb8: {  	[tilespmem:v8+s3+$0x0] =	vst.idx.msk vm0, v10  }
0xb9: {  	s16 =	simm.s32 $0x10;
	[tilespmem:v6+s24+$0x0] =	vst.idx.add.f32.msk vm1, v7  }
0xba: {  	v6 =	vld [tilespmem:s16+$0x14080]  }
0xbb: {  	s17 =	simm.s32 $0x80;
	s15 =	simm.s32 $0x0;
	s19 =	spop (v2sf)  }
.LBB2_8:
0xbc: {  	p0 =	sne.s32 s17, $0x1F00  }
0xbd: {  	s15 =	sadd.s32 s15, s19;
	s19 =	smov.u32 s17;
	s17 =	sadd.s32 $0x40, s17  }
0xbe: {  	v7 =	vmov s15  }
0xbf: {  	v8 =	vsub.s32 v6, v5;
	v7 =	vadd.s32 $0xFFFFFFFF, v7  }
0xc0: {  	vm0 =	vlt.u32 v8, $0x2800;
	v9 =	vand.u32 $0xFFFFFF80, v8  }
0xc1: {  	v10 =	vsel vm0, $0x1, v4;
	(xrf1) =	vunique.msk.u32 vm0, v8  }
0xc2: {  	(xrf0) =	vadd.scan.msk.s32 $0xffff, v10;
	_ =	sdelay $0x4  }
0xc3: {  	v7 =	vbroadcast v7, $0x0  }
0xc4: {  	v10, _, _ =	vpop (xrf0)  }
0xc5: {  	v7 =	vadd.s32 v10, v7;
	(v2sf) =	vpush v10, $0xF  }
0xc6: {  	v10 =	vld [tilespmem:s16+$0x14880];
	_ =	sdelay $0x3  }
0xc7: {  	[tilespmem:v7+s0+$0x0] =	vst.idx.msk vm0, v8  }
0xc8: {  	v6 =	vand.u32 $0x7F, v6;
	[tilespmem:v7+s3+$0x0] =	vst.idx.msk vm0, v10;
	_, v7, vm0 =	vpop (xrf1)  }
0xc9: {  	v6 =	vor.u32 v6, v9;
	_ =	sdelay $0x2  }
0xca: {  	v7 =	vcvt.s32.f32 v7  }
.Ltmp8:
0xcb: {  	(pc) =	sbr.rel @p0 .LBB2_8-.Ltmp8, $3  }
0xcc: {  	s16 =	sshra.s32 s19, $0x2;
	[tilespmem:v6+s24+$0x0] =	vst.idx.add.f32.msk vm0, v7  }
0xcd: {  	v6 =	vld [tilespmem:s16+$0x14080];
	_ =	sdelay $0x1  }
0xce: {  	s19 =	spop (v2sf)  }
0xcf: {  	_ =	sdelay $0x1  }
0xd0: {  	v7 =	vsub.s32 v6, v5  }
0xd1: {  	vm0 =	vlt.u32 v7, $0x2800  }
0xd2: {  	v8 =	vsel vm0, $0x1, v4  }
0xd3: {  	(xrf0) =	vadd.scan.msk.s32 $0xffff, v8;
	_ =	sdelay $0x5  }
0xd4: {  	v8, _, _ =	vpop (xrf0)  }
0xd5: {  	(v2sf) =	vpush v8, $0xF  }
0xd6: {  	(xrf1) =	vunique.msk.u32 vm0, v7;
	_ =	sdelay $0x7  }
0xd7: {  	s15 =	sadd.s32 s15, s19  }
0xd8: {  	v9 =	vmov s15  }
0xd9: {  	v9 =	vadd.s32 $0xFFFFFFFF, v9  }
0xda: {  	v9 =	vbroadcast v9, $0x0;
	_ =	sdelay $0x1  }
0xdb: {  	v8 =	vadd.s32 v8, v9  }
0xdc: {  	v10 =	vld [tilespmem:s16+$0x14880];
	v6 =	vand.u32 $0x7F, v6;
	v59 =	vand.u32 $0xFFFFFF80, v7;
	_, v11, vm1 =	vpop (xrf1);
	s17 =	spop (v2sf)  }
0xdd: {  	v6 =	vor.u32 v6, v59;
	s15 =	sadd.s32 s15, s17  }
0xde: {  	v12 =	vadd.s32 s15, v0  }
0xdf: {  	s17 =	sadd.s32 $0x10, s15;
	vm2 =	vlt.s32 v12, $0x7E0  }
0xe0: {  	[tilespmem:v8+s0+$0x0] =	vst.idx.msk vm0, v7;
	v7 =	vcvt.s32.f32 v11;
	v60 =	vadd.s32 s17, v0  }
0xe1: {  	[tilespmem:v8+s3+$0x0] =	vst.idx.msk vm0, v10;
	s19 =	sadd.s32 $0x20, s15;
	s21 =	sadd.s32 $0x40, s15;
	s17 =	sadd.s32 $0x5F, s15;
	vm3 =	vlt.s32 v60, $0x7E0  }
0xe2: {  	[tilespmem:v6+s24+$0x0] =	vst.idx.add.f32.msk vm1, v7;
	v61 =	vadd.s32 s19, v0;
	v7 =	vadd.s32 s21, v0;
	s22 =	smulhi.u32 $0x2AAAAAAB, s17;
	s21 =	sshra.s32 s17, $0x1F  }
0xe3: {  	s20 =	sadd.s32 $0x30, s15;
	vm10 =	vlt.s32 v61, $0x7E0;
	s19 =	smul.u32 $0x2AAAAAAB, s21  }
0xe4: {  	v6 =	vadd.s32 s20, v0  }
0xe5: {  	s20 =	sadd.s32 $0x50, s15;
	vm11 =	vlt.s32 v6, $0x7E0;
	s16 =	sadd.s32 s19, s22;
	[tilespmem:v12+s3+$0x0] =	vst.idx.msk vm2, v1  }
0xe6: {  	v62 =	vadd.s32 s20, v0;
	s20 =	sshrl.u32 s16, $0x1F;
	s16 =	sshra.s32 s16, $0x4;
	[tilespmem:v12+s0+$0x0] =	vst.idx.msk vm2, v2  }
0xe7: {  	vm12 =	vlt.s32 v7, $0x7E0;
	s22 =	sadd.s32 $0x60, s15;
	s16 =	sadd.s32 s20, s16;
	[tilespmem:v60+s3+$0x0] =	vst.idx.msk vm3, v1  }
0xe8: {  	v63 =	vadd.s32 s22, v0;
	s22 =	smul.u32 $0xFFFFFFA0, s16;
	[tilespmem:v60+s0+$0x0] =	vst.idx.msk vm3, v2  }
0xe9: {  	vm13 =	vlt.s32 v62, $0x7E0;
	s21 =	sadd.s32 $0x70, s15;
	s15 =	ssub.s32 $0xFFFFFFA1, s15;
	[tilespmem:v61+s3+$0x0] =	vst.idx.msk vm10, v1  }
0xea: {  	p0 =	slt.s32 s17, $0x1;
	p1 =	sne.s32 s22, s15;
	[tilespmem:v61+s0+$0x0] =	vst.idx.msk vm10, v2  }
0xeb: {  	vm14 =	vlt.s32 v63, $0x7E0;
	p0 =	por !p0, !p1;
	[tilespmem:v6+s3+$0x0] =	vst.idx.msk vm11, v1  }
0xec: {  	s15 =	simm.s32 $0x1;
	p0 =	por !p0, !p0;
	[tilespmem:v6+s0+$0x0] =	vst.idx.msk vm11, v2;
	v6 =	vadd.s32 s21, v0  }
0xed: {  	s15 =	simm.s32 @!p0 $0x0;
	[tilespmem:v7+s3+$0x0] =	vst.idx.msk vm12, v1;
	vm15 =	vlt.s32 v6, $0x7E0  }
0xee: {  	s15 =	ssub.s32 s16, s15;
	[tilespmem:v7+s0+$0x0] =	vst.idx.msk vm12, v2  }
0xef: {  	p0 =	slt.s32 s15, $0x1;
	[tilespmem:v62+s3+$0x0] =	vst.idx.msk vm13, v1  }
.Ltmp9:
0xf0: {  	[tilespmem:v62+s0+$0x0] =	vst.idx.msk vm13, v2;
	(pc) =	sbr.rel @p0 .LBB2_12-.Ltmp9, $4  }
0xf1: {  	[tilespmem:v63+s3+$0x0] =	vst.idx.msk vm14, v1  }
0xf2: {  	[tilespmem:v63+s0+$0x0] =	vst.idx.msk vm14, v2  }
0xf3: {  	[tilespmem:v6+s3+$0x0] =	vst.idx.msk vm15, v1  }
0xf4: {  	[tilespmem:v6+s0+$0x0] =	vst.idx.msk vm15, v2  }
0xf5: {  	[tilespmem:s28], [sflag:$0x1] =	stream.indirect.gather [hbm4b:s5+s8], $0x80, s3, s8, $0xb8;
	[tilespmem:$0x1E880] =	vst v63  }
0xf6: {  	s16 =	simm.s32 $0x0  }
.LBB2_11:
0xf7: {  	s17 =	sand.u32 $0x1, s16  }
0xf8: {  	p0 =	seq.s32 s17, $0x1  }
0xf9: {  	s17 =	sadd.s32 @p0 $0x1, s16  }
0xfa: {  	p1 =	sge.s32 @p0 s17, s15  }
0xfb: {  	s19 =	simm.s32 @p0 $0x2;
	p1 =	por p1, !p0  }
0xfc: {  	_ =	swait.ge @p0 [sflag:s19], $0x3000;
	s20 =	smul.u32 @!p1 $0x180, s17  }
0xfd: {  	[sflag:s19] =	ssyncset.done @p0 $0x0  }
0xfe: {  	s22 =	smul.u32 @p0 $0x180, s16;
	[sflag:s19] =	ssyncadd.s32 @p0 $0xFFFFD000;
	s20 =	sshra.s32 @!p1 s20, $0x2  }
0xff: {  	s21 =	simm.s32 @!p1 $0x16080;
	s19 =	sadd.s32 @!p1 $0x15080, s20;
	s20 =	simm.s32 @!p1 $0x60  }
0x100: {  	[tilespmem:s21], [sflag:$0x1] =	stream.indirect.gather @!p1 [hbm4b:s5+s20], $0x80, s19, s20, $0xb8;
	[tilespmem:$0x1E880] =	vst v63  }
0x101: {  	s19 =	sshra.s32 @p0 s22, $0x2  }
0x102: {  	s20 =	simm.s32 @p0 $0x60;
	s21 =	simm.s32 @p0 $0x19080;
	s19 =	sadd.s32 @p0 $0x15880, s19  }
0x103: {  	[spmem:s2] =	stream.indirect.scatter.add.f32 @p0 [tilespmem:s21], [sflag:$0x3], $0x80, s19, s20, $0xb8;
	[tilespmem:$0x1E880] =	vst v63  }
0x104: {  	s19 =	simm.s32 @p0 $0x3;
	s20 =	sor.u32 @!p0 $0x1, s16;
	s16 =	smul.u32 @!p0 $0x180, s16  }
0x105: {  	_ =	swait.ge @p0 [sflag:s19], $0x3000;
	p1 =	sge.s32 @!p0 s20, s15  }
0x106: {  	[sflag:s19] =	ssyncset.done @p0 $0x0;
	p1 =	por p1, p0;
	s16 =	sshra.s32 @!p0 s16, $0x2  }
0x107: {  	[sflag:s19] =	ssyncadd.s32 @p0 $0xFFFFD000;
	s19 =	simm.s32 @!p0 $0x1;
	s21 =	smul.u32 @!p1 $0x180, s20  }
0x108: {  	s22 =	simm.s32 @!p1 $0x19080;
	s16 =	sadd.s32 @!p0 $0x15880, s16;
	_ =	swait.ge @!p0 [sflag:s19], $0x3000  }
0x109: {  	s20 =	smov.u32 @p0 s17;
	[sflag:s19] =	ssyncset.done @!p0 $0x0;
	s21 =	sshra.s32 @!p1 s21, $0x2  }
0x10a: {  	[sflag:s19] =	ssyncadd.s32 @!p0 $0xFFFFD000;
	s19 =	sadd.s32 @!p1 $0x15080, s21;
	s21 =	simm.s32 @!p1 $0x60  }
0x10b: {  	[tilespmem:s22], [sflag:$0x2] =	stream.indirect.gather @!p1 [hbm4b:s5+s21], $0x80, s19, s21, $0xb8;
	[tilespmem:$0x1E880] =	vst v63  }
0x10c: {  	s19 =	simm.s32 @!p0 $0x60;
	s21 =	simm.s32 @!p0 $0x16080;
	p1 =	sne.s32 s20, s15  }
0x10d: {  	[spmem:s2] =	stream.indirect.scatter.add.f32 @!p0 [tilespmem:s21], [sflag:$0x4], $0x80, s16, s19, $0xb8;
	[tilespmem:$0x1E880] =	vst v63  }
.Ltmp10:
0x10e: {  	_ = 	snop;
	(pc) =	sbr.rel @p1 .LBB2_11-.Ltmp10, $4  }
0x10f: {  	s16 =	simm.s32 @!p0 $0x4  }
0x110: {  	_ =	swait.ge @!p0 [sflag:s16], $0x3000  }
0x111: {  	[sflag:s16] =	ssyncset.done @!p0 $0x0  }
0x112: {  	[sflag:s16] =	ssyncadd.s32 @!p0 $0xFFFFD000;
	s16 =	smov.u32 s20  }
.Ltmp11:
0x113: {  	_ = 	snop;
	(pc) =	sbr.rel .LBB2_12-.Ltmp11, $1  }
0x114: {  	_ =	sdelay $0x3  }
.LBB2_15:
0x115: {  	_ =	sfence.sel $0x180000  }
0x116: {  	[bflag:$0x0] =	sbarrier.arrive $0xFFFF  }
0x117: {  	_ =	strace $0x9000004A  }
0x118: {  	s0 =	stileid.u32;
	[bflag:$0x2] =	sbarrier.arrive $0xFFFF  }
0x119: {  	p0 =	sne.s32 s0, $0x0;
	s0 =	rddreg [dreg:$0x3]  }
0x11a: {  	s0 =	sadd.s32 @!p0 $0x100000, s0  }
0x11b: {  	[sflag:s0] =	ssyncadd.tile.s32 @!p0 $0x1;
	_ =	shalt  }
.Lfunc_end2:
_tile_overlayer_lowered:
.L_overlay_start_2:
0x11c: {  	(tag) =	ssettag $0x2  }
0x11d: {  	s0 =	rddreg [dreg:$0x0];
	s2 =	stileid.u32  }
0x11e: {  	s1 =	rddreg [dreg:$0x1];
	p0 =	sne.s32 s2, $0x0  }
0x11f: {  	s3 =	rddreg [dreg:$0x2];
	[bflag:$0x3] =	sbarrier.arrive $0xFFFF;
	s2 =	simm.s32 @!p0 $0x1C03  }
0x120: {  	[timem:s3], [sflag:s2] =	dma.local @!p0 [hbm:s0], s1  }
0x121: {  	s0 =	simm.s32 @!p0 $0x3  }
0x122: {  	_ =	swait.ge @!p0 [sflag:s0], s1  }
0x123: {  	s1 =	ssub.s32 @!p0 $0x0, s1;
	[sflag:s0] =	ssyncset.done @!p0 $0x0  }
0x124: {  	[sflag:s0] =	ssyncadd.s32 @!p0 s1  }
0x125: {  	[bflag:$0x3] =	sbarrier.arrive $0xFFFF  }
0x126: {  	_ =	shalt  }

</sc_bundles>
